<compile_context>
chip_gen: v7x
topology: tpu7x:2x2x1
jax: 0.10.2.dev20260603
libtpu: 0.0.44.dev20260713+nightly
codegen_flags: <defaults>
</compile_context>

<pallas_src>
import functools

import jax
import jax.numpy as jnp
from jax import lax
from jax.experimental import pallas as pl
from jax.experimental.pallas import tpu as pltpu

N = 4096
E = 131072
HID = 128
OUT = 128

BI = 512
BJ = 512
NI = N // BI
NJ = N // BJ

_pallas_call = pl.pallas_call

_DOT = functools.partial(lax.dot_general, preferred_element_type=jnp.float32)


def _dot_nt(a, b):
    return _DOT(a, b, dimension_numbers=(((1,), (1,)), ((), ())))


def _dot_nn(a, b):
    return _DOT(a, b, dimension_numbers=(((1,), (0,)), ((), ())))




def _build_count_matrix(edge_index):
    src = edge_index[0]
    dst = edge_index[1]
    flat = dst.astype(jnp.int32) * N + src.astype(jnp.int32)
    c = jnp.zeros((N * N,), jnp.float32).at[flat].add(1.0)
    loop = jnp.arange(N, dtype=jnp.int32)
    c = c.at[loop * N + loop].add(1.0)
    return c.reshape(N, N)




def _gat_pre_kernel(h_ref, w_ref, asrc_ref, adst_ref,
                    xp_ref, s_nh_ref, d_nh_ref, s_t_ref, *, heads):
    h = h_ref[...]
    xp = _dot_nt(h, w_ref[...])
    xp_ref[...] = xp
    for hh in range(heads):
        xph = xp[:, hh * 128:(hh + 1) * 128]
        a_s = jnp.sum(xph * asrc_ref[hh, :][None, :], axis=1, keepdims=True)
        a_d = jnp.sum(xph * adst_ref[hh, :][None, :], axis=1, keepdims=True)
        s_nh_ref[:, hh:hh + 1] = a_s
        d_nh_ref[:, hh:hh + 1] = a_d
        s_t_ref[hh:hh + 1, :] = _dot_nt(asrc_ref[hh:hh + 1, :], xph)


def _gat_pre(h, w, asrc, adst, heads):
    dout = heads * 128
    din = h.shape[1]
    return _pallas_call(
        functools.partial(_gat_pre_kernel, heads=heads),
        grid=(NI,),
        in_specs=[
            pl.BlockSpec((BI, din), lambda i: (i, 0)),
            pl.BlockSpec((dout, din), lambda i: (0, 0)),
            pl.BlockSpec((heads, 128), lambda i: (0, 0)),
            pl.BlockSpec((heads, 128), lambda i: (0, 0)),
        ],
        out_specs=[
            pl.BlockSpec((BI, dout), lambda i: (i, 0)),
            pl.BlockSpec((BI, heads), lambda i: (i, 0)),
            pl.BlockSpec((BI, heads), lambda i: (i, 0)),
            pl.BlockSpec((heads, BI), lambda i: (0, i)),
        ],
        out_shape=[
            jax.ShapeDtypeStruct((N, dout), jnp.float32),
            jax.ShapeDtypeStruct((N, heads), jnp.float32),
            jax.ShapeDtypeStruct((N, heads), jnp.float32),
            jax.ShapeDtypeStruct((heads, N), jnp.float32),
        ],
    )(h, w, asrc, adst)




def _gat_flash_kernel(c_ref, xp_ref, s_nh_ref, d_nh_ref, s_t_ref,
                      b_ref, g_ref, beta_ref, res_ref,
                      out_ref, acc_ref, den_ref,
                      *, heads, do_elu, do_res):
    j = pl.program_id(1)

    @pl.when(j == 0)
    def _init():
        acc_ref[...] = jnp.zeros_like(acc_ref)
        den_ref[...] = jnp.zeros_like(den_ref)

    cb = c_ref[...]
    s_full = s_nh_ref[...]
    s_max = jnp.max(s_full, axis=0, keepdims=True)
    d_blk = d_nh_ref[...]
    zsum = d_blk + s_max
    m_blk = jnp.where(zsum > 0, zsum, 0.2 * zsum)
    u = jnp.exp(d_blk - m_blk)
    p2 = jnp.exp(0.2 * d_blk - m_blk)
    s_t = s_t_ref[...]
    xp = xp_ref[...]

    for hh in range(heads):
        srow = s_t[hh:hh + 1, :]
        z = d_blk[:, hh:hh + 1] + srow
        pos = u[:, hh:hh + 1] * jnp.exp(srow)
        neg = p2[:, hh:hh + 1] * jnp.exp(0.2 * srow)
        p = cb * jnp.where(z > 0, pos, neg)
        acc_ref[:, hh * 128:(hh + 1) * 128] += _dot_nn(
            p, xp[:, hh * 128:(hh + 1) * 128])
        den_ref[:, hh:hh + 1] += jnp.sum(p, axis=1, keepdims=True)

    @pl.when(j == NJ - 1)
    def _epilogue():
        cols = []
        for hh in range(heads):
            o = acc_ref[:, hh * 128:(hh + 1) * 128]
            o = o / (den_ref[:, hh:hh + 1] + 1e-16)
            cols.append(o)
        o = jnp.concatenate(cols, axis=1) if heads > 1 else cols[0]
        o = o + b_ref[...]
        if do_elu:
            o = jnp.where(o > 0, o, jnp.exp(jnp.minimum(o, 0.0)) - 1.0)
        mu = jnp.mean(o, axis=1, keepdims=True)
        ctr = o - mu
        var = jnp.mean(ctr * ctr, axis=1, keepdims=True)
        o = ctr * lax.rsqrt(var + 1e-5) * g_ref[...] + beta_ref[...]
        if do_res:
            o = o + res_ref[...]
        out_ref[...] = o


def _gat_flash(c, xp, s_nh, d_nh, s_t, b, g, beta, res, heads, do_elu, do_res):
    dout = heads * 128
    return _pallas_call(
        functools.partial(_gat_flash_kernel, heads=heads,
                          do_elu=do_elu, do_res=do_res),
        grid=(NI, NJ),
        in_specs=[
            pl.BlockSpec((BI, BJ), lambda i, j: (i, j)),
            pl.BlockSpec((BJ, dout), lambda i, j: (j, 0)),
            pl.BlockSpec((N, heads), lambda i, j: (0, 0)),
            pl.BlockSpec((BI, heads), lambda i, j: (i, 0)),
            pl.BlockSpec((heads, BJ), lambda i, j: (0, j)),
            pl.BlockSpec((1, dout), lambda i, j: (0, 0)),
            pl.BlockSpec((1, dout), lambda i, j: (0, 0)),
            pl.BlockSpec((1, dout), lambda i, j: (0, 0)),
            pl.BlockSpec((BI, dout), lambda i, j: (i, 0)),
        ],
        out_specs=pl.BlockSpec((BI, dout), lambda i, j: (i, 0)),
        out_shape=jax.ShapeDtypeStruct((N, dout), jnp.float32),
        scratch_shapes=[
            pltpu.VMEM((BI, dout), jnp.float32),
            pltpu.VMEM((BI, heads), jnp.float32),
        ],
        compiler_params=pltpu.CompilerParams(
            dimension_semantics=("parallel", "arbitrary")),
    )(c, xp, s_nh, d_nh, s_t, b, g, beta, res)


def _gat_layer(h, c, w, asrc, adst, b, g, beta, res, heads, do_elu, do_res):
    xp, s_nh, d_nh, s_t = _gat_pre(h, w, asrc, adst, heads)
    dout = heads * 128
    b2 = b.reshape(1, dout)
    g2 = g.reshape(1, dout)
    beta2 = beta.reshape(1, dout)
    if res is None:
        res = jnp.zeros((N, dout), jnp.float32)
    return _gat_flash(c, xp, s_nh, d_nh, s_t, b2, g2, beta2, res,
                      heads, do_elu, do_res)




def _qkv_kernel(h_ref, wq_ref, bq_ref, wk_ref, bk_ref, wv_ref, bv_ref,
                q_ref, k_ref, v_ref):
    h = h_ref[...]
    q_ref[...] = _dot_nt(h, wq_ref[...]) + bq_ref[...]
    k_ref[...] = _dot_nt(h, wk_ref[...]) + bk_ref[...]
    v_ref[...] = _dot_nt(h, wv_ref[...]) + bv_ref[...]


def _qkv(h, wq, bq, wk, bk, wv, bv):
    full = lambda i: (0, 0)
    return _pallas_call(
        _qkv_kernel,
        grid=(NI,),
        in_specs=[
            pl.BlockSpec((BI, OUT), lambda i: (i, 0)),
            pl.BlockSpec((OUT, OUT), full),
            pl.BlockSpec((1, OUT), full),
            pl.BlockSpec((OUT, OUT), full),
            pl.BlockSpec((1, OUT), full),
            pl.BlockSpec((OUT, OUT), full),
            pl.BlockSpec((1, OUT), full),
        ],
        out_specs=[pl.BlockSpec((BI, OUT), lambda i: (i, 0))] * 3,
        out_shape=[jax.ShapeDtypeStruct((N, OUT), jnp.float32)] * 3,
    )(h, wq, bq.reshape(1, OUT), wk, bk.reshape(1, OUT),
      wv, bv.reshape(1, OUT))


_NEG = -1e30


def _mha_kernel(q_ref, k_ref, v_ref, wo_ref, bo_ref, out_ref,
                m_ref, l_ref, acc_ref):
    j = pl.program_id(1)

    @pl.when(j == 0)
    def _init():
        m_ref[...] = jnp.full_like(m_ref, _NEG)
        l_ref[...] = jnp.zeros_like(l_ref)
        acc_ref[...] = jnp.zeros_like(acc_ref)

    q = q_ref[...] * 0.25
    k = k_ref[...]
    v = v_ref[...]
    for hh in range(8):
        sl = slice(hh * 16, (hh + 1) * 16)
        s = _dot_nt(q[:, sl], k[:, sl])
        m_old = m_ref[:, hh:hh + 1]
        m_new = jnp.maximum(m_old, jnp.max(s, axis=1, keepdims=True))
        alpha = jnp.exp(m_old - m_new)
        p = jnp.exp(s - m_new)
        m_ref[:, hh:hh + 1] = m_new
        l_ref[:, hh:hh + 1] = l_ref[:, hh:hh + 1] * alpha + jnp.sum(
            p, axis=1, keepdims=True)
        acc_ref[:, sl] = acc_ref[:, sl] * alpha + _dot_nn(p, v[:, sl])

    @pl.when(j == NJ - 1)
    def _epilogue():
        cols = []
        for hh in range(8):
            sl = slice(hh * 16, (hh + 1) * 16)
            cols.append(acc_ref[:, sl] / l_ref[:, hh:hh + 1])
        o = jnp.concatenate(cols, axis=1)
        out_ref[...] = _dot_nt(o, wo_ref[...]) + bo_ref[...]


def _mha(q, k, v, wo, bo):
    return _pallas_call(
        _mha_kernel,
        grid=(NI, NJ),
        in_specs=[
            pl.BlockSpec((BI, OUT), lambda i, j: (i, 0)),
            pl.BlockSpec((BJ, OUT), lambda i, j: (j, 0)),
            pl.BlockSpec((BJ, OUT), lambda i, j: (j, 0)),
            pl.BlockSpec((OUT, OUT), lambda i, j: (0, 0)),
            pl.BlockSpec((1, OUT), lambda i, j: (0, 0)),
        ],
        out_specs=pl.BlockSpec((BI, OUT), lambda i, j: (i, 0)),
        out_shape=jax.ShapeDtypeStruct((N, OUT), jnp.float32),
        scratch_shapes=[
            pltpu.VMEM((BI, 8), jnp.float32),
            pltpu.VMEM((BI, 8), jnp.float32),
            pltpu.VMEM((BI, OUT), jnp.float32),
        ],
        compiler_params=pltpu.CompilerParams(
            dimension_semantics=("parallel", "arbitrary")),
    )(q, k, v, wo, bo.reshape(1, OUT))




def kernel(x, edge_index, W0, att_src0, att_dst0, b0, W1, att_src1, att_dst1,
           b1, W2, att_src2, att_dst2, b2, ln0_g, ln0_b, ln1_g, ln1_b,
           ln2_g, ln2_b, wq, bq, wk, bk, wv, bv, wo, bo):
    c = _build_count_matrix(edge_index)
    h = _gat_layer(x, c, W0, att_src0, att_dst0, b0, ln0_g, ln0_b,
                   None, heads=4, do_elu=True, do_res=False)
    h = _gat_layer(h, c, W1, att_src1, att_dst1, b1, ln1_g, ln1_b,
                   h, heads=4, do_elu=True, do_res=True)
    h = _gat_layer(h, c, W2, att_src2, att_dst2, b2, ln2_g, ln2_b,
                   None, heads=1, do_elu=False, do_res=False)
    q, k, v = _qkv(h, wq, bq, wk, bk, wv, bv)
    return _mha(q, k, v, wo, bo)

# --- scband reference (transcript-rebuilt; emitter-appended) ---
"""Pipeline reference for scband-enhanced-gnnencoder-12249246728352 (READ-ONLY COPY).

The authoritative reference and input builder live on the scoring server;
editing this copy changes nothing except your own understanding.
"""

import jax, jax.numpy as jnp
import numpy as np

N = 4096
E = 131072
D_IN = 128
HID = 128
OUT = 128


def setup_inputs(seed: int = 0) -> dict:
    key = jax.random.key(seed)
    ks = jax.random.split(key, 40)

    def nrm(i, shp, s=0.05):
        return jax.random.normal(ks[i], shp, dtype=jnp.float32) * s

    inp = {}
    inp["x"] = jax.random.normal(ks[0], (N, D_IN), dtype=jnp.float32)
    inp["edge_index"] = jax.random.randint(ks[1], (2, E), 0, N, dtype=jnp.int32)
    # GAT layer 0: in=128, heads=4, out-per-head=128 -> 512
    inp["W0"] = nrm(2, (4 * HID, D_IN))
    inp["att_src0"] = nrm(3, (4, HID))
    inp["att_dst0"] = nrm(4, (4, HID))
    inp["b0"] = jnp.zeros((4 * HID,), jnp.float32)
    # GAT layer 1: in=512, heads=4, out-per-head=128 -> 512
    inp["W1"] = nrm(5, (4 * HID, 4 * HID))
    inp["att_src1"] = nrm(6, (4, HID))
    inp["att_dst1"] = nrm(7, (4, HID))
    inp["b1"] = jnp.zeros((4 * HID,), jnp.float32)
    # GAT layer 2: in=512, heads=1, out=128
    inp["W2"] = nrm(8, (OUT, 4 * HID))
    inp["att_src2"] = nrm(9, (1, OUT))
    inp["att_dst2"] = nrm(10, (1, OUT))
    inp["b2"] = jnp.zeros((OUT,), jnp.float32)
    # LayerNorms
    inp["ln0_g"] = jnp.ones((4 * HID,), jnp.float32)
    inp["ln0_b"] = jnp.zeros((4 * HID,), jnp.float32)
    inp["ln1_g"] = jnp.ones((4 * HID,), jnp.float32)
    inp["ln1_b"] = jnp.zeros((4 * HID,), jnp.float32)
    inp["ln2_g"] = jnp.ones((OUT,), jnp.float32)
    inp["ln2_b"] = jnp.zeros((OUT,), jnp.float32)
    # MultiHeadAttention (d_model=128, heads=8)
    inp["wq"] = nrm(11, (OUT, OUT)); inp["bq"] = jnp.zeros((OUT,), jnp.float32)
    inp["wk"] = nrm(12, (OUT, OUT)); inp["bk"] = jnp.zeros((OUT,), jnp.float32)
    inp["wv"] = nrm(13, (OUT, OUT)); inp["bv"] = jnp.zeros((OUT,), jnp.float32)
    inp["wo"] = nrm(14, (OUT, OUT)); inp["bo"] = jnp.zeros((OUT,), jnp.float32)
    return inp


def _gat(x, src, dst, W, a_src, a_dst, b, H, C, n):
    # x' = W x, per-head attention a = LeakyReLU(a_src.x_j + a_dst.x_i), softmax over incoming edges
    xp = (x @ W.T).reshape(n, H, C)
    a_s = jnp.sum(xp * a_src[None, :, :], axis=-1)  # [n, H]
    a_d = jnp.sum(xp * a_dst[None, :, :], axis=-1)  # [n, H]
    alpha = a_s[src] + a_d[dst]                     # [e, H]
    alpha = jax.nn.leaky_relu(alpha, 0.2)
    m = jax.ops.segment_max(alpha, dst, num_segments=n)
    m = jnp.where(jnp.isfinite(m), m, 0.0)
    ea = jnp.exp(alpha - m[dst])
    den = jax.ops.segment_sum(ea, dst, num_segments=n)
    att = ea / (den[dst] + 1e-16)
    msg = xp[src] * att[:, :, None]                 # [e, H, C]
    out = jax.ops.segment_sum(msg, dst, num_segments=n)
    return out.reshape(n, H * C) + b[None, :]


def _ln(x, g, b):
    mu = jnp.mean(x, axis=-1, keepdims=True)
    var = jnp.var(x, axis=-1, keepdims=True)
    return (x - mu) / jnp.sqrt(var + 1e-5) * g + b


def _forward(x, W0, att_src0, att_dst0, b0, W1, att_src1, att_dst1, b1,
             W2, att_src2, att_dst2, b2, ln0_g, ln0_b, ln1_g, ln1_b, ln2_g, ln2_b,
             wq, bq, wk, bk, wv, bv, wo, bo, edge_index):
    n = x.shape[0]
    # GATConv adds self loops by default
    loop = jnp.arange(n, dtype=edge_index.dtype)
    src = jnp.concatenate([edge_index[0], loop])
    dst = jnp.concatenate([edge_index[1], loop])
    # layer 0 (no residual: 128 != 512)
    h = _gat(x, src, dst, W0, att_src0, att_dst0, b0, 4, HID, n)
    h = jax.nn.elu(h)
    h = _ln(h, ln0_g, ln0_b)
    # layer 1 (residual: 512 == 512)
    res = h
    h = _gat(h, src, dst, W1, att_src1, att_dst1, b1, 4, HID, n)
    h = jax.nn.elu(h)
    h = _ln(h, ln1_g, ln1_b)
    h = h + res
    # layer 2 (heads=1, no elu)
    h = _gat(h, src, dst, W2, att_src2, att_dst2, b2, 1, OUT, n)
    h = _ln(h, ln2_g, ln2_b)
    # multi-head self-attention over all nodes (batch = 1)
    H8 = 8
    dk = OUT // H8
    q = (h @ wq.T + bq).reshape(n, H8, dk).transpose(1, 0, 2)
    k = (h @ wk.T + bk).reshape(n, H8, dk).transpose(1, 0, 2)
    v = (h @ wv.T + bv).reshape(n, H8, dk).transpose(1, 0, 2)
    scores = jnp.einsum('hnd,hmd->hnm', q, k) / np.sqrt(dk)
    w = jax.nn.softmax(scores, axis=-1)
    o = jnp.einsum('hnm,hmd->hnd', w, v)
    o = o.transpose(1, 0, 2).reshape(n, OUT)
    return o @ wo.T + bo


def reference(x, edge_index, W0, att_src0, att_dst0, b0, W1, att_src1, att_dst1, b1,
              W2, att_src2, att_dst2, b2, ln0_g, ln0_b, ln1_g, ln1_b, ln2_g, ln2_b,
              wq, bq, wk, bk, wv, bv, wo, bo):
    return _forward(x, W0, att_src0, att_dst0, b0, W1, att_src1, att_dst1, b1,
                    W2, att_src2, att_dst2, b2, ln0_g, ln0_b, ln1_g, ln1_b,
                    ln2_g, ln2_b, wq, bq, wk, bk, wv, bv, wo, bo, edge_index)

if __name__ == "__main__":
    import jax
    _d = setup_inputs()
    print(jax.jit(kernel)(*tuple(_d.values())))

</pallas_src>

<mosaic_0001>
module attributes {stable_mosaic.version = 14 : i64} {
  func.func @_gat_pre_kernel(%arg0: i32, %arg1: memref<512x128xf32, #tpu.memory_space<vmem>>, %arg2: memref<512x128xf32, #tpu.memory_space<vmem>>, %arg3: memref<4x128xf32, #tpu.memory_space<vmem>>, %arg4: memref<4x128xf32, #tpu.memory_space<vmem>>, %arg5: memref<512x512xf32, #tpu.memory_space<vmem>>, %arg6: memref<512x4xf32, #tpu.memory_space<vmem>>, %arg7: memref<512x4xf32, #tpu.memory_space<vmem>>, %arg8: memref<4x512xf32, #tpu.memory_space<vmem>>) attributes {dimension_semantics = [#tpu.dimension_semantics<arbitrary>], iteration_bounds = array<i64: 8>, scalar_prefetch = 0 : i64, scratch_operands = 0 : i64, tpu.core_type = #tpu.core_type<tc>, window_params = [{transform_indices = @transform_0, window_bounds = array<i64: 512, 128>}, {pipeline_mode = #tpu.pipeline_mode<synchronous>, transform_indices = @transform_1, window_bounds = array<i64: 512, 128>}, {pipeline_mode = #tpu.pipeline_mode<synchronous>, transform_indices = @transform_2, window_bounds = array<i64: 4, 128>}, {pipeline_mode = #tpu.pipeline_mode<synchronous>, transform_indices = @transform_3, window_bounds = array<i64: 4, 128>}, {transform_indices = @transform_4, window_bounds = array<i64: 512, 512>}, {transform_indices = @transform_5, window_bounds = array<i64: 512, 4>}, {transform_indices = @transform_6, window_bounds = array<i64: 512, 4>}, {transform_indices = @transform_7, window_bounds = array<i64: 4, 512>}]} {
    %get3A = arith.constant 0 : index
    %get3A_0 = arith.constant 0 : index
    %get3A_1 = vector.load %arg1[%get3A, %get3A_0] : memref<512x128xf32, #tpu.memory_space<vmem>>, vector<512x128xf32>
    %get3A_2 = arith.constant 0 : index
    %get3A_3 = arith.constant 0 : index
    %get3A_4 = vector.load %arg2[%get3A_2, %get3A_3] : memref<512x128xf32, #tpu.memory_space<vmem>>, vector<512x128xf32>
    %dot_general3A = arith.constant dense<0.000000e+00> : vector<512x512xf32>
    %dot_general3A_5 = tpu.matmul %get3A_1, %get3A_4, %dot_general3A {dimension_numbers = #tpu.dot_dimension_numbers<[1], [1], [0], [0], [0, 0, 1, 0], [], []>, transpose_lhs_hint = false} : vector<512x128xf32>, vector<512x128xf32>, vector<512x512xf32> -> vector<512x512xf32>
    %swap3A = arith.constant 0 : index
    %swap3A_6 = arith.constant 0 : index
    %swap3A_7 = vector.load %arg5[%swap3A, %swap3A_6] : memref<512x512xf32, #tpu.memory_space<vmem>>, vector<512x512xf32>
    tpu.vector_store %arg5[%swap3A, %swap3A_6], %dot_general3A_5 {strides = array<i32>} : memref<512x512xf32, #tpu.memory_space<vmem>>, vector<512x512xf32>,
    %slice3A = vector.extract_strided_slice %dot_general3A_5 {offsets = [0, 0], sizes = [512, 128], strides = [1, 1]} : vector<512x512xf32> to vector<512x128xf32>
    %get3A_8 = arith.constant 0 : index
    %get3A_9 = arith.constant 0 : index
    %get3A_10 = vector.load %arg3[%get3A_8, %get3A_9] : memref<4x128xf32, #tpu.memory_space<vmem>>, vector<1x128xf32>
    %get3A_11 = vector.shape_cast %get3A_10 : vector<1x128xf32> to vector<128xf32>
    %broadcast_in_dim3A = vector.shape_cast %get3A_11 : vector<128xf32> to vector<1x128xf32>
    %mul3A = vector.broadcast %broadcast_in_dim3A : vector<1x128xf32> to vector<512x128xf32>
    %mul3A_12 = arith.mulf %slice3A, %mul3A : vector<512x128xf32>
    %reduce_sum3A = arith.constant dense<0.000000e+00> : vector<512xf32>
    %reduce_sum3A_13 = vector.multi_reduction <add>, %mul3A_12, %reduce_sum3A [1] : vector<512x128xf32> to vector<512xf32>
    %broadcast_in_dim3A_14 = vector.shape_cast %reduce_sum3A_13 : vector<512xf32> to vector<512x1xf32>
    %get3A_15 = arith.constant 0 : index
    %get3A_16 = arith.constant 0 : index
    %get3A_17 = vector.load %arg4[%get3A_15, %get3A_16] : memref<4x128xf32, #tpu.memory_space<vmem>>, vector<1x128xf32>
    %get3A_18 = vector.shape_cast %get3A_17 : vector<1x128xf32> to vector<128xf32>
    %broadcast_in_dim3A_19 = vector.shape_cast %get3A_18 : vector<128xf32> to vector<1x128xf32>
    %mul3A_20 = vector.broadcast %broadcast_in_dim3A_19 : vector<1x128xf32> to vector<512x128xf32>
    %mul3A_21 = arith.mulf %slice3A, %mul3A_20 : vector<512x128xf32>
    %reduce_sum3A_22 = arith.constant dense<0.000000e+00> : vector<512xf32>
    %reduce_sum3A_23 = vector.multi_reduction <add>, %mul3A_21, %reduce_sum3A_22 [1] : vector<512x128xf32> to vector<512xf32>
    %broadcast_in_dim3A_24 = vector.shape_cast %reduce_sum3A_23 : vector<512xf32> to vector<512x1xf32>
    %swap3A_25 = arith.constant 0 : index
    %swap3A_26 = arith.constant 0 : index
    %swap3A_27 = vector.load %arg6[%swap3A_25, %swap3A_26] : memref<512x4xf32, #tpu.memory_space<vmem>>, vector<512x1xf32>
    tpu.vector_store %arg6[%swap3A_25, %swap3A_26], %broadcast_in_dim3A_14 {strides = array<i32>} : memref<512x4xf32, #tpu.memory_space<vmem>>, vector<512x1xf32>,
    %swap3A_28 = arith.constant 0 : index
    %swap3A_29 = arith.constant 0 : index
    %swap3A_30 = vector.load %arg7[%swap3A_28, %swap3A_29] : memref<512x4xf32, #tpu.memory_space<vmem>>, vector<512x1xf32>
    tpu.vector_store %arg7[%swap3A_28, %swap3A_29], %broadcast_in_dim3A_24 {strides = array<i32>} : memref<512x4xf32, #tpu.memory_space<vmem>>, vector<512x1xf32>,
    %get3A_31 = arith.constant 0 : index
    %get3A_32 = arith.constant 0 : index
    %get3A_33 = vector.load %arg3[%get3A_31, %get3A_32] : memref<4x128xf32, #tpu.memory_space<vmem>>, vector<1x128xf32>
    %dot_general3A_34 = arith.constant dense<0.000000e+00> : vector<1x512xf32>
    %dot_general3A_35 = tpu.matmul %get3A_33, %slice3A, %dot_general3A_34 {dimension_numbers = #tpu.dot_dimension_numbers<[1], [1], [0], [0], [0, 0, 1, 0], [], []>, transpose_lhs_hint = false} : vector<1x128xf32>, vector<512x128xf32>, vector<1x512xf32> -> vector<1x512xf32>
    %swap3A_36 = arith.constant 0 : index
    %swap3A_37 = arith.constant 0 : index
    %swap3A_38 = vector.load %arg8[%swap3A_36, %swap3A_37] : memref<4x512xf32, #tpu.memory_space<vmem>>, vector<1x512xf32>
    tpu.vector_store %arg8[%swap3A_36, %swap3A_37], %dot_general3A_35 {strides = array<i32>} : memref<4x512xf32, #tpu.memory_space<vmem>>, vector<1x512xf32>,
    %slice3A_39 = vector.extract_strided_slice %dot_general3A_5 {offsets = [0, 128], sizes = [512, 128], strides = [1, 1]} : vector<512x512xf32> to vector<512x128xf32>
    %get3A_40 = arith.constant 1 : index
    %get3A_41 = arith.constant 0 : index
    %get3A_42 = vector.load %arg3[%get3A_40, %get3A_41] : memref<4x128xf32, #tpu.memory_space<vmem>>, vector<1x128xf32>
    %get3A_43 = vector.shape_cast %get3A_42 : vector<1x128xf32> to vector<128xf32>
    %broadcast_in_dim3A_44 = vector.shape_cast %get3A_43 : vector<128xf32> to vector<1x128xf32>
    %mul3A_45 = vector.broadcast %broadcast_in_dim3A_44 : vector<1x128xf32> to vector<512x128xf32>
    %mul3A_46 = arith.mulf %slice3A_39, %mul3A_45 : vector<512x128xf32>
    %reduce_sum3A_47 = arith.constant dense<0.000000e+00> : vector<512xf32>
    %reduce_sum3A_48 = vector.multi_reduction <add>, %mul3A_46, %reduce_sum3A_47 [1] : vector<512x128xf32> to vector<512xf32>
    %broadcast_in_dim3A_49 = vector.shape_cast %reduce_sum3A_48 : vector<512xf32> to vector<512x1xf32>
    %get3A_50 = arith.constant 1 : index
    %get3A_51 = arith.constant 0 : index
    %get3A_52 = vector.load %arg4[%get3A_50, %get3A_51] : memref<4x128xf32, #tpu.memory_space<vmem>>, vector<1x128xf32>
    %get3A_53 = vector.shape_cast %get3A_52 : vector<1x128xf32> to vector<128xf32>
    %broadcast_in_dim3A_54 = vector.shape_cast %get3A_53 : vector<128xf32> to vector<1x128xf32>
    %mul3A_55 = vector.broadcast %broadcast_in_dim3A_54 : vector<1x128xf32> to vector<512x128xf32>
    %mul3A_56 = arith.mulf %slice3A_39, %mul3A_55 : vector<512x128xf32>
    %reduce_sum3A_57 = arith.constant dense<0.000000e+00> : vector<512xf32>
    %reduce_sum3A_58 = vector.multi_reduction <add>, %mul3A_56, %reduce_sum3A_57 [1] : vector<512x128xf32> to vector<512xf32>
    %broadcast_in_dim3A_59 = vector.shape_cast %reduce_sum3A_58 : vector<512xf32> to vector<512x1xf32>
    %swap3A_60 = arith.constant 0 : index
    %swap3A_61 = arith.constant 1 : index
    %swap3A_62 = vector.load %arg6[%swap3A_60, %swap3A_61] : memref<512x4xf32, #tpu.memory_space<vmem>>, vector<512x1xf32>
    tpu.vector_store %arg6[%swap3A_60, %swap3A_61], %broadcast_in_dim3A_49 {strides = array<i32>} : memref<512x4xf32, #tpu.memory_space<vmem>>, vector<512x1xf32>,
    %swap3A_63 = arith.constant 0 : index
    %swap3A_64 = arith.constant 1 : index
    %swap3A_65 = vector.load %arg7[%swap3A_63, %swap3A_64] : memref<512x4xf32, #tpu.memory_space<vmem>>, vector<512x1xf32>
    tpu.vector_store %arg7[%swap3A_63, %swap3A_64], %broadcast_in_dim3A_59 {strides = array<i32>} : memref<512x4xf32, #tpu.memory_space<vmem>>, vector<512x1xf32>,
    %get3A_66 = arith.constant 1 : index
    %get3A_67 = arith.constant 0 : index
    %get3A_68 = vector.load %arg3[%get3A_66, %get3A_67] : memref<4x128xf32, #tpu.memory_space<vmem>>, vector<1x128xf32>
    %dot_general3A_69 = arith.constant dense<0.000000e+00> : vector<1x512xf32>
    %dot_general3A_70 = tpu.matmul %get3A_68, %slice3A_39, %dot_general3A_69 {dimension_numbers = #tpu.dot_dimension_numbers<[1], [1], [0], [0], [0, 0, 1, 0], [], []>, transpose_lhs_hint = false} : vector<1x128xf32>, vector<512x128xf32>, vector<1x512xf32> -> vector<1x512xf32>
    %swap3A_71 = arith.constant 1 : index
    %swap3A_72 = arith.constant 0 : index
    %swap3A_73 = vector.load %arg8[%swap3A_71, %swap3A_72] : memref<4x512xf32, #tpu.memory_space<vmem>>, vector<1x512xf32>
    tpu.vector_store %arg8[%swap3A_71, %swap3A_72], %dot_general3A_70 {strides = array<i32>} : memref<4x512xf32, #tpu.memory_space<vmem>>, vector<1x512xf32>,
    %slice3A_74 = vector.extract_strided_slice %dot_general3A_5 {offsets = [0, 256], sizes = [512, 128], strides = [1, 1]} : vector<512x512xf32> to vector<512x128xf32>
    %get3A_75 = arith.constant 2 : index
    %get3A_76 = arith.constant 0 : index
    %get3A_77 = vector.load %arg3[%get3A_75, %get3A_76] : memref<4x128xf32, #tpu.memory_space<vmem>>, vector<1x128xf32>
    %get3A_78 = vector.shape_cast %get3A_77 : vector<1x128xf32> to vector<128xf32>
    %broadcast_in_dim3A_79 = vector.shape_cast %get3A_78 : vector<128xf32> to vector<1x128xf32>
    %mul3A_80 = vector.broadcast %broadcast_in_dim3A_79 : vector<1x128xf32> to vector<512x128xf32>
    %mul3A_81 = arith.mulf %slice3A_74, %mul3A_80 : vector<512x128xf32>
    %reduce_sum3A_82 = arith.constant dense<0.000000e+00> : vector<512xf32>
    %reduce_sum3A_83 = vector.multi_reduction <add>, %mul3A_81, %reduce_sum3A_82 [1] : vector<512x128xf32> to vector<512xf32>
    %broadcast_in_dim3A_84 = vector.shape_cast %reduce_sum3A_83 : vector<512xf32> to vector<512x1xf32>
    %get3A_85 = arith.constant 2 : index
    %get3A_86 = arith.constant 0 : index
    %get3A_87 = vector.load %arg4[%get3A_85, %get3A_86] : memref<4x128xf32, #tpu.memory_space<vmem>>, vector<1x128xf32>
    %get3A_88 = vector.shape_cast %get3A_87 : vector<1x128xf32> to vector<128xf32>
    %broadcast_in_dim3A_89 = vector.shape_cast %get3A_88 : vector<128xf32> to vector<1x128xf32>
    %mul3A_90 = vector.broadcast %broadcast_in_dim3A_89 : vector<1x128xf32> to vector<512x128xf32>
    %mul3A_91 = arith.mulf %slice3A_74, %mul3A_90 : vector<512x128xf32>
    %reduce_sum3A_92 = arith.constant dense<0.000000e+00> : vector<512xf32>
    %reduce_sum3A_93 = vector.multi_reduction <add>, %mul3A_91, %reduce_sum3A_92 [1] : vector<512x128xf32> to vector<512xf32>
    %broadcast_in_dim3A_94 = vector.shape_cast %reduce_sum3A_93 : vector<512xf32> to vector<512x1xf32>
    %swap3A_95 = arith.constant 0 : index
    %swap3A_96 = arith.constant 2 : index
    %swap3A_97 = vector.load %arg6[%swap3A_95, %swap3A_96] : memref<512x4xf32, #tpu.memory_space<vmem>>, vector<512x1xf32>
    tpu.vector_store %arg6[%swap3A_95, %swap3A_96], %broadcast_in_dim3A_84 {strides = array<i32>} : memref<512x4xf32, #tpu.memory_space<vmem>>, vector<512x1xf32>,
    %swap3A_98 = arith.constant 0 : index
    %swap3A_99 = arith.constant 2 : index
    %swap3A_100 = vector.load %arg7[%swap3A_98, %swap3A_99] : memref<512x4xf32, #tpu.memory_space<vmem>>, vector<512x1xf32>
    tpu.vector_store %arg7[%swap3A_98, %swap3A_99], %broadcast_in_dim3A_94 {strides = array<i32>} : memref<512x4xf32, #tpu.memory_space<vmem>>, vector<512x1xf32>,
    %get3A_101 = arith.constant 2 : index
    %get3A_102 = arith.constant 0 : index
    %get3A_103 = vector.load %arg3[%get3A_101, %get3A_102] : memref<4x128xf32, #tpu.memory_space<vmem>>, vector<1x128xf32>
    %dot_general3A_104 = arith.constant dense<0.000000e+00> : vector<1x512xf32>
    %dot_general3A_105 = tpu.matmul %get3A_103, %slice3A_74, %dot_general3A_104 {dimension_numbers = #tpu.dot_dimension_numbers<[1], [1], [0], [0], [0, 0, 1, 0], [], []>, transpose_lhs_hint = false} : vector<1x128xf32>, vector<512x128xf32>, vector<1x512xf32> -> vector<1x512xf32>
    %swap3A_106 = arith.constant 2 : index
    %swap3A_107 = arith.constant 0 : index
    %swap3A_108 = vector.load %arg8[%swap3A_106, %swap3A_107] : memref<4x512xf32, #tpu.memory_space<vmem>>, vector<1x512xf32>
    tpu.vector_store %arg8[%swap3A_106, %swap3A_107], %dot_general3A_105 {strides = array<i32>} : memref<4x512xf32, #tpu.memory_space<vmem>>, vector<1x512xf32>,
    %slice3A_109 = vector.extract_strided_slice %dot_general3A_5 {offsets = [0, 384], sizes = [512, 128], strides = [1, 1]} : vector<512x512xf32> to vector<512x128xf32>
    %get3A_110 = arith.constant 3 : index
    %get3A_111 = arith.constant 0 : index
    %get3A_112 = vector.load %arg3[%get3A_110, %get3A_111] : memref<4x128xf32, #tpu.memory_space<vmem>>, vector<1x128xf32>
    %get3A_113 = vector.shape_cast %get3A_112 : vector<1x128xf32> to vector<128xf32>
    %broadcast_in_dim3A_114 = vector.shape_cast %get3A_113 : vector<128xf32> to vector<1x128xf32>
    %mul3A_115 = vector.broadcast %broadcast_in_dim3A_114 : vector<1x128xf32> to vector<512x128xf32>
    %mul3A_116 = arith.mulf %slice3A_109, %mul3A_115 : vector<512x128xf32>
    %reduce_sum3A_117 = arith.constant dense<0.000000e+00> : vector<512xf32>
    %reduce_sum3A_118 = vector.multi_reduction <add>, %mul3A_116, %reduce_sum3A_117 [1] : vector<512x128xf32> to vector<512xf32>
    %broadcast_in_dim3A_119 = vector.shape_cast %reduce_sum3A_118 : vector<512xf32> to vector<512x1xf32>
    %get3A_120 = arith.constant 3 : index
    %get3A_121 = arith.constant 0 : index
    %get3A_122 = vector.load %arg4[%get3A_120, %get3A_121] : memref<4x128xf32, #tpu.memory_space<vmem>>, vector<1x128xf32>
    %get3A_123 = vector.shape_cast %get3A_122 : vector<1x128xf32> to vector<128xf32>
    %broadcast_in_dim3A_124 = vector.shape_cast %get3A_123 : vector<128xf32> to vector<1x128xf32>
    %mul3A_125 = vector.broadcast %broadcast_in_dim3A_124 : vector<1x128xf32> to vector<512x128xf32>
    %mul3A_126 = arith.mulf %slice3A_109, %mul3A_125 : vector<512x128xf32>
    %reduce_sum3A_127 = arith.constant dense<0.000000e+00> : vector<512xf32>
    %reduce_sum3A_128 = vector.multi_reduction <add>, %mul3A_126, %reduce_sum3A_127 [1] : vector<512x128xf32> to vector<512xf32>
    %broadcast_in_dim3A_129 = vector.shape_cast %reduce_sum3A_128 : vector<512xf32> to vector<512x1xf32>
    %swap3A_130 = arith.constant 0 : index
    %swap3A_131 = arith.constant 3 : index
    %swap3A_132 = vector.load %arg6[%swap3A_130, %swap3A_131] : memref<512x4xf32, #tpu.memory_space<vmem>>, vector<512x1xf32>
    tpu.vector_store %arg6[%swap3A_130, %swap3A_131], %broadcast_in_dim3A_119 {strides = array<i32>} : memref<512x4xf32, #tpu.memory_space<vmem>>, vector<512x1xf32>,
    %swap3A_133 = arith.constant 0 : index
    %swap3A_134 = arith.constant 3 : index
    %swap3A_135 = vector.load %arg7[%swap3A_133, %swap3A_134] : memref<512x4xf32, #tpu.memory_space<vmem>>, vector<512x1xf32>
    tpu.vector_store %arg7[%swap3A_133, %swap3A_134], %broadcast_in_dim3A_129 {strides = array<i32>} : memref<512x4xf32, #tpu.memory_space<vmem>>, vector<512x1xf32>,
    %get3A_136 = arith.constant 3 : index
    %get3A_137 = arith.constant 0 : index
    %get3A_138 = vector.load %arg3[%get3A_136, %get3A_137] : memref<4x128xf32, #tpu.memory_space<vmem>>, vector<1x128xf32>
    %dot_general3A_139 = arith.constant dense<0.000000e+00> : vector<1x512xf32>
    %dot_general3A_140 = tpu.matmul %get3A_138, %slice3A_109, %dot_general3A_139 {dimension_numbers = #tpu.dot_dimension_numbers<[1], [1], [0], [0], [0, 0, 1, 0], [], []>, transpose_lhs_hint = false} : vector<1x128xf32>, vector<512x128xf32>, vector<1x512xf32> -> vector<1x512xf32>
    %swap3A_141 = arith.constant 3 : index
    %swap3A_142 = arith.constant 0 : index
    %swap3A_143 = vector.load %arg8[%swap3A_141, %swap3A_142] : memref<4x512xf32, #tpu.memory_space<vmem>>, vector<1x512xf32>
    tpu.vector_store %arg8[%swap3A_141, %swap3A_142], %dot_general3A_140 {strides = array<i32>} : memref<4x512xf32, #tpu.memory_space<vmem>>, vector<1x512xf32>,
    return
  }
  func.func @transform_0(%arg0: i32) -> (i32, i32) {
    %c0_i32 = arith.constant 0 : i32
    %c0_i32_0 = arith.constant 0 : i32
    return %arg0, %c0_i32 : i32, i32
  }
  func.func @transform_1(%arg0: i32) -> (i32, i32) {
    %c0_i32 = arith.constant 0 : i32
    %c0_i32_0 = arith.constant 0 : i32
    %c0_i32_1 = arith.constant 0 : i32
    return %c0_i32, %c0_i32_0 : i32, i32
  }
  func.func @transform_2(%arg0: i32) -> (i32, i32) {
    %c0_i32 = arith.constant 0 : i32
    %c0_i32_0 = arith.constant 0 : i32
    %c0_i32_1 = arith.constant 0 : i32
    return %c0_i32, %c0_i32_0 : i32, i32
  }
  func.func @transform_3(%arg0: i32) -> (i32, i32) {
    %c0_i32 = arith.constant 0 : i32
    %c0_i32_0 = arith.constant 0 : i32
    %c0_i32_1 = arith.constant 0 : i32
    return %c0_i32, %c0_i32_0 : i32, i32
  }
  func.func @transform_4(%arg0: i32) -> (i32, i32) {
    %c0_i32 = arith.constant 0 : i32
    %c0_i32_0 = arith.constant 0 : i32
    return %arg0, %c0_i32 : i32, i32
  }
  func.func @transform_5(%arg0: i32) -> (i32, i32) {
    %c0_i32 = arith.constant 0 : i32
    %c0_i32_0 = arith.constant 0 : i32
    return %arg0, %c0_i32 : i32, i32
  }
  func.func @transform_6(%arg0: i32) -> (i32, i32) {
    %c0_i32 = arith.constant 0 : i32
    %c0_i32_0 = arith.constant 0 : i32
    return %arg0, %c0_i32 : i32, i32
  }
  func.func @transform_7(%arg0: i32) -> (i32, i32) {
    %c0_i32 = arith.constant 0 : i32
    %c0_i32_0 = arith.constant 0 : i32
    return %c0_i32, %arg0 : i32, i32
  }
}

module attributes {stable_mosaic.version = 14 : i64} {
  func.func @_gat_flash_kernel(%arg0: i32, %arg1: i32, %arg2: memref<512x512xf32, #tpu.memory_space<vmem>>, %arg3: memref<512x512xf32, #tpu.memory_space<vmem>>, %arg4: memref<4096x4xf32, #tpu.memory_space<vmem>>, %arg5: memref<512x4xf32, #tpu.memory_space<vmem>>, %arg6: memref<4x512xf32, #tpu.memory_space<vmem>>, %arg7: memref<1x512xf32, #tpu.memory_space<vmem>>, %arg8: memref<1x512xf32, #tpu.memory_space<vmem>>, %arg9: memref<1x512xf32, #tpu.memory_space<vmem>>, %arg10: memref<512x512xf32, #tpu.memory_space<vmem>>, %arg11: memref<512x512xf32, #tpu.memory_space<vmem>>, %arg12: memref<512x512xf32, #tpu.memory_space<vmem>>, %arg13: memref<512x4xf32, #tpu.memory_space<vmem>>) attributes {dimension_semantics = [#tpu.dimension_semantics<parallel>, #tpu.dimension_semantics<arbitrary>], iteration_bounds = array<i64: 8, 8>, scalar_prefetch = 0 : i64, scratch_operands = 2 : i64, tpu.core_type = #tpu.core_type<tc>, window_params = [{transform_indices = @transform_0, window_bounds = array<i64: 512, 512>}, {transform_indices = @transform_1, window_bounds = array<i64: 512, 512>}, {pipeline_mode = #tpu.pipeline_mode<synchronous>, transform_indices = @transform_2, window_bounds = array<i64: 4096, 4>}, {transform_indices = @transform_3, window_bounds = array<i64: 512, 4>}, {transform_indices = @transform_4, window_bounds = array<i64: 4, 512>}, {pipeline_mode = #tpu.pipeline_mode<synchronous>, transform_indices = @transform_5, window_bounds = array<i64: 1, 512>}, {pipeline_mode = #tpu.pipeline_mode<synchronous>, transform_indices = @transform_6, window_bounds = array<i64: 1, 512>}, {pipeline_mode = #tpu.pipeline_mode<synchronous>, transform_indices = @transform_7, window_bounds = array<i64: 1, 512>}, {transform_indices = @transform_8, window_bounds = array<i64: 512, 512>}, {transform_indices = @transform_9, window_bounds = array<i64: 512, 512>}]} {
    %eq3A = arith.constant 0 : i32
    %eq3A_0 = arith.cmpi eq, %arg1, %eq3A : i32
    %convert_element_type3A = arith.extui %eq3A_0 : i1 to i32
    %cond3A = arith.constant 0 : i32
    %cond3A_1 = arith.cmpi ne, %convert_element_type3A, %cond3A : i32
    scf.if %cond3A_1 {
      %broadcast_in_dim3A_200 = arith.constant 0.000000e+00 : f32
      %broadcast_in_dim3A_201 = vector.broadcast %broadcast_in_dim3A_200 : f32 to vector<512x512xf32>
      %swap3A_202 = arith.constant 0 : index
      %swap3A_203 = arith.constant 0 : index
      %swap3A_204 = vector.load %arg12[%swap3A_202, %swap3A_203] : memref<512x512xf32, #tpu.memory_space<vmem>>, vector<512x512xf32>
      tpu.vector_store %arg12[%swap3A_202, %swap3A_203], %broadcast_in_dim3A_201 {strides = array<i32>} : memref<512x512xf32, #tpu.memory_space<vmem>>, vector<512x512xf32>,
      %broadcast_in_dim3A_205 = arith.constant 0.000000e+00 : f32
      %broadcast_in_dim3A_206 = vector.broadcast %broadcast_in_dim3A_205 : f32 to vector<512x4xf32>
      %swap3A_207 = arith.constant 0 : index
      %swap3A_208 = arith.constant 0 : index
      %swap3A_209 = vector.load %arg13[%swap3A_207, %swap3A_208] : memref<512x4xf32, #tpu.memory_space<vmem>>, vector<512x4xf32>
      tpu.vector_store %arg13[%swap3A_207, %swap3A_208], %broadcast_in_dim3A_206 {strides = array<i32>} : memref<512x4xf32, #tpu.memory_space<vmem>>, vector<512x4xf32>,
    } else {
    }
    %get3A = arith.constant 0 : index
    %get3A_2 = arith.constant 0 : index
    %get3A_3 = vector.load %arg2[%get3A, %get3A_2] : memref<512x512xf32, #tpu.memory_space<vmem>>, vector<512x512xf32>
    %get3A_4 = arith.constant 0 : index
    %get3A_5 = arith.constant 0 : index
    %get3A_6 = vector.load %arg4[%get3A_4, %get3A_5] : memref<4096x4xf32, #tpu.memory_space<vmem>>, vector<4096x4xf32>
    %reduce_max3A = arith.constant dense<0xFF800000> : vector<4xf32>
    %reduce_max3A_7 = vector.multi_reduction <maximumf>, %get3A_6, %reduce_max3A [0] : vector<4096x4xf32> to vector<4xf32>
    %broadcast_in_dim3A = vector.shape_cast %reduce_max3A_7 : vector<4xf32> to vector<1x4xf32>
    %get3A_8 = arith.constant 0 : index
    %get3A_9 = arith.constant 0 : index
    %get3A_10 = vector.load %arg5[%get3A_8, %get3A_9] : memref<512x4xf32, #tpu.memory_space<vmem>>, vector<512x4xf32>
    %add3A = vector.broadcast %broadcast_in_dim3A : vector<1x4xf32> to vector<512x4xf32>
    %add3A_11 = arith.addf %get3A_10, %add3A : vector<512x4xf32>
    %gt3A = arith.constant 0.000000e+00 : f32
    %gt3A_12 = vector.broadcast %gt3A : f32 to vector<512x4xf32>
    %gt3A_13 = arith.cmpf ogt, %add3A_11, %gt3A_12 : vector<512x4xf32>
    %mul3A = arith.constant 2.000000e-01 : f32
    %mul3A_14 = vector.broadcast %mul3A : f32 to vector<512x4xf32>
    %mul3A_15 = arith.mulf %mul3A_14, %add3A_11 : vector<512x4xf32>
    %select_n3A = arith.select %gt3A_13, %add3A_11, %mul3A_15 : vector<512x4xi1>, vector<512x4xf32>
    %sub3A = arith.subf %get3A_10, %select_n3A : vector<512x4xf32>
    %exp3A = math.exp %sub3A : vector<512x4xf32>
    %mul3A_16 = arith.constant 2.000000e-01 : f32
    %mul3A_17 = vector.broadcast %mul3A_16 : f32 to vector<512x4xf32>
    %mul3A_18 = arith.mulf %mul3A_17, %get3A_10 : vector<512x4xf32>
    %sub3A_19 = arith.subf %mul3A_18, %select_n3A : vector<512x4xf32>
    %exp3A_20 = math.exp %sub3A_19 : vector<512x4xf32>
    %get3A_21 = arith.constant 0 : index
    %get3A_22 = arith.constant 0 : index
    %get3A_23 = vector.load %arg6[%get3A_21, %get3A_22] : memref<4x512xf32, #tpu.memory_space<vmem>>, vector<4x512xf32>
    %get3A_24 = arith.constant 0 : index
    %get3A_25 = arith.constant 0 : index
    %get3A_26 = vector.load %arg3[%get3A_24, %get3A_25] : memref<512x512xf32, #tpu.memory_space<vmem>>, vector<512x512xf32>
    %slice3A = vector.extract_strided_slice %get3A_23 {offsets = [0, 0], sizes = [1, 512], strides = [1, 1]} : vector<4x512xf32> to vector<1x512xf32>
    %slice3A_27 = vector.extract_strided_slice %get3A_10 {offsets = [0, 0], sizes = [512, 1], strides = [1, 1]} : vector<512x4xf32> to vector<512x1xf32>
    %add3A_28 = vector.broadcast %slice3A_27 : vector<512x1xf32> to vector<512x512xf32>
    %add3A_29 = vector.broadcast %slice3A : vector<1x512xf32> to vector<512x512xf32>
    %add3A_30 = arith.addf %add3A_28, %add3A_29 : vector<512x512xf32>
    %slice3A_31 = vector.extract_strided_slice %exp3A {offsets = [0, 0], sizes = [512, 1], strides = [1, 1]} : vector<512x4xf32> to vector<512x1xf32>
    %exp3A_32 = math.exp %slice3A : vector<1x512xf32>
    %mul3A_33 = vector.broadcast %slice3A_31 : vector<512x1xf32> to vector<512x512xf32>
    %mul3A_34 = vector.broadcast %exp3A_32 : vector<1x512xf32> to vector<512x512xf32>
    %mul3A_35 = arith.mulf %mul3A_33, %mul3A_34 : vector<512x512xf32>
    %slice3A_36 = vector.extract_strided_slice %exp3A_20 {offsets = [0, 0], sizes = [512, 1], strides = [1, 1]} : vector<512x4xf32> to vector<512x1xf32>
    %mul3A_37 = arith.constant 2.000000e-01 : f32
    %mul3A_38 = vector.broadcast %mul3A_37 : f32 to vector<1x512xf32>
    %mul3A_39 = arith.mulf %mul3A_38, %slice3A : vector<1x512xf32>
    %exp3A_40 = math.exp %mul3A_39 : vector<1x512xf32>
    %mul3A_41 = vector.broadcast %slice3A_36 : vector<512x1xf32> to vector<512x512xf32>
    %mul3A_42 = vector.broadcast %exp3A_40 : vector<1x512xf32> to vector<512x512xf32>
    %mul3A_43 = arith.mulf %mul3A_41, %mul3A_42 : vector<512x512xf32>
    %gt3A_44 = arith.constant 0.000000e+00 : f32
    %gt3A_45 = vector.broadcast %gt3A_44 : f32 to vector<512x512xf32>
    %gt3A_46 = arith.cmpf ogt, %add3A_30, %gt3A_45 : vector<512x512xf32>
    %select_n3A_47 = arith.select %gt3A_46, %mul3A_35, %mul3A_43 : vector<512x512xi1>, vector<512x512xf32>
    %mul3A_48 = arith.mulf %get3A_3, %select_n3A_47 : vector<512x512xf32>
    %get3A_49 = arith.constant 0 : index
    %get3A_50 = arith.constant 0 : index
    %get3A_51 = vector.load %arg12[%get3A_49, %get3A_50] : memref<512x512xf32, #tpu.memory_space<vmem>>, vector<512x128xf32>
    %slice3A_52 = vector.extract_strided_slice %get3A_26 {offsets = [0, 0], sizes = [512, 128], strides = [1, 1]} : vector<512x512xf32> to vector<512x128xf32>
    %dot_general3A = arith.constant dense<0.000000e+00> : vector<512x128xf32>
    %dot_general3A_53 = tpu.matmul %mul3A_48, %slice3A_52, %dot_general3A {dimension_numbers = #tpu.dot_dimension_numbers<[1], [0], [0], [1], [0, 0, 1, 1], [], []>, transpose_lhs_hint = false} : vector<512x512xf32>, vector<512x128xf32>, vector<512x128xf32> -> vector<512x128xf32>
    %add3A_54 = arith.addf %get3A_51, %dot_general3A_53 : vector<512x128xf32>
    %swap3A = arith.constant 0 : index
    %swap3A_55 = arith.constant 0 : index
    %swap3A_56 = vector.load %arg12[%swap3A, %swap3A_55] : memref<512x512xf32, #tpu.memory_space<vmem>>, vector<512x128xf32>
    tpu.vector_store %arg12[%swap3A, %swap3A_55], %add3A_54 {strides = array<i32>} : memref<512x512xf32, #tpu.memory_space<vmem>>, vector<512x128xf32>,
    %get3A_57 = arith.constant 0 : index
    %get3A_58 = arith.constant 0 : index
    %get3A_59 = vector.load %arg13[%get3A_57, %get3A_58] : memref<512x4xf32, #tpu.memory_space<vmem>>, vector<512x1xf32>
    %reduce_sum3A = arith.constant dense<0.000000e+00> : vector<512xf32>
    %reduce_sum3A_60 = vector.multi_reduction <add>, %mul3A_48, %reduce_sum3A [1] : vector<512x512xf32> to vector<512xf32>
    %broadcast_in_dim3A_61 = vector.shape_cast %reduce_sum3A_60 : vector<512xf32> to vector<512x1xf32>
    %add3A_62 = arith.addf %get3A_59, %broadcast_in_dim3A_61 : vector<512x1xf32>
    %swap3A_63 = arith.constant 0 : index
    %swap3A_64 = arith.constant 0 : index
    %swap3A_65 = vector.load %arg13[%swap3A_63, %swap3A_64] : memref<512x4xf32, #tpu.memory_space<vmem>>, vector<512x1xf32>
    tpu.vector_store %arg13[%swap3A_63, %swap3A_64], %add3A_62 {strides = array<i32>} : memref<512x4xf32, #tpu.memory_space<vmem>>, vector<512x1xf32>,
    %slice3A_66 = vector.extract_strided_slice %get3A_23 {offsets = [1, 0], sizes = [1, 512], strides = [1, 1]} : vector<4x512xf32> to vector<1x512xf32>
    %slice3A_67 = vector.extract_strided_slice %get3A_10 {offsets = [0, 1], sizes = [512, 1], strides = [1, 1]} : vector<512x4xf32> to vector<512x1xf32>
    %add3A_68 = vector.broadcast %slice3A_67 : vector<512x1xf32> to vector<512x512xf32>
    %add3A_69 = vector.broadcast %slice3A_66 : vector<1x512xf32> to vector<512x512xf32>
    %add3A_70 = arith.addf %add3A_68, %add3A_69 : vector<512x512xf32>
    %slice3A_71 = vector.extract_strided_slice %exp3A {offsets = [0, 1], sizes = [512, 1], strides = [1, 1]} : vector<512x4xf32> to vector<512x1xf32>
    %exp3A_72 = math.exp %slice3A_66 : vector<1x512xf32>
    %mul3A_73 = vector.broadcast %slice3A_71 : vector<512x1xf32> to vector<512x512xf32>
    %mul3A_74 = vector.broadcast %exp3A_72 : vector<1x512xf32> to vector<512x512xf32>
    %mul3A_75 = arith.mulf %mul3A_73, %mul3A_74 : vector<512x512xf32>
    %slice3A_76 = vector.extract_strided_slice %exp3A_20 {offsets = [0, 1], sizes = [512, 1], strides = [1, 1]} : vector<512x4xf32> to vector<512x1xf32>
    %mul3A_77 = arith.constant 2.000000e-01 : f32
    %mul3A_78 = vector.broadcast %mul3A_77 : f32 to vector<1x512xf32>
    %mul3A_79 = arith.mulf %mul3A_78, %slice3A_66 : vector<1x512xf32>
    %exp3A_80 = math.exp %mul3A_79 : vector<1x512xf32>
    %mul3A_81 = vector.broadcast %slice3A_76 : vector<512x1xf32> to vector<512x512xf32>
    %mul3A_82 = vector.broadcast %exp3A_80 : vector<1x512xf32> to vector<512x512xf32>
    %mul3A_83 = arith.mulf %mul3A_81, %mul3A_82 : vector<512x512xf32>
    %gt3A_84 = arith.constant 0.000000e+00 : f32
    %gt3A_85 = vector.broadcast %gt3A_84 : f32 to vector<512x512xf32>
    %gt3A_86 = arith.cmpf ogt, %add3A_70, %gt3A_85 : vector<512x512xf32>
    %select_n3A_87 = arith.select %gt3A_86, %mul3A_75, %mul3A_83 : vector<512x512xi1>, vector<512x512xf32>
    %mul3A_88 = arith.mulf %get3A_3, %select_n3A_87 : vector<512x512xf32>
    %get3A_89 = arith.constant 0 : index
    %get3A_90 = arith.constant 128 : index
    %get3A_91 = vector.load %arg12[%get3A_89, %get3A_90] : memref<512x512xf32, #tpu.memory_space<vmem>>, vector<512x128xf32>
    %slice3A_92 = vector.extract_strided_slice %get3A_26 {offsets = [0, 128], sizes = [512, 128], strides = [1, 1]} : vector<512x512xf32> to vector<512x128xf32>
    %dot_general3A_93 = arith.constant dense<0.000000e+00> : vector<512x128xf32>
    %dot_general3A_94 = tpu.matmul %mul3A_88, %slice3A_92, %dot_general3A_93 {dimension_numbers = #tpu.dot_dimension_numbers<[1], [0], [0], [1], [0, 0, 1, 1], [], []>, transpose_lhs_hint = false} : vector<512x512xf32>, vector<512x128xf32>, vector<512x128xf32> -> vector<512x128xf32>
    %add3A_95 = arith.addf %get3A_91, %dot_general3A_94 : vector<512x128xf32>
    %swap3A_96 = arith.constant 0 : index
    %swap3A_97 = arith.constant 128 : index
    %swap3A_98 = vector.load %arg12[%swap3A_96, %swap3A_97] : memref<512x512xf32, #tpu.memory_space<vmem>>, vector<512x128xf32>
    tpu.vector_store %arg12[%swap3A_96, %swap3A_97], %add3A_95 {strides = array<i32>} : memref<512x512xf32, #tpu.memory_space<vmem>>, vector<512x128xf32>,
    %get3A_99 = arith.constant 0 : index
    %get3A_100 = arith.constant 1 : index
    %get3A_101 = vector.load %arg13[%get3A_99, %get3A_100] : memref<512x4xf32, #tpu.memory_space<vmem>>, vector<512x1xf32>
    %reduce_sum3A_102 = arith.constant dense<0.000000e+00> : vector<512xf32>
    %reduce_sum3A_103 = vector.multi_reduction <add>, %mul3A_88, %reduce_sum3A_102 [1] : vector<512x512xf32> to vector<512xf32>
    %broadcast_in_dim3A_104 = vector.shape_cast %reduce_sum3A_103 : vector<512xf32> to vector<512x1xf32>
    %add3A_105 = arith.addf %get3A_101, %broadcast_in_dim3A_104 : vector<512x1xf32>
    %swap3A_106 = arith.constant 0 : index
    %swap3A_107 = arith.constant 1 : index
    %swap3A_108 = vector.load %arg13[%swap3A_106, %swap3A_107] : memref<512x4xf32, #tpu.memory_space<vmem>>, vector<512x1xf32>
    tpu.vector_store %arg13[%swap3A_106, %swap3A_107], %add3A_105 {strides = array<i32>} : memref<512x4xf32, #tpu.memory_space<vmem>>, vector<512x1xf32>,
    %slice3A_109 = vector.extract_strided_slice %get3A_23 {offsets = [2, 0], sizes = [1, 512], strides = [1, 1]} : vector<4x512xf32> to vector<1x512xf32>
    %slice3A_110 = vector.extract_strided_slice %get3A_10 {offsets = [0, 2], sizes = [512, 1], strides = [1, 1]} : vector<512x4xf32> to vector<512x1xf32>
    %add3A_111 = vector.broadcast %slice3A_110 : vector<512x1xf32> to vector<512x512xf32>
    %add3A_112 = vector.broadcast %slice3A_109 : vector<1x512xf32> to vector<512x512xf32>
    %add3A_113 = arith.addf %add3A_111, %add3A_112 : vector<512x512xf32>
    %slice3A_114 = vector.extract_strided_slice %exp3A {offsets = [0, 2], sizes = [512, 1], strides = [1, 1]} : vector<512x4xf32> to vector<512x1xf32>
    %exp3A_115 = math.exp %slice3A_109 : vector<1x512xf32>
    %mul3A_116 = vector.broadcast %slice3A_114 : vector<512x1xf32> to vector<512x512xf32>
    %mul3A_117 = vector.broadcast %exp3A_115 : vector<1x512xf32> to vector<512x512xf32>
    %mul3A_118 = arith.mulf %mul3A_116, %mul3A_117 : vector<512x512xf32>
    %slice3A_119 = vector.extract_strided_slice %exp3A_20 {offsets = [0, 2], sizes = [512, 1], strides = [1, 1]} : vector<512x4xf32> to vector<512x1xf32>
    %mul3A_120 = arith.constant 2.000000e-01 : f32
    %mul3A_121 = vector.broadcast %mul3A_120 : f32 to vector<1x512xf32>
    %mul3A_122 = arith.mulf %mul3A_121, %slice3A_109 : vector<1x512xf32>
    %exp3A_123 = math.exp %mul3A_122 : vector<1x512xf32>
    %mul3A_124 = vector.broadcast %slice3A_119 : vector<512x1xf32> to vector<512x512xf32>
    %mul3A_125 = vector.broadcast %exp3A_123 : vector<1x512xf32> to vector<512x512xf32>
    %mul3A_126 = arith.mulf %mul3A_124, %mul3A_125 : vector<512x512xf32>
    %gt3A_127 = arith.constant 0.000000e+00 : f32
    %gt3A_128 = vector.broadcast %gt3A_127 : f32 to vector<512x512xf32>
    %gt3A_129 = arith.cmpf ogt, %add3A_113, %gt3A_128 : vector<512x512xf32>
    %select_n3A_130 = arith.select %gt3A_129, %mul3A_118, %mul3A_126 : vector<512x512xi1>, vector<512x512xf32>
    %mul3A_131 = arith.mulf %get3A_3, %select_n3A_130 : vector<512x512xf32>
    %get3A_132 = arith.constant 0 : index
    %get3A_133 = arith.constant 256 : index
    %get3A_134 = vector.load %arg12[%get3A_132, %get3A_133] : memref<512x512xf32, #tpu.memory_space<vmem>>, vector<512x128xf32>
    %slice3A_135 = vector.extract_strided_slice %get3A_26 {offsets = [0, 256], sizes = [512, 128], strides = [1, 1]} : vector<512x512xf32> to vector<512x128xf32>
    %dot_general3A_136 = arith.constant dense<0.000000e+00> : vector<512x128xf32>
    %dot_general3A_137 = tpu.matmul %mul3A_131, %slice3A_135, %dot_general3A_136 {dimension_numbers = #tpu.dot_dimension_numbers<[1], [0], [0], [1], [0, 0, 1, 1], [], []>, transpose_lhs_hint = false} : vector<512x512xf32>, vector<512x128xf32>, vector<512x128xf32> -> vector<512x128xf32>
    %add3A_138 = arith.addf %get3A_134, %dot_general3A_137 : vector<512x128xf32>
    %swap3A_139 = arith.constant 0 : index
    %swap3A_140 = arith.constant 256 : index
    %swap3A_141 = vector.load %arg12[%swap3A_139, %swap3A_140] : memref<512x512xf32, #tpu.memory_space<vmem>>, vector<512x128xf32>
    tpu.vector_store %arg12[%swap3A_139, %swap3A_140], %add3A_138 {strides = array<i32>} : memref<512x512xf32, #tpu.memory_space<vmem>>, vector<512x128xf32>,
    %get3A_142 = arith.constant 0 : index
    %get3A_143 = arith.constant 2 : index
    %get3A_144 = vector.load %arg13[%get3A_142, %get3A_143] : memref<512x4xf32, #tpu.memory_space<vmem>>, vector<512x1xf32>
    %reduce_sum3A_145 = arith.constant dense<0.000000e+00> : vector<512xf32>
    %reduce_sum3A_146 = vector.multi_reduction <add>, %mul3A_131, %reduce_sum3A_145 [1] : vector<512x512xf32> to vector<512xf32>
    %broadcast_in_dim3A_147 = vector.shape_cast %reduce_sum3A_146 : vector<512xf32> to vector<512x1xf32>
    %add3A_148 = arith.addf %get3A_144, %broadcast_in_dim3A_147 : vector<512x1xf32>
    %swap3A_149 = arith.constant 0 : index
    %swap3A_150 = arith.constant 2 : index
    %swap3A_151 = vector.load %arg13[%swap3A_149, %swap3A_150] : memref<512x4xf32, #tpu.memory_space<vmem>>, vector<512x1xf32>
    tpu.vector_store %arg13[%swap3A_149, %swap3A_150], %add3A_148 {strides = array<i32>} : memref<512x4xf32, #tpu.memory_space<vmem>>, vector<512x1xf32>,
    %slice3A_152 = vector.extract_strided_slice %get3A_23 {offsets = [3, 0], sizes = [1, 512], strides = [1, 1]} : vector<4x512xf32> to vector<1x512xf32>
    %slice3A_153 = vector.extract_strided_slice %get3A_10 {offsets = [0, 3], sizes = [512, 1], strides = [1, 1]} : vector<512x4xf32> to vector<512x1xf32>
    %add3A_154 = vector.broadcast %slice3A_153 : vector<512x1xf32> to vector<512x512xf32>
    %add3A_155 = vector.broadcast %slice3A_152 : vector<1x512xf32> to vector<512x512xf32>
    %add3A_156 = arith.addf %add3A_154, %add3A_155 : vector<512x512xf32>
    %slice3A_157 = vector.extract_strided_slice %exp3A {offsets = [0, 3], sizes = [512, 1], strides = [1, 1]} : vector<512x4xf32> to vector<512x1xf32>
    %exp3A_158 = math.exp %slice3A_152 : vector<1x512xf32>
    %mul3A_159 = vector.broadcast %slice3A_157 : vector<512x1xf32> to vector<512x512xf32>
    %mul3A_160 = vector.broadcast %exp3A_158 : vector<1x512xf32> to vector<512x512xf32>
    %mul3A_161 = arith.mulf %mul3A_159, %mul3A_160 : vector<512x512xf32>
    %slice3A_162 = vector.extract_strided_slice %exp3A_20 {offsets = [0, 3], sizes = [512, 1], strides = [1, 1]} : vector<512x4xf32> to vector<512x1xf32>
    %mul3A_163 = arith.constant 2.000000e-01 : f32
    %mul3A_164 = vector.broadcast %mul3A_163 : f32 to vector<1x512xf32>
    %mul3A_165 = arith.mulf %mul3A_164, %slice3A_152 : vector<1x512xf32>
    %exp3A_166 = math.exp %mul3A_165 : vector<1x512xf32>
    %mul3A_167 = vector.broadcast %slice3A_162 : vector<512x1xf32> to vector<512x512xf32>
    %mul3A_168 = vector.broadcast %exp3A_166 : vector<1x512xf32> to vector<512x512xf32>
    %mul3A_169 = arith.mulf %mul3A_167, %mul3A_168 : vector<512x512xf32>
    %gt3A_170 = arith.constant 0.000000e+00 : f32
    %gt3A_171 = vector.broadcast %gt3A_170 : f32 to vector<512x512xf32>
    %gt3A_172 = arith.cmpf ogt, %add3A_156, %gt3A_171 : vector<512x512xf32>
    %select_n3A_173 = arith.select %gt3A_172, %mul3A_161, %mul3A_169 : vector<512x512xi1>, vector<512x512xf32>
    %mul3A_174 = arith.mulf %get3A_3, %select_n3A_173 : vector<512x512xf32>
    %get3A_175 = arith.constant 0 : index
    %get3A_176 = arith.constant 384 : index
    %get3A_177 = vector.load %arg12[%get3A_175, %get3A_176] : memref<512x512xf32, #tpu.memory_space<vmem>>, vector<512x128xf32>
    %slice3A_178 = vector.extract_strided_slice %get3A_26 {offsets = [0, 384], sizes = [512, 128], strides = [1, 1]} : vector<512x512xf32> to vector<512x128xf32>
    %dot_general3A_179 = arith.constant dense<0.000000e+00> : vector<512x128xf32>
    %dot_general3A_180 = tpu.matmul %mul3A_174, %slice3A_178, %dot_general3A_179 {dimension_numbers = #tpu.dot_dimension_numbers<[1], [0], [0], [1], [0, 0, 1, 1], [], []>, transpose_lhs_hint = false} : vector<512x512xf32>, vector<512x128xf32>, vector<512x128xf32> -> vector<512x128xf32>
    %add3A_181 = arith.addf %get3A_177, %dot_general3A_180 : vector<512x128xf32>
    %swap3A_182 = arith.constant 0 : index
    %swap3A_183 = arith.constant 384 : index
    %swap3A_184 = vector.load %arg12[%swap3A_182, %swap3A_183] : memref<512x512xf32, #tpu.memory_space<vmem>>, vector<512x128xf32>
    tpu.vector_store %arg12[%swap3A_182, %swap3A_183], %add3A_181 {strides = array<i32>} : memref<512x512xf32, #tpu.memory_space<vmem>>, vector<512x128xf32>,
    %get3A_185 = arith.constant 0 : index
    %get3A_186 = arith.constant 3 : index
    %get3A_187 = vector.load %arg13[%get3A_185, %get3A_186] : memref<512x4xf32, #tpu.memory_space<vmem>>, vector<512x1xf32>
    %reduce_sum3A_188 = arith.constant dense<0.000000e+00> : vector<512xf32>
    %reduce_sum3A_189 = vector.multi_reduction <add>, %mul3A_174, %reduce_sum3A_188 [1] : vector<512x512xf32> to vector<512xf32>
    %broadcast_in_dim3A_190 = vector.shape_cast %reduce_sum3A_189 : vector<512xf32> to vector<512x1xf32>
    %add3A_191 = arith.addf %get3A_187, %broadcast_in_dim3A_190 : vector<512x1xf32>
    %swap3A_192 = arith.constant 0 : index
    %swap3A_193 = arith.constant 3 : index
    %swap3A_194 = vector.load %arg13[%swap3A_192, %swap3A_193] : memref<512x4xf32, #tpu.memory_space<vmem>>, vector<512x1xf32>
    tpu.vector_store %arg13[%swap3A_192, %swap3A_193], %add3A_191 {strides = array<i32>} : memref<512x4xf32, #tpu.memory_space<vmem>>, vector<512x1xf32>,
    %eq3A_195 = arith.constant 7 : i32
    %eq3A_196 = arith.cmpi eq, %arg1, %eq3A_195 : i32
    %convert_element_type3A_197 = arith.extui %eq3A_196 : i1 to i32
    %cond3A_198 = arith.constant 0 : i32
    %cond3A_199 = arith.cmpi ne, %convert_element_type3A_197, %cond3A_198 : i32
    scf.if %cond3A_199 {
      %get3A_200 = arith.constant 0 : index
      %get3A_201 = arith.constant 0 : index
      %get3A_202 = vector.load %arg12[%get3A_200, %get3A_201] : memref<512x512xf32, #tpu.memory_space<vmem>>, vector<512x128xf32>
      %get3A_203 = arith.constant 0 : index
      %get3A_204 = arith.constant 0 : index
      %get3A_205 = vector.load %arg13[%get3A_203, %get3A_204] : memref<512x4xf32, #tpu.memory_space<vmem>>, vector<512x1xf32>
      %add3A_206 = arith.constant 1.000000e-16 : f32
      %add3A_207 = vector.broadcast %add3A_206 : f32 to vector<512x1xf32>
      %add3A_208 = arith.addf %get3A_205, %add3A_207 : vector<512x1xf32>
      %div3A = vector.broadcast %add3A_208 : vector<512x1xf32> to vector<512x128xf32>
      %div3A_209 = arith.divf %get3A_202, %div3A : vector<512x128xf32>
      %get3A_210 = arith.constant 0 : index
      %get3A_211 = arith.constant 128 : index
      %get3A_212 = vector.load %arg12[%get3A_210, %get3A_211] : memref<512x512xf32, #tpu.memory_space<vmem>>, vector<512x128xf32>
      %get3A_213 = arith.constant 0 : index
      %get3A_214 = arith.constant 1 : index
      %get3A_215 = vector.load %arg13[%get3A_213, %get3A_214] : memref<512x4xf32, #tpu.memory_space<vmem>>, vector<512x1xf32>
      %add3A_216 = arith.constant 1.000000e-16 : f32
      %add3A_217 = vector.broadcast %add3A_216 : f32 to vector<512x1xf32>
      %add3A_218 = arith.addf %get3A_215, %add3A_217 : vector<512x1xf32>
      %div3A_219 = vector.broadcast %add3A_218 : vector<512x1xf32> to vector<512x128xf32>
      %div3A_220 = arith.divf %get3A_212, %div3A_219 : vector<512x128xf32>
      %get3A_221 = arith.constant 0 : index
      %get3A_222 = arith.constant 256 : index
      %get3A_223 = vector.load %arg12[%get3A_221, %get3A_222] : memref<512x512xf32, #tpu.memory_space<vmem>>, vector<512x128xf32>
      %get3A_224 = arith.constant 0 : index
      %get3A_225 = arith.constant 2 : index
      %get3A_226 = vector.load %arg13[%get3A_224, %get3A_225] : memref<512x4xf32, #tpu.memory_space<vmem>>, vector<512x1xf32>
      %add3A_227 = arith.constant 1.000000e-16 : f32
      %add3A_228 = vector.broadcast %add3A_227 : f32 to vector<512x1xf32>
      %add3A_229 = arith.addf %get3A_226, %add3A_228 : vector<512x1xf32>
      %div3A_230 = vector.broadcast %add3A_229 : vector<512x1xf32> to vector<512x128xf32>
      %div3A_231 = arith.divf %get3A_223, %div3A_230 : vector<512x128xf32>
      %get3A_232 = arith.constant 0 : index
      %get3A_233 = arith.constant 384 : index
      %get3A_234 = vector.load %arg12[%get3A_232, %get3A_233] : memref<512x512xf32, #tpu.memory_space<vmem>>, vector<512x128xf32>
      %get3A_235 = arith.constant 0 : index
      %get3A_236 = arith.constant 3 : index
      %get3A_237 = vector.load %arg13[%get3A_235, %get3A_236] : memref<512x4xf32, #tpu.memory_space<vmem>>, vector<512x1xf32>
      %add3A_238 = arith.constant 1.000000e-16 : f32
      %add3A_239 = vector.broadcast %add3A_238 : f32 to vector<512x1xf32>
      %add3A_240 = arith.addf %get3A_237, %add3A_239 : vector<512x1xf32>
      %div3A_241 = vector.broadcast %add3A_240 : vector<512x1xf32> to vector<512x128xf32>
      %div3A_242 = arith.divf %get3A_234, %div3A_241 : vector<512x128xf32>
      %concatenate3A = tpu.concatenate %div3A_209, %div3A_220, %div3A_231, %div3A_242 in 1 : vector<512x128xf32>, vector<512x128xf32>, vector<512x128xf32>, vector<512x128xf32> -> vector<512x512xf32>
      %get3A_243 = arith.constant 0 : index
      %get3A_244 = arith.constant 0 : index
      %get3A_245 = vector.load %arg7[%get3A_243, %get3A_244] : memref<1x512xf32, #tpu.memory_space<vmem>>, vector<1x512xf32>
      %add3A_246 = vector.broadcast %get3A_245 : vector<1x512xf32> to vector<512x512xf32>
      %add3A_247 = arith.addf %concatenate3A, %add3A_246 : vector<512x512xf32>
      %gt3A_248 = arith.constant 0.000000e+00 : f32
      %gt3A_249 = vector.broadcast %gt3A_248 : f32 to vector<512x512xf32>
      %gt3A_250 = arith.cmpf ogt, %add3A_247, %gt3A_249 : vector<512x512xf32>
      %min3A = arith.constant 0.000000e+00 : f32
      %min3A_251 = vector.broadcast %min3A : f32 to vector<512x512xf32>
      %min3A_252 = arith.minimumf %add3A_247, %min3A_251 : vector<512x512xf32>
      %exp3A_253 = math.exp %min3A_252 : vector<512x512xf32>
      %sub3A_254 = arith.constant 1.000000e+00 : f32
      %sub3A_255 = vector.broadcast %sub3A_254 : f32 to vector<512x512xf32>
      %sub3A_256 = arith.subf %exp3A_253, %sub3A_255 : vector<512x512xf32>
      %select_n3A_257 = arith.select %gt3A_250, %add3A_247, %sub3A_256 : vector<512x512xi1>, vector<512x512xf32>
      %reduce_sum3A_258 = arith.constant dense<0.000000e+00> : vector<512xf32>
      %reduce_sum3A_259 = vector.multi_reduction <add>, %select_n3A_257, %reduce_sum3A_258 [1] : vector<512x512xf32> to vector<512xf32>
      %broadcast_in_dim3A_260 = vector.shape_cast %reduce_sum3A_259 : vector<512xf32> to vector<512x1xf32>
      %div3A_261 = arith.constant 5.120000e+02 : f32
      %div3A_262 = vector.broadcast %div3A_261 : f32 to vector<512x1xf32>
      %div3A_263 = arith.divf %broadcast_in_dim3A_260, %div3A_262 : vector<512x1xf32>
      %sub3A_264 = vector.broadcast %div3A_263 : vector<512x1xf32> to vector<512x512xf32>
      %sub3A_265 = arith.subf %select_n3A_257, %sub3A_264 : vector<512x512xf32>
      %mul3A_266 = arith.mulf %sub3A_265, %sub3A_265 : vector<512x512xf32>
      %reduce_sum3A_267 = arith.constant dense<0.000000e+00> : vector<512xf32>
      %reduce_sum3A_268 = vector.multi_reduction <add>, %mul3A_266, %reduce_sum3A_267 [1] : vector<512x512xf32> to vector<512xf32>
      %broadcast_in_dim3A_269 = vector.shape_cast %reduce_sum3A_268 : vector<512xf32> to vector<512x1xf32>
      %div3A_270 = arith.constant 5.120000e+02 : f32
      %div3A_271 = vector.broadcast %div3A_270 : f32 to vector<512x1xf32>
      %div3A_272 = arith.divf %broadcast_in_dim3A_269, %div3A_271 : vector<512x1xf32>
      %add3A_273 = arith.constant 9.99999974E-6 : f32
      %add3A_274 = vector.broadcast %add3A_273 : f32 to vector<512x1xf32>
      %add3A_275 = arith.addf %div3A_272, %add3A_274 : vector<512x1xf32>
      %rsqrt3A = math.rsqrt %add3A_275 : vector<512x1xf32>
      %mul3A_276 = vector.broadcast %rsqrt3A : vector<512x1xf32> to vector<512x512xf32>
      %mul3A_277 = arith.mulf %sub3A_265, %mul3A_276 : vector<512x512xf32>
      %get3A_278 = arith.constant 0 : index
      %get3A_279 = arith.constant 0 : index
      %get3A_280 = vector.load %arg8[%get3A_278, %get3A_279] : memref<1x512xf32, #tpu.memory_space<vmem>>, vector<1x512xf32>
      %mul3A_281 = vector.broadcast %get3A_280 : vector<1x512xf32> to vector<512x512xf32>
      %mul3A_282 = arith.mulf %mul3A_277, %mul3A_281 : vector<512x512xf32>
      %get3A_283 = arith.constant 0 : index
      %get3A_284 = arith.constant 0 : index
      %get3A_285 = vector.load %arg9[%get3A_283, %get3A_284] : memref<1x512xf32, #tpu.memory_space<vmem>>, vector<1x512xf32>
      %add3A_286 = vector.broadcast %get3A_285 : vector<1x512xf32> to vector<512x512xf32>
      %add3A_287 = arith.addf %mul3A_282, %add3A_286 : vector<512x512xf32>
      %swap3A_288 = arith.constant 0 : index
      %swap3A_289 = arith.constant 0 : index
      %swap3A_290 = vector.load %arg11[%swap3A_288, %swap3A_289] : memref<512x512xf32, #tpu.memory_space<vmem>>, vector<512x512xf32>
      tpu.vector_store %arg11[%swap3A_288, %swap3A_289], %add3A_287 {strides = array<i32>} : memref<512x512xf32, #tpu.memory_space<vmem>>, vector<512x512xf32>,
    } else {
    }
    return
  }
  func.func @transform_0(%arg0: i32, %arg1: i32) -> (i32, i32) {
    %c0_i32 = arith.constant 0 : i32
    return %arg0, %arg1 : i32, i32
  }
  func.func @transform_1(%arg0: i32, %arg1: i32) -> (i32, i32) {
    %c0_i32 = arith.constant 0 : i32
    %c0_i32_0 = arith.constant 0 : i32
    return %arg1, %c0_i32 : i32, i32
  }
  func.func @transform_2(%arg0: i32, %arg1: i32) -> (i32, i32) {
    %c0_i32 = arith.constant 0 : i32
    %c0_i32_0 = arith.constant 0 : i32
    %c0_i32_1 = arith.constant 0 : i32
    return %c0_i32, %c0_i32_0 : i32, i32
  }
  func.func @transform_3(%arg0: i32, %arg1: i32) -> (i32, i32) {
    %c0_i32 = arith.constant 0 : i32
    %c0_i32_0 = arith.constant 0 : i32
    return %arg0, %c0_i32 : i32, i32
  }
  func.func @transform_4(%arg0: i32, %arg1: i32) -> (i32, i32) {
    %c0_i32 = arith.constant 0 : i32
    %c0_i32_0 = arith.constant 0 : i32
    return %c0_i32, %arg1 : i32, i32
  }
  func.func @transform_5(%arg0: i32, %arg1: i32) -> (i32, i32) {
    %c0_i32 = arith.constant 0 : i32
    %c0_i32_0 = arith.constant 0 : i32
    %c0_i32_1 = arith.constant 0 : i32
    return %c0_i32, %c0_i32_0 : i32, i32
  }
  func.func @transform_6(%arg0: i32, %arg1: i32) -> (i32, i32) {
    %c0_i32 = arith.constant 0 : i32
    %c0_i32_0 = arith.constant 0 : i32
    %c0_i32_1 = arith.constant 0 : i32
    return %c0_i32, %c0_i32_0 : i32, i32
  }
  func.func @transform_7(%arg0: i32, %arg1: i32) -> (i32, i32) {
    %c0_i32 = arith.constant 0 : i32
    %c0_i32_0 = arith.constant 0 : i32
    %c0_i32_1 = arith.constant 0 : i32
    return %c0_i32, %c0_i32_0 : i32, i32
  }
  func.func @transform_8(%arg0: i32, %arg1: i32) -> (i32, i32) {
    %c0_i32 = arith.constant 0 : i32
    %c0_i32_0 = arith.constant 0 : i32
    return %arg0, %c0_i32 : i32, i32
  }
  func.func @transform_9(%arg0: i32, %arg1: i32) -> (i32, i32) {
    %c0_i32 = arith.constant 0 : i32
    %c0_i32_0 = arith.constant 0 : i32
    return %arg0, %c0_i32 : i32, i32
  }
}

module attributes {stable_mosaic.version = 14 : i64} {
  func.func @_gat_pre_kernel(%arg0: i32, %arg1: memref<512x512xf32, #tpu.memory_space<vmem>>, %arg2: memref<512x512xf32, #tpu.memory_space<vmem>>, %arg3: memref<4x128xf32, #tpu.memory_space<vmem>>, %arg4: memref<4x128xf32, #tpu.memory_space<vmem>>, %arg5: memref<512x512xf32, #tpu.memory_space<vmem>>, %arg6: memref<512x4xf32, #tpu.memory_space<vmem>>, %arg7: memref<512x4xf32, #tpu.memory_space<vmem>>, %arg8: memref<4x512xf32, #tpu.memory_space<vmem>>) attributes {dimension_semantics = [#tpu.dimension_semantics<arbitrary>], iteration_bounds = array<i64: 8>, scalar_prefetch = 0 : i64, scratch_operands = 0 : i64, tpu.core_type = #tpu.core_type<tc>, window_params = [{transform_indices = @transform_0, window_bounds = array<i64: 512, 512>}, {pipeline_mode = #tpu.pipeline_mode<synchronous>, transform_indices = @transform_1, window_bounds = array<i64: 512, 512>}, {pipeline_mode = #tpu.pipeline_mode<synchronous>, transform_indices = @transform_2, window_bounds = array<i64: 4, 128>}, {pipeline_mode = #tpu.pipeline_mode<synchronous>, transform_indices = @transform_3, window_bounds = array<i64: 4, 128>}, {transform_indices = @transform_4, window_bounds = array<i64: 512, 512>}, {transform_indices = @transform_5, window_bounds = array<i64: 512, 4>}, {transform_indices = @transform_6, window_bounds = array<i64: 512, 4>}, {transform_indices = @transform_7, window_bounds = array<i64: 4, 512>}]} {
    %get3A = arith.constant 0 : index
    %get3A_0 = arith.constant 0 : index
    %get3A_1 = vector.load %arg1[%get3A, %get3A_0] : memref<512x512xf32, #tpu.memory_space<vmem>>, vector<512x512xf32>
    %get3A_2 = arith.constant 0 : index
    %get3A_3 = arith.constant 0 : index
    %get3A_4 = vector.load %arg2[%get3A_2, %get3A_3] : memref<512x512xf32, #tpu.memory_space<vmem>>, vector<512x512xf32>
    %dot_general3A = arith.constant dense<0.000000e+00> : vector<512x512xf32>
    %dot_general3A_5 = tpu.matmul %get3A_1, %get3A_4, %dot_general3A {dimension_numbers = #tpu.dot_dimension_numbers<[1], [1], [0], [0], [0, 0, 1, 0], [], []>, transpose_lhs_hint = false} : vector<512x512xf32>, vector<512x512xf32>, vector<512x512xf32> -> vector<512x512xf32>
    %swap3A = arith.constant 0 : index
    %swap3A_6 = arith.constant 0 : index
    %swap3A_7 = vector.load %arg5[%swap3A, %swap3A_6] : memref<512x512xf32, #tpu.memory_space<vmem>>, vector<512x512xf32>
    tpu.vector_store %arg5[%swap3A, %swap3A_6], %dot_general3A_5 {strides = array<i32>} : memref<512x512xf32, #tpu.memory_space<vmem>>, vector<512x512xf32>,
    %slice3A = vector.extract_strided_slice %dot_general3A_5 {offsets = [0, 0], sizes = [512, 128], strides = [1, 1]} : vector<512x512xf32> to vector<512x128xf32>
    %get3A_8 = arith.constant 0 : index
    %get3A_9 = arith.constant 0 : index
    %get3A_10 = vector.load %arg3[%get3A_8, %get3A_9] : memref<4x128xf32, #tpu.memory_space<vmem>>, vector<1x128xf32>
    %get3A_11 = vector.shape_cast %get3A_10 : vector<1x128xf32> to vector<128xf32>
    %broadcast_in_dim3A = vector.shape_cast %get3A_11 : vector<128xf32> to vector<1x128xf32>
    %mul3A = vector.broadcast %broadcast_in_dim3A : vector<1x128xf32> to vector<512x128xf32>
    %mul3A_12 = arith.mulf %slice3A, %mul3A : vector<512x128xf32>
    %reduce_sum3A = arith.constant dense<0.000000e+00> : vector<512xf32>
    %reduce_sum3A_13 = vector.multi_reduction <add>, %mul3A_12, %reduce_sum3A [1] : vector<512x128xf32> to vector<512xf32>
    %broadcast_in_dim3A_14 = vector.shape_cast %reduce_sum3A_13 : vector<512xf32> to vector<512x1xf32>
    %get3A_15 = arith.constant 0 : index
    %get3A_16 = arith.constant 0 : index
    %get3A_17 = vector.load %arg4[%get3A_15, %get3A_16] : memref<4x128xf32, #tpu.memory_space<vmem>>, vector<1x128xf32>
    %get3A_18 = vector.shape_cast %get3A_17 : vector<1x128xf32> to vector<128xf32>
    %broadcast_in_dim3A_19 = vector.shape_cast %get3A_18 : vector<128xf32> to vector<1x128xf32>
    %mul3A_20 = vector.broadcast %broadcast_in_dim3A_19 : vector<1x128xf32> to vector<512x128xf32>
    %mul3A_21 = arith.mulf %slice3A, %mul3A_20 : vector<512x128xf32>
    %reduce_sum3A_22 = arith.constant dense<0.000000e+00> : vector<512xf32>
    %reduce_sum3A_23 = vector.multi_reduction <add>, %mul3A_21, %reduce_sum3A_22 [1] : vector<512x128xf32> to vector<512xf32>
    %broadcast_in_dim3A_24 = vector.shape_cast %reduce_sum3A_23 : vector<512xf32> to vector<512x1xf32>
    %swap3A_25 = arith.constant 0 : index
    %swap3A_26 = arith.constant 0 : index
    %swap3A_27 = vector.load %arg6[%swap3A_25, %swap3A_26] : memref<512x4xf32, #tpu.memory_space<vmem>>, vector<512x1xf32>
    tpu.vector_store %arg6[%swap3A_25, %swap3A_26], %broadcast_in_dim3A_14 {strides = array<i32>} : memref<512x4xf32, #tpu.memory_space<vmem>>, vector<512x1xf32>,
    %swap3A_28 = arith.constant 0 : index
    %swap3A_29 = arith.constant 0 : index
    %swap3A_30 = vector.load %arg7[%swap3A_28, %swap3A_29] : memref<512x4xf32, #tpu.memory_space<vmem>>, vector<512x1xf32>
    tpu.vector_store %arg7[%swap3A_28, %swap3A_29], %broadcast_in_dim3A_24 {strides = array<i32>} : memref<512x4xf32, #tpu.memory_space<vmem>>, vector<512x1xf32>,
    %get3A_31 = arith.constant 0 : index
    %get3A_32 = arith.constant 0 : index
    %get3A_33 = vector.load %arg3[%get3A_31, %get3A_32] : memref<4x128xf32, #tpu.memory_space<vmem>>, vector<1x128xf32>
    %dot_general3A_34 = arith.constant dense<0.000000e+00> : vector<1x512xf32>
    %dot_general3A_35 = tpu.matmul %get3A_33, %slice3A, %dot_general3A_34 {dimension_numbers = #tpu.dot_dimension_numbers<[1], [1], [0], [0], [0, 0, 1, 0], [], []>, transpose_lhs_hint = false} : vector<1x128xf32>, vector<512x128xf32>, vector<1x512xf32> -> vector<1x512xf32>
    %swap3A_36 = arith.constant 0 : index
    %swap3A_37 = arith.constant 0 : index
    %swap3A_38 = vector.load %arg8[%swap3A_36, %swap3A_37] : memref<4x512xf32, #tpu.memory_space<vmem>>, vector<1x512xf32>
    tpu.vector_store %arg8[%swap3A_36, %swap3A_37], %dot_general3A_35 {strides = array<i32>} : memref<4x512xf32, #tpu.memory_space<vmem>>, vector<1x512xf32>,
    %slice3A_39 = vector.extract_strided_slice %dot_general3A_5 {offsets = [0, 128], sizes = [512, 128], strides = [1, 1]} : vector<512x512xf32> to vector<512x128xf32>
    %get3A_40 = arith.constant 1 : index
    %get3A_41 = arith.constant 0 : index
    %get3A_42 = vector.load %arg3[%get3A_40, %get3A_41] : memref<4x128xf32, #tpu.memory_space<vmem>>, vector<1x128xf32>
    %get3A_43 = vector.shape_cast %get3A_42 : vector<1x128xf32> to vector<128xf32>
    %broadcast_in_dim3A_44 = vector.shape_cast %get3A_43 : vector<128xf32> to vector<1x128xf32>
    %mul3A_45 = vector.broadcast %broadcast_in_dim3A_44 : vector<1x128xf32> to vector<512x128xf32>
    %mul3A_46 = arith.mulf %slice3A_39, %mul3A_45 : vector<512x128xf32>
    %reduce_sum3A_47 = arith.constant dense<0.000000e+00> : vector<512xf32>
    %reduce_sum3A_48 = vector.multi_reduction <add>, %mul3A_46, %reduce_sum3A_47 [1] : vector<512x128xf32> to vector<512xf32>
    %broadcast_in_dim3A_49 = vector.shape_cast %reduce_sum3A_48 : vector<512xf32> to vector<512x1xf32>
    %get3A_50 = arith.constant 1 : index
    %get3A_51 = arith.constant 0 : index
    %get3A_52 = vector.load %arg4[%get3A_50, %get3A_51] : memref<4x128xf32, #tpu.memory_space<vmem>>, vector<1x128xf32>
    %get3A_53 = vector.shape_cast %get3A_52 : vector<1x128xf32> to vector<128xf32>
    %broadcast_in_dim3A_54 = vector.shape_cast %get3A_53 : vector<128xf32> to vector<1x128xf32>
    %mul3A_55 = vector.broadcast %broadcast_in_dim3A_54 : vector<1x128xf32> to vector<512x128xf32>
    %mul3A_56 = arith.mulf %slice3A_39, %mul3A_55 : vector<512x128xf32>
    %reduce_sum3A_57 = arith.constant dense<0.000000e+00> : vector<512xf32>
    %reduce_sum3A_58 = vector.multi_reduction <add>, %mul3A_56, %reduce_sum3A_57 [1] : vector<512x128xf32> to vector<512xf32>
    %broadcast_in_dim3A_59 = vector.shape_cast %reduce_sum3A_58 : vector<512xf32> to vector<512x1xf32>
    %swap3A_60 = arith.constant 0 : index
    %swap3A_61 = arith.constant 1 : index
    %swap3A_62 = vector.load %arg6[%swap3A_60, %swap3A_61] : memref<512x4xf32, #tpu.memory_space<vmem>>, vector<512x1xf32>
    tpu.vector_store %arg6[%swap3A_60, %swap3A_61], %broadcast_in_dim3A_49 {strides = array<i32>} : memref<512x4xf32, #tpu.memory_space<vmem>>, vector<512x1xf32>,
    %swap3A_63 = arith.constant 0 : index
    %swap3A_64 = arith.constant 1 : index
    %swap3A_65 = vector.load %arg7[%swap3A_63, %swap3A_64] : memref<512x4xf32, #tpu.memory_space<vmem>>, vector<512x1xf32>
    tpu.vector_store %arg7[%swap3A_63, %swap3A_64], %broadcast_in_dim3A_59 {strides = array<i32>} : memref<512x4xf32, #tpu.memory_space<vmem>>, vector<512x1xf32>,
    %get3A_66 = arith.constant 1 : index
    %get3A_67 = arith.constant 0 : index
    %get3A_68 = vector.load %arg3[%get3A_66, %get3A_67] : memref<4x128xf32, #tpu.memory_space<vmem>>, vector<1x128xf32>
    %dot_general3A_69 = arith.constant dense<0.000000e+00> : vector<1x512xf32>
    %dot_general3A_70 = tpu.matmul %get3A_68, %slice3A_39, %dot_general3A_69 {dimension_numbers = #tpu.dot_dimension_numbers<[1], [1], [0], [0], [0, 0, 1, 0], [], []>, transpose_lhs_hint = false} : vector<1x128xf32>, vector<512x128xf32>, vector<1x512xf32> -> vector<1x512xf32>
    %swap3A_71 = arith.constant 1 : index
    %swap3A_72 = arith.constant 0 : index
    %swap3A_73 = vector.load %arg8[%swap3A_71, %swap3A_72] : memref<4x512xf32, #tpu.memory_space<vmem>>, vector<1x512xf32>
    tpu.vector_store %arg8[%swap3A_71, %swap3A_72], %dot_general3A_70 {strides = array<i32>} : memref<4x512xf32, #tpu.memory_space<vmem>>, vector<1x512xf32>,
    %slice3A_74 = vector.extract_strided_slice %dot_general3A_5 {offsets = [0, 256], sizes = [512, 128], strides = [1, 1]} : vector<512x512xf32> to vector<512x128xf32>
    %get3A_75 = arith.constant 2 : index
    %get3A_76 = arith.constant 0 : index
    %get3A_77 = vector.load %arg3[%get3A_75, %get3A_76] : memref<4x128xf32, #tpu.memory_space<vmem>>, vector<1x128xf32>
    %get3A_78 = vector.shape_cast %get3A_77 : vector<1x128xf32> to vector<128xf32>
    %broadcast_in_dim3A_79 = vector.shape_cast %get3A_78 : vector<128xf32> to vector<1x128xf32>
    %mul3A_80 = vector.broadcast %broadcast_in_dim3A_79 : vector<1x128xf32> to vector<512x128xf32>
    %mul3A_81 = arith.mulf %slice3A_74, %mul3A_80 : vector<512x128xf32>
    %reduce_sum3A_82 = arith.constant dense<0.000000e+00> : vector<512xf32>
    %reduce_sum3A_83 = vector.multi_reduction <add>, %mul3A_81, %reduce_sum3A_82 [1] : vector<512x128xf32> to vector<512xf32>
    %broadcast_in_dim3A_84 = vector.shape_cast %reduce_sum3A_83 : vector<512xf32> to vector<512x1xf32>
    %get3A_85 = arith.constant 2 : index
    %get3A_86 = arith.constant 0 : index
    %get3A_87 = vector.load %arg4[%get3A_85, %get3A_86] : memref<4x128xf32, #tpu.memory_space<vmem>>, vector<1x128xf32>
    %get3A_88 = vector.shape_cast %get3A_87 : vector<1x128xf32> to vector<128xf32>
    %broadcast_in_dim3A_89 = vector.shape_cast %get3A_88 : vector<128xf32> to vector<1x128xf32>
    %mul3A_90 = vector.broadcast %broadcast_in_dim3A_89 : vector<1x128xf32> to vector<512x128xf32>
    %mul3A_91 = arith.mulf %slice3A_74, %mul3A_90 : vector<512x128xf32>
    %reduce_sum3A_92 = arith.constant dense<0.000000e+00> : vector<512xf32>
    %reduce_sum3A_93 = vector.multi_reduction <add>, %mul3A_91, %reduce_sum3A_92 [1] : vector<512x128xf32> to vector<512xf32>
    %broadcast_in_dim3A_94 = vector.shape_cast %reduce_sum3A_93 : vector<512xf32> to vector<512x1xf32>
    %swap3A_95 = arith.constant 0 : index
    %swap3A_96 = arith.constant 2 : index
    %swap3A_97 = vector.load %arg6[%swap3A_95, %swap3A_96] : memref<512x4xf32, #tpu.memory_space<vmem>>, vector<512x1xf32>
    tpu.vector_store %arg6[%swap3A_95, %swap3A_96], %broadcast_in_dim3A_84 {strides = array<i32>} : memref<512x4xf32, #tpu.memory_space<vmem>>, vector<512x1xf32>,
    %swap3A_98 = arith.constant 0 : index
    %swap3A_99 = arith.constant 2 : index
    %swap3A_100 = vector.load %arg7[%swap3A_98, %swap3A_99] : memref<512x4xf32, #tpu.memory_space<vmem>>, vector<512x1xf32>
    tpu.vector_store %arg7[%swap3A_98, %swap3A_99], %broadcast_in_dim3A_94 {strides = array<i32>} : memref<512x4xf32, #tpu.memory_space<vmem>>, vector<512x1xf32>,
    %get3A_101 = arith.constant 2 : index
    %get3A_102 = arith.constant 0 : index
    %get3A_103 = vector.load %arg3[%get3A_101, %get3A_102] : memref<4x128xf32, #tpu.memory_space<vmem>>, vector<1x128xf32>
    %dot_general3A_104 = arith.constant dense<0.000000e+00> : vector<1x512xf32>
    %dot_general3A_105 = tpu.matmul %get3A_103, %slice3A_74, %dot_general3A_104 {dimension_numbers = #tpu.dot_dimension_numbers<[1], [1], [0], [0], [0, 0, 1, 0], [], []>, transpose_lhs_hint = false} : vector<1x128xf32>, vector<512x128xf32>, vector<1x512xf32> -> vector<1x512xf32>
    %swap3A_106 = arith.constant 2 : index
    %swap3A_107 = arith.constant 0 : index
    %swap3A_108 = vector.load %arg8[%swap3A_106, %swap3A_107] : memref<4x512xf32, #tpu.memory_space<vmem>>, vector<1x512xf32>
    tpu.vector_store %arg8[%swap3A_106, %swap3A_107], %dot_general3A_105 {strides = array<i32>} : memref<4x512xf32, #tpu.memory_space<vmem>>, vector<1x512xf32>,
    %slice3A_109 = vector.extract_strided_slice %dot_general3A_5 {offsets = [0, 384], sizes = [512, 128], strides = [1, 1]} : vector<512x512xf32> to vector<512x128xf32>
    %get3A_110 = arith.constant 3 : index
    %get3A_111 = arith.constant 0 : index
    %get3A_112 = vector.load %arg3[%get3A_110, %get3A_111] : memref<4x128xf32, #tpu.memory_space<vmem>>, vector<1x128xf32>
    %get3A_113 = vector.shape_cast %get3A_112 : vector<1x128xf32> to vector<128xf32>
    %broadcast_in_dim3A_114 = vector.shape_cast %get3A_113 : vector<128xf32> to vector<1x128xf32>
    %mul3A_115 = vector.broadcast %broadcast_in_dim3A_114 : vector<1x128xf32> to vector<512x128xf32>
    %mul3A_116 = arith.mulf %slice3A_109, %mul3A_115 : vector<512x128xf32>
    %reduce_sum3A_117 = arith.constant dense<0.000000e+00> : vector<512xf32>
    %reduce_sum3A_118 = vector.multi_reduction <add>, %mul3A_116, %reduce_sum3A_117 [1] : vector<512x128xf32> to vector<512xf32>
    %broadcast_in_dim3A_119 = vector.shape_cast %reduce_sum3A_118 : vector<512xf32> to vector<512x1xf32>
    %get3A_120 = arith.constant 3 : index
    %get3A_121 = arith.constant 0 : index
    %get3A_122 = vector.load %arg4[%get3A_120, %get3A_121] : memref<4x128xf32, #tpu.memory_space<vmem>>, vector<1x128xf32>
    %get3A_123 = vector.shape_cast %get3A_122 : vector<1x128xf32> to vector<128xf32>
    %broadcast_in_dim3A_124 = vector.shape_cast %get3A_123 : vector<128xf32> to vector<1x128xf32>
    %mul3A_125 = vector.broadcast %broadcast_in_dim3A_124 : vector<1x128xf32> to vector<512x128xf32>
    %mul3A_126 = arith.mulf %slice3A_109, %mul3A_125 : vector<512x128xf32>
    %reduce_sum3A_127 = arith.constant dense<0.000000e+00> : vector<512xf32>
    %reduce_sum3A_128 = vector.multi_reduction <add>, %mul3A_126, %reduce_sum3A_127 [1] : vector<512x128xf32> to vector<512xf32>
    %broadcast_in_dim3A_129 = vector.shape_cast %reduce_sum3A_128 : vector<512xf32> to vector<512x1xf32>
    %swap3A_130 = arith.constant 0 : index
    %swap3A_131 = arith.constant 3 : index
    %swap3A_132 = vector.load %arg6[%swap3A_130, %swap3A_131] : memref<512x4xf32, #tpu.memory_space<vmem>>, vector<512x1xf32>
    tpu.vector_store %arg6[%swap3A_130, %swap3A_131], %broadcast_in_dim3A_119 {strides = array<i32>} : memref<512x4xf32, #tpu.memory_space<vmem>>, vector<512x1xf32>,
    %swap3A_133 = arith.constant 0 : index
    %swap3A_134 = arith.constant 3 : index
    %swap3A_135 = vector.load %arg7[%swap3A_133, %swap3A_134] : memref<512x4xf32, #tpu.memory_space<vmem>>, vector<512x1xf32>
    tpu.vector_store %arg7[%swap3A_133, %swap3A_134], %broadcast_in_dim3A_129 {strides = array<i32>} : memref<512x4xf32, #tpu.memory_space<vmem>>, vector<512x1xf32>,
    %get3A_136 = arith.constant 3 : index
    %get3A_137 = arith.constant 0 : index
    %get3A_138 = vector.load %arg3[%get3A_136, %get3A_137] : memref<4x128xf32, #tpu.memory_space<vmem>>, vector<1x128xf32>
    %dot_general3A_139 = arith.constant dense<0.000000e+00> : vector<1x512xf32>
    %dot_general3A_140 = tpu.matmul %get3A_138, %slice3A_109, %dot_general3A_139 {dimension_numbers = #tpu.dot_dimension_numbers<[1], [1], [0], [0], [0, 0, 1, 0], [], []>, transpose_lhs_hint = false} : vector<1x128xf32>, vector<512x128xf32>, vector<1x512xf32> -> vector<1x512xf32>
    %swap3A_141 = arith.constant 3 : index
    %swap3A_142 = arith.constant 0 : index
    %swap3A_143 = vector.load %arg8[%swap3A_141, %swap3A_142] : memref<4x512xf32, #tpu.memory_space<vmem>>, vector<1x512xf32>
    tpu.vector_store %arg8[%swap3A_141, %swap3A_142], %dot_general3A_140 {strides = array<i32>} : memref<4x512xf32, #tpu.memory_space<vmem>>, vector<1x512xf32>,
    return
  }
  func.func @transform_0(%arg0: i32) -> (i32, i32) {
    %c0_i32 = arith.constant 0 : i32
    %c0_i32_0 = arith.constant 0 : i32
    return %arg0, %c0_i32 : i32, i32
  }
  func.func @transform_1(%arg0: i32) -> (i32, i32) {
    %c0_i32 = arith.constant 0 : i32
    %c0_i32_0 = arith.constant 0 : i32
    %c0_i32_1 = arith.constant 0 : i32
    return %c0_i32, %c0_i32_0 : i32, i32
  }
  func.func @transform_2(%arg0: i32) -> (i32, i32) {
    %c0_i32 = arith.constant 0 : i32
    %c0_i32_0 = arith.constant 0 : i32
    %c0_i32_1 = arith.constant 0 : i32
    return %c0_i32, %c0_i32_0 : i32, i32
  }
  func.func @transform_3(%arg0: i32) -> (i32, i32) {
    %c0_i32 = arith.constant 0 : i32
    %c0_i32_0 = arith.constant 0 : i32
    %c0_i32_1 = arith.constant 0 : i32
    return %c0_i32, %c0_i32_0 : i32, i32
  }
  func.func @transform_4(%arg0: i32) -> (i32, i32) {
    %c0_i32 = arith.constant 0 : i32
    %c0_i32_0 = arith.constant 0 : i32
    return %arg0, %c0_i32 : i32, i32
  }
  func.func @transform_5(%arg0: i32) -> (i32, i32) {
    %c0_i32 = arith.constant 0 : i32
    %c0_i32_0 = arith.constant 0 : i32
    return %arg0, %c0_i32 : i32, i32
  }
  func.func @transform_6(%arg0: i32) -> (i32, i32) {
    %c0_i32 = arith.constant 0 : i32
    %c0_i32_0 = arith.constant 0 : i32
    return %arg0, %c0_i32 : i32, i32
  }
  func.func @transform_7(%arg0: i32) -> (i32, i32) {
    %c0_i32 = arith.constant 0 : i32
    %c0_i32_0 = arith.constant 0 : i32
    return %c0_i32, %arg0 : i32, i32
  }
}

module attributes {stable_mosaic.version = 14 : i64} {
  func.func @_gat_flash_kernel(%arg0: i32, %arg1: i32, %arg2: memref<512x512xf32, #tpu.memory_space<vmem>>, %arg3: memref<512x512xf32, #tpu.memory_space<vmem>>, %arg4: memref<4096x4xf32, #tpu.memory_space<vmem>>, %arg5: memref<512x4xf32, #tpu.memory_space<vmem>>, %arg6: memref<4x512xf32, #tpu.memory_space<vmem>>, %arg7: memref<1x512xf32, #tpu.memory_space<vmem>>, %arg8: memref<1x512xf32, #tpu.memory_space<vmem>>, %arg9: memref<1x512xf32, #tpu.memory_space<vmem>>, %arg10: memref<512x512xf32, #tpu.memory_space<vmem>>, %arg11: memref<512x512xf32, #tpu.memory_space<vmem>>, %arg12: memref<512x512xf32, #tpu.memory_space<vmem>>, %arg13: memref<512x4xf32, #tpu.memory_space<vmem>>) attributes {dimension_semantics = [#tpu.dimension_semantics<parallel>, #tpu.dimension_semantics<arbitrary>], iteration_bounds = array<i64: 8, 8>, scalar_prefetch = 0 : i64, scratch_operands = 2 : i64, tpu.core_type = #tpu.core_type<tc>, window_params = [{transform_indices = @transform_0, window_bounds = array<i64: 512, 512>}, {transform_indices = @transform_1, window_bounds = array<i64: 512, 512>}, {pipeline_mode = #tpu.pipeline_mode<synchronous>, transform_indices = @transform_2, window_bounds = array<i64: 4096, 4>}, {transform_indices = @transform_3, window_bounds = array<i64: 512, 4>}, {transform_indices = @transform_4, window_bounds = array<i64: 4, 512>}, {pipeline_mode = #tpu.pipeline_mode<synchronous>, transform_indices = @transform_5, window_bounds = array<i64: 1, 512>}, {pipeline_mode = #tpu.pipeline_mode<synchronous>, transform_indices = @transform_6, window_bounds = array<i64: 1, 512>}, {pipeline_mode = #tpu.pipeline_mode<synchronous>, transform_indices = @transform_7, window_bounds = array<i64: 1, 512>}, {transform_indices = @transform_8, window_bounds = array<i64: 512, 512>}, {transform_indices = @transform_9, window_bounds = array<i64: 512, 512>}]} {
    %eq3A = arith.constant 0 : i32
    %eq3A_0 = arith.cmpi eq, %arg1, %eq3A : i32
    %convert_element_type3A = arith.extui %eq3A_0 : i1 to i32
    %cond3A = arith.constant 0 : i32
    %cond3A_1 = arith.cmpi ne, %convert_element_type3A, %cond3A : i32
    scf.if %cond3A_1 {
      %broadcast_in_dim3A_200 = arith.constant 0.000000e+00 : f32
      %broadcast_in_dim3A_201 = vector.broadcast %broadcast_in_dim3A_200 : f32 to vector<512x512xf32>
      %swap3A_202 = arith.constant 0 : index
      %swap3A_203 = arith.constant 0 : index
      %swap3A_204 = vector.load %arg12[%swap3A_202, %swap3A_203] : memref<512x512xf32, #tpu.memory_space<vmem>>, vector<512x512xf32>
      tpu.vector_store %arg12[%swap3A_202, %swap3A_203], %broadcast_in_dim3A_201 {strides = array<i32>} : memref<512x512xf32, #tpu.memory_space<vmem>>, vector<512x512xf32>,
      %broadcast_in_dim3A_205 = arith.constant 0.000000e+00 : f32
      %broadcast_in_dim3A_206 = vector.broadcast %broadcast_in_dim3A_205 : f32 to vector<512x4xf32>
      %swap3A_207 = arith.constant 0 : index
      %swap3A_208 = arith.constant 0 : index
      %swap3A_209 = vector.load %arg13[%swap3A_207, %swap3A_208] : memref<512x4xf32, #tpu.memory_space<vmem>>, vector<512x4xf32>
      tpu.vector_store %arg13[%swap3A_207, %swap3A_208], %broadcast_in_dim3A_206 {strides = array<i32>} : memref<512x4xf32, #tpu.memory_space<vmem>>, vector<512x4xf32>,
    } else {
    }
    %get3A = arith.constant 0 : index
    %get3A_2 = arith.constant 0 : index
    %get3A_3 = vector.load %arg2[%get3A, %get3A_2] : memref<512x512xf32, #tpu.memory_space<vmem>>, vector<512x512xf32>
    %get3A_4 = arith.constant 0 : index
    %get3A_5 = arith.constant 0 : index
    %get3A_6 = vector.load %arg4[%get3A_4, %get3A_5] : memref<4096x4xf32, #tpu.memory_space<vmem>>, vector<4096x4xf32>
    %reduce_max3A = arith.constant dense<0xFF800000> : vector<4xf32>
    %reduce_max3A_7 = vector.multi_reduction <maximumf>, %get3A_6, %reduce_max3A [0] : vector<4096x4xf32> to vector<4xf32>
    %broadcast_in_dim3A = vector.shape_cast %reduce_max3A_7 : vector<4xf32> to vector<1x4xf32>
    %get3A_8 = arith.constant 0 : index
    %get3A_9 = arith.constant 0 : index
    %get3A_10 = vector.load %arg5[%get3A_8, %get3A_9] : memref<512x4xf32, #tpu.memory_space<vmem>>, vector<512x4xf32>
    %add3A = vector.broadcast %broadcast_in_dim3A : vector<1x4xf32> to vector<512x4xf32>
    %add3A_11 = arith.addf %get3A_10, %add3A : vector<512x4xf32>
    %gt3A = arith.constant 0.000000e+00 : f32
    %gt3A_12 = vector.broadcast %gt3A : f32 to vector<512x4xf32>
    %gt3A_13 = arith.cmpf ogt, %add3A_11, %gt3A_12 : vector<512x4xf32>
    %mul3A = arith.constant 2.000000e-01 : f32
    %mul3A_14 = vector.broadcast %mul3A : f32 to vector<512x4xf32>
    %mul3A_15 = arith.mulf %mul3A_14, %add3A_11 : vector<512x4xf32>
    %select_n3A = arith.select %gt3A_13, %add3A_11, %mul3A_15 : vector<512x4xi1>, vector<512x4xf32>
    %sub3A = arith.subf %get3A_10, %select_n3A : vector<512x4xf32>
    %exp3A = math.exp %sub3A : vector<512x4xf32>
    %mul3A_16 = arith.constant 2.000000e-01 : f32
    %mul3A_17 = vector.broadcast %mul3A_16 : f32 to vector<512x4xf32>
    %mul3A_18 = arith.mulf %mul3A_17, %get3A_10 : vector<512x4xf32>
    %sub3A_19 = arith.subf %mul3A_18, %select_n3A : vector<512x4xf32>
    %exp3A_20 = math.exp %sub3A_19 : vector<512x4xf32>
    %get3A_21 = arith.constant 0 : index
    %get3A_22 = arith.constant 0 : index
    %get3A_23 = vector.load %arg6[%get3A_21, %get3A_22] : memref<4x512xf32, #tpu.memory_space<vmem>>, vector<4x512xf32>
    %get3A_24 = arith.constant 0 : index
    %get3A_25 = arith.constant 0 : index
    %get3A_26 = vector.load %arg3[%get3A_24, %get3A_25] : memref<512x512xf32, #tpu.memory_space<vmem>>, vector<512x512xf32>
    %slice3A = vector.extract_strided_slice %get3A_23 {offsets = [0, 0], sizes = [1, 512], strides = [1, 1]} : vector<4x512xf32> to vector<1x512xf32>
    %slice3A_27 = vector.extract_strided_slice %get3A_10 {offsets = [0, 0], sizes = [512, 1], strides = [1, 1]} : vector<512x4xf32> to vector<512x1xf32>
    %add3A_28 = vector.broadcast %slice3A_27 : vector<512x1xf32> to vector<512x512xf32>
    %add3A_29 = vector.broadcast %slice3A : vector<1x512xf32> to vector<512x512xf32>
    %add3A_30 = arith.addf %add3A_28, %add3A_29 : vector<512x512xf32>
    %slice3A_31 = vector.extract_strided_slice %exp3A {offsets = [0, 0], sizes = [512, 1], strides = [1, 1]} : vector<512x4xf32> to vector<512x1xf32>
    %exp3A_32 = math.exp %slice3A : vector<1x512xf32>
    %mul3A_33 = vector.broadcast %slice3A_31 : vector<512x1xf32> to vector<512x512xf32>
    %mul3A_34 = vector.broadcast %exp3A_32 : vector<1x512xf32> to vector<512x512xf32>
    %mul3A_35 = arith.mulf %mul3A_33, %mul3A_34 : vector<512x512xf32>
    %slice3A_36 = vector.extract_strided_slice %exp3A_20 {offsets = [0, 0], sizes = [512, 1], strides = [1, 1]} : vector<512x4xf32> to vector<512x1xf32>
    %mul3A_37 = arith.constant 2.000000e-01 : f32
    %mul3A_38 = vector.broadcast %mul3A_37 : f32 to vector<1x512xf32>
    %mul3A_39 = arith.mulf %mul3A_38, %slice3A : vector<1x512xf32>
    %exp3A_40 = math.exp %mul3A_39 : vector<1x512xf32>
    %mul3A_41 = vector.broadcast %slice3A_36 : vector<512x1xf32> to vector<512x512xf32>
    %mul3A_42 = vector.broadcast %exp3A_40 : vector<1x512xf32> to vector<512x512xf32>
    %mul3A_43 = arith.mulf %mul3A_41, %mul3A_42 : vector<512x512xf32>
    %gt3A_44 = arith.constant 0.000000e+00 : f32
    %gt3A_45 = vector.broadcast %gt3A_44 : f32 to vector<512x512xf32>
    %gt3A_46 = arith.cmpf ogt, %add3A_30, %gt3A_45 : vector<512x512xf32>
    %select_n3A_47 = arith.select %gt3A_46, %mul3A_35, %mul3A_43 : vector<512x512xi1>, vector<512x512xf32>
    %mul3A_48 = arith.mulf %get3A_3, %select_n3A_47 : vector<512x512xf32>
    %get3A_49 = arith.constant 0 : index
    %get3A_50 = arith.constant 0 : index
    %get3A_51 = vector.load %arg12[%get3A_49, %get3A_50] : memref<512x512xf32, #tpu.memory_space<vmem>>, vector<512x128xf32>
    %slice3A_52 = vector.extract_strided_slice %get3A_26 {offsets = [0, 0], sizes = [512, 128], strides = [1, 1]} : vector<512x512xf32> to vector<512x128xf32>
    %dot_general3A = arith.constant dense<0.000000e+00> : vector<512x128xf32>
    %dot_general3A_53 = tpu.matmul %mul3A_48, %slice3A_52, %dot_general3A {dimension_numbers = #tpu.dot_dimension_numbers<[1], [0], [0], [1], [0, 0, 1, 1], [], []>, transpose_lhs_hint = false} : vector<512x512xf32>, vector<512x128xf32>, vector<512x128xf32> -> vector<512x128xf32>
    %add3A_54 = arith.addf %get3A_51, %dot_general3A_53 : vector<512x128xf32>
    %swap3A = arith.constant 0 : index
    %swap3A_55 = arith.constant 0 : index
    %swap3A_56 = vector.load %arg12[%swap3A, %swap3A_55] : memref<512x512xf32, #tpu.memory_space<vmem>>, vector<512x128xf32>
    tpu.vector_store %arg12[%swap3A, %swap3A_55], %add3A_54 {strides = array<i32>} : memref<512x512xf32, #tpu.memory_space<vmem>>, vector<512x128xf32>,
    %get3A_57 = arith.constant 0 : index
    %get3A_58 = arith.constant 0 : index
    %get3A_59 = vector.load %arg13[%get3A_57, %get3A_58] : memref<512x4xf32, #tpu.memory_space<vmem>>, vector<512x1xf32>
    %reduce_sum3A = arith.constant dense<0.000000e+00> : vector<512xf32>
    %reduce_sum3A_60 = vector.multi_reduction <add>, %mul3A_48, %reduce_sum3A [1] : vector<512x512xf32> to vector<512xf32>
    %broadcast_in_dim3A_61 = vector.shape_cast %reduce_sum3A_60 : vector<512xf32> to vector<512x1xf32>
    %add3A_62 = arith.addf %get3A_59, %broadcast_in_dim3A_61 : vector<512x1xf32>
    %swap3A_63 = arith.constant 0 : index
    %swap3A_64 = arith.constant 0 : index
    %swap3A_65 = vector.load %arg13[%swap3A_63, %swap3A_64] : memref<512x4xf32, #tpu.memory_space<vmem>>, vector<512x1xf32>
    tpu.vector_store %arg13[%swap3A_63, %swap3A_64], %add3A_62 {strides = array<i32>} : memref<512x4xf32, #tpu.memory_space<vmem>>, vector<512x1xf32>,
    %slice3A_66 = vector.extract_strided_slice %get3A_23 {offsets = [1, 0], sizes = [1, 512], strides = [1, 1]} : vector<4x512xf32> to vector<1x512xf32>
    %slice3A_67 = vector.extract_strided_slice %get3A_10 {offsets = [0, 1], sizes = [512, 1], strides = [1, 1]} : vector<512x4xf32> to vector<512x1xf32>
    %add3A_68 = vector.broadcast %slice3A_67 : vector<512x1xf32> to vector<512x512xf32>
    %add3A_69 = vector.broadcast %slice3A_66 : vector<1x512xf32> to vector<512x512xf32>
    %add3A_70 = arith.addf %add3A_68, %add3A_69 : vector<512x512xf32>
    %slice3A_71 = vector.extract_strided_slice %exp3A {offsets = [0, 1], sizes = [512, 1], strides = [1, 1]} : vector<512x4xf32> to vector<512x1xf32>
    %exp3A_72 = math.exp %slice3A_66 : vector<1x512xf32>
    %mul3A_73 = vector.broadcast %slice3A_71 : vector<512x1xf32> to vector<512x512xf32>
    %mul3A_74 = vector.broadcast %exp3A_72 : vector<1x512xf32> to vector<512x512xf32>
    %mul3A_75 = arith.mulf %mul3A_73, %mul3A_74 : vector<512x512xf32>
    %slice3A_76 = vector.extract_strided_slice %exp3A_20 {offsets = [0, 1], sizes = [512, 1], strides = [1, 1]} : vector<512x4xf32> to vector<512x1xf32>
    %mul3A_77 = arith.constant 2.000000e-01 : f32
    %mul3A_78 = vector.broadcast %mul3A_77 : f32 to vector<1x512xf32>
    %mul3A_79 = arith.mulf %mul3A_78, %slice3A_66 : vector<1x512xf32>
    %exp3A_80 = math.exp %mul3A_79 : vector<1x512xf32>
    %mul3A_81 = vector.broadcast %slice3A_76 : vector<512x1xf32> to vector<512x512xf32>
    %mul3A_82 = vector.broadcast %exp3A_80 : vector<1x512xf32> to vector<512x512xf32>
    %mul3A_83 = arith.mulf %mul3A_81, %mul3A_82 : vector<512x512xf32>
    %gt3A_84 = arith.constant 0.000000e+00 : f32
    %gt3A_85 = vector.broadcast %gt3A_84 : f32 to vector<512x512xf32>
    %gt3A_86 = arith.cmpf ogt, %add3A_70, %gt3A_85 : vector<512x512xf32>
    %select_n3A_87 = arith.select %gt3A_86, %mul3A_75, %mul3A_83 : vector<512x512xi1>, vector<512x512xf32>
    %mul3A_88 = arith.mulf %get3A_3, %select_n3A_87 : vector<512x512xf32>
    %get3A_89 = arith.constant 0 : index
    %get3A_90 = arith.constant 128 : index
    %get3A_91 = vector.load %arg12[%get3A_89, %get3A_90] : memref<512x512xf32, #tpu.memory_space<vmem>>, vector<512x128xf32>
    %slice3A_92 = vector.extract_strided_slice %get3A_26 {offsets = [0, 128], sizes = [512, 128], strides = [1, 1]} : vector<512x512xf32> to vector<512x128xf32>
    %dot_general3A_93 = arith.constant dense<0.000000e+00> : vector<512x128xf32>
    %dot_general3A_94 = tpu.matmul %mul3A_88, %slice3A_92, %dot_general3A_93 {dimension_numbers = #tpu.dot_dimension_numbers<[1], [0], [0], [1], [0, 0, 1, 1], [], []>, transpose_lhs_hint = false} : vector<512x512xf32>, vector<512x128xf32>, vector<512x128xf32> -> vector<512x128xf32>
    %add3A_95 = arith.addf %get3A_91, %dot_general3A_94 : vector<512x128xf32>
    %swap3A_96 = arith.constant 0 : index
    %swap3A_97 = arith.constant 128 : index
    %swap3A_98 = vector.load %arg12[%swap3A_96, %swap3A_97] : memref<512x512xf32, #tpu.memory_space<vmem>>, vector<512x128xf32>
    tpu.vector_store %arg12[%swap3A_96, %swap3A_97], %add3A_95 {strides = array<i32>} : memref<512x512xf32, #tpu.memory_space<vmem>>, vector<512x128xf32>,
    %get3A_99 = arith.constant 0 : index
    %get3A_100 = arith.constant 1 : index
    %get3A_101 = vector.load %arg13[%get3A_99, %get3A_100] : memref<512x4xf32, #tpu.memory_space<vmem>>, vector<512x1xf32>
    %reduce_sum3A_102 = arith.constant dense<0.000000e+00> : vector<512xf32>
    %reduce_sum3A_103 = vector.multi_reduction <add>, %mul3A_88, %reduce_sum3A_102 [1] : vector<512x512xf32> to vector<512xf32>
    %broadcast_in_dim3A_104 = vector.shape_cast %reduce_sum3A_103 : vector<512xf32> to vector<512x1xf32>
    %add3A_105 = arith.addf %get3A_101, %broadcast_in_dim3A_104 : vector<512x1xf32>
    %swap3A_106 = arith.constant 0 : index
    %swap3A_107 = arith.constant 1 : index
    %swap3A_108 = vector.load %arg13[%swap3A_106, %swap3A_107] : memref<512x4xf32, #tpu.memory_space<vmem>>, vector<512x1xf32>
    tpu.vector_store %arg13[%swap3A_106, %swap3A_107], %add3A_105 {strides = array<i32>} : memref<512x4xf32, #tpu.memory_space<vmem>>, vector<512x1xf32>,
    %slice3A_109 = vector.extract_strided_slice %get3A_23 {offsets = [2, 0], sizes = [1, 512], strides = [1, 1]} : vector<4x512xf32> to vector<1x512xf32>
    %slice3A_110 = vector.extract_strided_slice %get3A_10 {offsets = [0, 2], sizes = [512, 1], strides = [1, 1]} : vector<512x4xf32> to vector<512x1xf32>
    %add3A_111 = vector.broadcast %slice3A_110 : vector<512x1xf32> to vector<512x512xf32>
    %add3A_112 = vector.broadcast %slice3A_109 : vector<1x512xf32> to vector<512x512xf32>
    %add3A_113 = arith.addf %add3A_111, %add3A_112 : vector<512x512xf32>
    %slice3A_114 = vector.extract_strided_slice %exp3A {offsets = [0, 2], sizes = [512, 1], strides = [1, 1]} : vector<512x4xf32> to vector<512x1xf32>
    %exp3A_115 = math.exp %slice3A_109 : vector<1x512xf32>
    %mul3A_116 = vector.broadcast %slice3A_114 : vector<512x1xf32> to vector<512x512xf32>
    %mul3A_117 = vector.broadcast %exp3A_115 : vector<1x512xf32> to vector<512x512xf32>
    %mul3A_118 = arith.mulf %mul3A_116, %mul3A_117 : vector<512x512xf32>
    %slice3A_119 = vector.extract_strided_slice %exp3A_20 {offsets = [0, 2], sizes = [512, 1], strides = [1, 1]} : vector<512x4xf32> to vector<512x1xf32>
    %mul3A_120 = arith.constant 2.000000e-01 : f32
    %mul3A_121 = vector.broadcast %mul3A_120 : f32 to vector<1x512xf32>
    %mul3A_122 = arith.mulf %mul3A_121, %slice3A_109 : vector<1x512xf32>
    %exp3A_123 = math.exp %mul3A_122 : vector<1x512xf32>
    %mul3A_124 = vector.broadcast %slice3A_119 : vector<512x1xf32> to vector<512x512xf32>
    %mul3A_125 = vector.broadcast %exp3A_123 : vector<1x512xf32> to vector<512x512xf32>
    %mul3A_126 = arith.mulf %mul3A_124, %mul3A_125 : vector<512x512xf32>
    %gt3A_127 = arith.constant 0.000000e+00 : f32
    %gt3A_128 = vector.broadcast %gt3A_127 : f32 to vector<512x512xf32>
    %gt3A_129 = arith.cmpf ogt, %add3A_113, %gt3A_128 : vector<512x512xf32>
    %select_n3A_130 = arith.select %gt3A_129, %mul3A_118, %mul3A_126 : vector<512x512xi1>, vector<512x512xf32>
    %mul3A_131 = arith.mulf %get3A_3, %select_n3A_130 : vector<512x512xf32>
    %get3A_132 = arith.constant 0 : index
    %get3A_133 = arith.constant 256 : index
    %get3A_134 = vector.load %arg12[%get3A_132, %get3A_133] : memref<512x512xf32, #tpu.memory_space<vmem>>, vector<512x128xf32>
    %slice3A_135 = vector.extract_strided_slice %get3A_26 {offsets = [0, 256], sizes = [512, 128], strides = [1, 1]} : vector<512x512xf32> to vector<512x128xf32>
    %dot_general3A_136 = arith.constant dense<0.000000e+00> : vector<512x128xf32>
    %dot_general3A_137 = tpu.matmul %mul3A_131, %slice3A_135, %dot_general3A_136 {dimension_numbers = #tpu.dot_dimension_numbers<[1], [0], [0], [1], [0, 0, 1, 1], [], []>, transpose_lhs_hint = false} : vector<512x512xf32>, vector<512x128xf32>, vector<512x128xf32> -> vector<512x128xf32>
    %add3A_138 = arith.addf %get3A_134, %dot_general3A_137 : vector<512x128xf32>
    %swap3A_139 = arith.constant 0 : index
    %swap3A_140 = arith.constant 256 : index
    %swap3A_141 = vector.load %arg12[%swap3A_139, %swap3A_140] : memref<512x512xf32, #tpu.memory_space<vmem>>, vector<512x128xf32>
    tpu.vector_store %arg12[%swap3A_139, %swap3A_140], %add3A_138 {strides = array<i32>} : memref<512x512xf32, #tpu.memory_space<vmem>>, vector<512x128xf32>,
    %get3A_142 = arith.constant 0 : index
    %get3A_143 = arith.constant 2 : index
    %get3A_144 = vector.load %arg13[%get3A_142, %get3A_143] : memref<512x4xf32, #tpu.memory_space<vmem>>, vector<512x1xf32>
    %reduce_sum3A_145 = arith.constant dense<0.000000e+00> : vector<512xf32>
    %reduce_sum3A_146 = vector.multi_reduction <add>, %mul3A_131, %reduce_sum3A_145 [1] : vector<512x512xf32> to vector<512xf32>
    %broadcast_in_dim3A_147 = vector.shape_cast %reduce_sum3A_146 : vector<512xf32> to vector<512x1xf32>
    %add3A_148 = arith.addf %get3A_144, %broadcast_in_dim3A_147 : vector<512x1xf32>
    %swap3A_149 = arith.constant 0 : index
    %swap3A_150 = arith.constant 2 : index
    %swap3A_151 = vector.load %arg13[%swap3A_149, %swap3A_150] : memref<512x4xf32, #tpu.memory_space<vmem>>, vector<512x1xf32>
    tpu.vector_store %arg13[%swap3A_149, %swap3A_150], %add3A_148 {strides = array<i32>} : memref<512x4xf32, #tpu.memory_space<vmem>>, vector<512x1xf32>,
    %slice3A_152 = vector.extract_strided_slice %get3A_23 {offsets = [3, 0], sizes = [1, 512], strides = [1, 1]} : vector<4x512xf32> to vector<1x512xf32>
    %slice3A_153 = vector.extract_strided_slice %get3A_10 {offsets = [0, 3], sizes = [512, 1], strides = [1, 1]} : vector<512x4xf32> to vector<512x1xf32>
    %add3A_154 = vector.broadcast %slice3A_153 : vector<512x1xf32> to vector<512x512xf32>
    %add3A_155 = vector.broadcast %slice3A_152 : vector<1x512xf32> to vector<512x512xf32>
    %add3A_156 = arith.addf %add3A_154, %add3A_155 : vector<512x512xf32>
    %slice3A_157 = vector.extract_strided_slice %exp3A {offsets = [0, 3], sizes = [512, 1], strides = [1, 1]} : vector<512x4xf32> to vector<512x1xf32>
    %exp3A_158 = math.exp %slice3A_152 : vector<1x512xf32>
    %mul3A_159 = vector.broadcast %slice3A_157 : vector<512x1xf32> to vector<512x512xf32>
    %mul3A_160 = vector.broadcast %exp3A_158 : vector<1x512xf32> to vector<512x512xf32>
    %mul3A_161 = arith.mulf %mul3A_159, %mul3A_160 : vector<512x512xf32>
    %slice3A_162 = vector.extract_strided_slice %exp3A_20 {offsets = [0, 3], sizes = [512, 1], strides = [1, 1]} : vector<512x4xf32> to vector<512x1xf32>
    %mul3A_163 = arith.constant 2.000000e-01 : f32
    %mul3A_164 = vector.broadcast %mul3A_163 : f32 to vector<1x512xf32>
    %mul3A_165 = arith.mulf %mul3A_164, %slice3A_152 : vector<1x512xf32>
    %exp3A_166 = math.exp %mul3A_165 : vector<1x512xf32>
    %mul3A_167 = vector.broadcast %slice3A_162 : vector<512x1xf32> to vector<512x512xf32>
    %mul3A_168 = vector.broadcast %exp3A_166 : vector<1x512xf32> to vector<512x512xf32>
    %mul3A_169 = arith.mulf %mul3A_167, %mul3A_168 : vector<512x512xf32>
    %gt3A_170 = arith.constant 0.000000e+00 : f32
    %gt3A_171 = vector.broadcast %gt3A_170 : f32 to vector<512x512xf32>
    %gt3A_172 = arith.cmpf ogt, %add3A_156, %gt3A_171 : vector<512x512xf32>
    %select_n3A_173 = arith.select %gt3A_172, %mul3A_161, %mul3A_169 : vector<512x512xi1>, vector<512x512xf32>
    %mul3A_174 = arith.mulf %get3A_3, %select_n3A_173 : vector<512x512xf32>
    %get3A_175 = arith.constant 0 : index
    %get3A_176 = arith.constant 384 : index
    %get3A_177 = vector.load %arg12[%get3A_175, %get3A_176] : memref<512x512xf32, #tpu.memory_space<vmem>>, vector<512x128xf32>
    %slice3A_178 = vector.extract_strided_slice %get3A_26 {offsets = [0, 384], sizes = [512, 128], strides = [1, 1]} : vector<512x512xf32> to vector<512x128xf32>
    %dot_general3A_179 = arith.constant dense<0.000000e+00> : vector<512x128xf32>
    %dot_general3A_180 = tpu.matmul %mul3A_174, %slice3A_178, %dot_general3A_179 {dimension_numbers = #tpu.dot_dimension_numbers<[1], [0], [0], [1], [0, 0, 1, 1], [], []>, transpose_lhs_hint = false} : vector<512x512xf32>, vector<512x128xf32>, vector<512x128xf32> -> vector<512x128xf32>
    %add3A_181 = arith.addf %get3A_177, %dot_general3A_180 : vector<512x128xf32>
    %swap3A_182 = arith.constant 0 : index
    %swap3A_183 = arith.constant 384 : index
    %swap3A_184 = vector.load %arg12[%swap3A_182, %swap3A_183] : memref<512x512xf32, #tpu.memory_space<vmem>>, vector<512x128xf32>
    tpu.vector_store %arg12[%swap3A_182, %swap3A_183], %add3A_181 {strides = array<i32>} : memref<512x512xf32, #tpu.memory_space<vmem>>, vector<512x128xf32>,
    %get3A_185 = arith.constant 0 : index
    %get3A_186 = arith.constant 3 : index
    %get3A_187 = vector.load %arg13[%get3A_185, %get3A_186] : memref<512x4xf32, #tpu.memory_space<vmem>>, vector<512x1xf32>
    %reduce_sum3A_188 = arith.constant dense<0.000000e+00> : vector<512xf32>
    %reduce_sum3A_189 = vector.multi_reduction <add>, %mul3A_174, %reduce_sum3A_188 [1] : vector<512x512xf32> to vector<512xf32>
    %broadcast_in_dim3A_190 = vector.shape_cast %reduce_sum3A_189 : vector<512xf32> to vector<512x1xf32>
    %add3A_191 = arith.addf %get3A_187, %broadcast_in_dim3A_190 : vector<512x1xf32>
    %swap3A_192 = arith.constant 0 : index
    %swap3A_193 = arith.constant 3 : index
    %swap3A_194 = vector.load %arg13[%swap3A_192, %swap3A_193] : memref<512x4xf32, #tpu.memory_space<vmem>>, vector<512x1xf32>
    tpu.vector_store %arg13[%swap3A_192, %swap3A_193], %add3A_191 {strides = array<i32>} : memref<512x4xf32, #tpu.memory_space<vmem>>, vector<512x1xf32>,
    %eq3A_195 = arith.constant 7 : i32
    %eq3A_196 = arith.cmpi eq, %arg1, %eq3A_195 : i32
    %convert_element_type3A_197 = arith.extui %eq3A_196 : i1 to i32
    %cond3A_198 = arith.constant 0 : i32
    %cond3A_199 = arith.cmpi ne, %convert_element_type3A_197, %cond3A_198 : i32
    scf.if %cond3A_199 {
      %get3A_200 = arith.constant 0 : index
      %get3A_201 = arith.constant 0 : index
      %get3A_202 = vector.load %arg12[%get3A_200, %get3A_201] : memref<512x512xf32, #tpu.memory_space<vmem>>, vector<512x128xf32>
      %get3A_203 = arith.constant 0 : index
      %get3A_204 = arith.constant 0 : index
      %get3A_205 = vector.load %arg13[%get3A_203, %get3A_204] : memref<512x4xf32, #tpu.memory_space<vmem>>, vector<512x1xf32>
      %add3A_206 = arith.constant 1.000000e-16 : f32
      %add3A_207 = vector.broadcast %add3A_206 : f32 to vector<512x1xf32>
      %add3A_208 = arith.addf %get3A_205, %add3A_207 : vector<512x1xf32>
      %div3A = vector.broadcast %add3A_208 : vector<512x1xf32> to vector<512x128xf32>
      %div3A_209 = arith.divf %get3A_202, %div3A : vector<512x128xf32>
      %get3A_210 = arith.constant 0 : index
      %get3A_211 = arith.constant 128 : index
      %get3A_212 = vector.load %arg12[%get3A_210, %get3A_211] : memref<512x512xf32, #tpu.memory_space<vmem>>, vector<512x128xf32>
      %get3A_213 = arith.constant 0 : index
      %get3A_214 = arith.constant 1 : index
      %get3A_215 = vector.load %arg13[%get3A_213, %get3A_214] : memref<512x4xf32, #tpu.memory_space<vmem>>, vector<512x1xf32>
      %add3A_216 = arith.constant 1.000000e-16 : f32
      %add3A_217 = vector.broadcast %add3A_216 : f32 to vector<512x1xf32>
      %add3A_218 = arith.addf %get3A_215, %add3A_217 : vector<512x1xf32>
      %div3A_219 = vector.broadcast %add3A_218 : vector<512x1xf32> to vector<512x128xf32>
      %div3A_220 = arith.divf %get3A_212, %div3A_219 : vector<512x128xf32>
      %get3A_221 = arith.constant 0 : index
      %get3A_222 = arith.constant 256 : index
      %get3A_223 = vector.load %arg12[%get3A_221, %get3A_222] : memref<512x512xf32, #tpu.memory_space<vmem>>, vector<512x128xf32>
      %get3A_224 = arith.constant 0 : index
      %get3A_225 = arith.constant 2 : index
      %get3A_226 = vector.load %arg13[%get3A_224, %get3A_225] : memref<512x4xf32, #tpu.memory_space<vmem>>, vector<512x1xf32>
      %add3A_227 = arith.constant 1.000000e-16 : f32
      %add3A_228 = vector.broadcast %add3A_227 : f32 to vector<512x1xf32>
      %add3A_229 = arith.addf %get3A_226, %add3A_228 : vector<512x1xf32>
      %div3A_230 = vector.broadcast %add3A_229 : vector<512x1xf32> to vector<512x128xf32>
      %div3A_231 = arith.divf %get3A_223, %div3A_230 : vector<512x128xf32>
      %get3A_232 = arith.constant 0 : index
      %get3A_233 = arith.constant 384 : index
      %get3A_234 = vector.load %arg12[%get3A_232, %get3A_233] : memref<512x512xf32, #tpu.memory_space<vmem>>, vector<512x128xf32>
      %get3A_235 = arith.constant 0 : index
      %get3A_236 = arith.constant 3 : index
      %get3A_237 = vector.load %arg13[%get3A_235, %get3A_236] : memref<512x4xf32, #tpu.memory_space<vmem>>, vector<512x1xf32>
      %add3A_238 = arith.constant 1.000000e-16 : f32
      %add3A_239 = vector.broadcast %add3A_238 : f32 to vector<512x1xf32>
      %add3A_240 = arith.addf %get3A_237, %add3A_239 : vector<512x1xf32>
      %div3A_241 = vector.broadcast %add3A_240 : vector<512x1xf32> to vector<512x128xf32>
      %div3A_242 = arith.divf %get3A_234, %div3A_241 : vector<512x128xf32>
      %concatenate3A = tpu.concatenate %div3A_209, %div3A_220, %div3A_231, %div3A_242 in 1 : vector<512x128xf32>, vector<512x128xf32>, vector<512x128xf32>, vector<512x128xf32> -> vector<512x512xf32>
      %get3A_243 = arith.constant 0 : index
      %get3A_244 = arith.constant 0 : index
      %get3A_245 = vector.load %arg7[%get3A_243, %get3A_244] : memref<1x512xf32, #tpu.memory_space<vmem>>, vector<1x512xf32>
      %add3A_246 = vector.broadcast %get3A_245 : vector<1x512xf32> to vector<512x512xf32>
      %add3A_247 = arith.addf %concatenate3A, %add3A_246 : vector<512x512xf32>
      %gt3A_248 = arith.constant 0.000000e+00 : f32
      %gt3A_249 = vector.broadcast %gt3A_248 : f32 to vector<512x512xf32>
      %gt3A_250 = arith.cmpf ogt, %add3A_247, %gt3A_249 : vector<512x512xf32>
      %min3A = arith.constant 0.000000e+00 : f32
      %min3A_251 = vector.broadcast %min3A : f32 to vector<512x512xf32>
      %min3A_252 = arith.minimumf %add3A_247, %min3A_251 : vector<512x512xf32>
      %exp3A_253 = math.exp %min3A_252 : vector<512x512xf32>
      %sub3A_254 = arith.constant 1.000000e+00 : f32
      %sub3A_255 = vector.broadcast %sub3A_254 : f32 to vector<512x512xf32>
      %sub3A_256 = arith.subf %exp3A_253, %sub3A_255 : vector<512x512xf32>
      %select_n3A_257 = arith.select %gt3A_250, %add3A_247, %sub3A_256 : vector<512x512xi1>, vector<512x512xf32>
      %reduce_sum3A_258 = arith.constant dense<0.000000e+00> : vector<512xf32>
      %reduce_sum3A_259 = vector.multi_reduction <add>, %select_n3A_257, %reduce_sum3A_258 [1] : vector<512x512xf32> to vector<512xf32>
      %broadcast_in_dim3A_260 = vector.shape_cast %reduce_sum3A_259 : vector<512xf32> to vector<512x1xf32>
      %div3A_261 = arith.constant 5.120000e+02 : f32
      %div3A_262 = vector.broadcast %div3A_261 : f32 to vector<512x1xf32>
      %div3A_263 = arith.divf %broadcast_in_dim3A_260, %div3A_262 : vector<512x1xf32>
      %sub3A_264 = vector.broadcast %div3A_263 : vector<512x1xf32> to vector<512x512xf32>
      %sub3A_265 = arith.subf %select_n3A_257, %sub3A_264 : vector<512x512xf32>
      %mul3A_266 = arith.mulf %sub3A_265, %sub3A_265 : vector<512x512xf32>
      %reduce_sum3A_267 = arith.constant dense<0.000000e+00> : vector<512xf32>
      %reduce_sum3A_268 = vector.multi_reduction <add>, %mul3A_266, %reduce_sum3A_267 [1] : vector<512x512xf32> to vector<512xf32>
      %broadcast_in_dim3A_269 = vector.shape_cast %reduce_sum3A_268 : vector<512xf32> to vector<512x1xf32>
      %div3A_270 = arith.constant 5.120000e+02 : f32
      %div3A_271 = vector.broadcast %div3A_270 : f32 to vector<512x1xf32>
      %div3A_272 = arith.divf %broadcast_in_dim3A_269, %div3A_271 : vector<512x1xf32>
      %add3A_273 = arith.constant 9.99999974E-6 : f32
      %add3A_274 = vector.broadcast %add3A_273 : f32 to vector<512x1xf32>
      %add3A_275 = arith.addf %div3A_272, %add3A_274 : vector<512x1xf32>
      %rsqrt3A = math.rsqrt %add3A_275 : vector<512x1xf32>
      %mul3A_276 = vector.broadcast %rsqrt3A : vector<512x1xf32> to vector<512x512xf32>
      %mul3A_277 = arith.mulf %sub3A_265, %mul3A_276 : vector<512x512xf32>
      %get3A_278 = arith.constant 0 : index
      %get3A_279 = arith.constant 0 : index
      %get3A_280 = vector.load %arg8[%get3A_278, %get3A_279] : memref<1x512xf32, #tpu.memory_space<vmem>>, vector<1x512xf32>
      %mul3A_281 = vector.broadcast %get3A_280 : vector<1x512xf32> to vector<512x512xf32>
      %mul3A_282 = arith.mulf %mul3A_277, %mul3A_281 : vector<512x512xf32>
      %get3A_283 = arith.constant 0 : index
      %get3A_284 = arith.constant 0 : index
      %get3A_285 = vector.load %arg9[%get3A_283, %get3A_284] : memref<1x512xf32, #tpu.memory_space<vmem>>, vector<1x512xf32>
      %add3A_286 = vector.broadcast %get3A_285 : vector<1x512xf32> to vector<512x512xf32>
      %add3A_287 = arith.addf %mul3A_282, %add3A_286 : vector<512x512xf32>
      %get3A_288 = arith.constant 0 : index
      %get3A_289 = arith.constant 0 : index
      %get3A_290 = vector.load %arg10[%get3A_288, %get3A_289] : memref<512x512xf32, #tpu.memory_space<vmem>>, vector<512x512xf32>
      %add3A_291 = arith.addf %add3A_287, %get3A_290 : vector<512x512xf32>
      %swap3A_292 = arith.constant 0 : index
      %swap3A_293 = arith.constant 0 : index
      %swap3A_294 = vector.load %arg11[%swap3A_292, %swap3A_293] : memref<512x512xf32, #tpu.memory_space<vmem>>, vector<512x512xf32>
      tpu.vector_store %arg11[%swap3A_292, %swap3A_293], %add3A_291 {strides = array<i32>} : memref<512x512xf32, #tpu.memory_space<vmem>>, vector<512x512xf32>,
    } else {
    }
    return
  }
  func.func @transform_0(%arg0: i32, %arg1: i32) -> (i32, i32) {
    %c0_i32 = arith.constant 0 : i32
    return %arg0, %arg1 : i32, i32
  }
  func.func @transform_1(%arg0: i32, %arg1: i32) -> (i32, i32) {
    %c0_i32 = arith.constant 0 : i32
    %c0_i32_0 = arith.constant 0 : i32
    return %arg1, %c0_i32 : i32, i32
  }
  func.func @transform_2(%arg0: i32, %arg1: i32) -> (i32, i32) {
    %c0_i32 = arith.constant 0 : i32
    %c0_i32_0 = arith.constant 0 : i32
    %c0_i32_1 = arith.constant 0 : i32
    return %c0_i32, %c0_i32_0 : i32, i32
  }
  func.func @transform_3(%arg0: i32, %arg1: i32) -> (i32, i32) {
    %c0_i32 = arith.constant 0 : i32
    %c0_i32_0 = arith.constant 0 : i32
    return %arg0, %c0_i32 : i32, i32
  }
  func.func @transform_4(%arg0: i32, %arg1: i32) -> (i32, i32) {
    %c0_i32 = arith.constant 0 : i32
    %c0_i32_0 = arith.constant 0 : i32
    return %c0_i32, %arg1 : i32, i32
  }
  func.func @transform_5(%arg0: i32, %arg1: i32) -> (i32, i32) {
    %c0_i32 = arith.constant 0 : i32
    %c0_i32_0 = arith.constant 0 : i32
    %c0_i32_1 = arith.constant 0 : i32
    return %c0_i32, %c0_i32_0 : i32, i32
  }
  func.func @transform_6(%arg0: i32, %arg1: i32) -> (i32, i32) {
    %c0_i32 = arith.constant 0 : i32
    %c0_i32_0 = arith.constant 0 : i32
    %c0_i32_1 = arith.constant 0 : i32
    return %c0_i32, %c0_i32_0 : i32, i32
  }
  func.func @transform_7(%arg0: i32, %arg1: i32) -> (i32, i32) {
    %c0_i32 = arith.constant 0 : i32
    %c0_i32_0 = arith.constant 0 : i32
    %c0_i32_1 = arith.constant 0 : i32
    return %c0_i32, %c0_i32_0 : i32, i32
  }
  func.func @transform_8(%arg0: i32, %arg1: i32) -> (i32, i32) {
    %c0_i32 = arith.constant 0 : i32
    %c0_i32_0 = arith.constant 0 : i32
    return %arg0, %c0_i32 : i32, i32
  }
  func.func @transform_9(%arg0: i32, %arg1: i32) -> (i32, i32) {
    %c0_i32 = arith.constant 0 : i32
    %c0_i32_0 = arith.constant 0 : i32
    return %arg0, %c0_i32 : i32, i32
  }
}

module attributes {stable_mosaic.version = 14 : i64} {
  func.func @_gat_pre_kernel(%arg0: i32, %arg1: memref<512x512xf32, #tpu.memory_space<vmem>>, %arg2: memref<128x512xf32, #tpu.memory_space<vmem>>, %arg3: memref<1x128xf32, #tpu.memory_space<vmem>>, %arg4: memref<1x128xf32, #tpu.memory_space<vmem>>, %arg5: memref<512x128xf32, #tpu.memory_space<vmem>>, %arg6: memref<512x1xf32, #tpu.memory_space<vmem>>, %arg7: memref<512x1xf32, #tpu.memory_space<vmem>>, %arg8: memref<1x512xf32, #tpu.memory_space<vmem>>) attributes {dimension_semantics = [#tpu.dimension_semantics<arbitrary>], iteration_bounds = array<i64: 8>, scalar_prefetch = 0 : i64, scratch_operands = 0 : i64, tpu.core_type = #tpu.core_type<tc>, window_params = [{transform_indices = @transform_0, window_bounds = array<i64: 512, 512>}, {pipeline_mode = #tpu.pipeline_mode<synchronous>, transform_indices = @transform_1, window_bounds = array<i64: 128, 512>}, {pipeline_mode = #tpu.pipeline_mode<synchronous>, transform_indices = @transform_2, window_bounds = array<i64: 1, 128>}, {pipeline_mode = #tpu.pipeline_mode<synchronous>, transform_indices = @transform_3, window_bounds = array<i64: 1, 128>}, {transform_indices = @transform_4, window_bounds = array<i64: 512, 128>}, {transform_indices = @transform_5, window_bounds = array<i64: 512, 1>}, {transform_indices = @transform_6, window_bounds = array<i64: 512, 1>}, {transform_indices = @transform_7, window_bounds = array<i64: 1, 512>}]} {
    %get3A = arith.constant 0 : index
    %get3A_0 = arith.constant 0 : index
    %get3A_1 = vector.load %arg1[%get3A, %get3A_0] : memref<512x512xf32, #tpu.memory_space<vmem>>, vector<512x512xf32>
    %get3A_2 = arith.constant 0 : index
    %get3A_3 = arith.constant 0 : index
    %get3A_4 = vector.load %arg2[%get3A_2, %get3A_3] : memref<128x512xf32, #tpu.memory_space<vmem>>, vector<128x512xf32>
    %dot_general3A = arith.constant dense<0.000000e+00> : vector<512x128xf32>
    %dot_general3A_5 = tpu.matmul %get3A_1, %get3A_4, %dot_general3A {dimension_numbers = #tpu.dot_dimension_numbers<[1], [1], [0], [0], [0, 0, 1, 0], [], []>, transpose_lhs_hint = false} : vector<512x512xf32>, vector<128x512xf32>, vector<512x128xf32> -> vector<512x128xf32>
    %swap3A = arith.constant 0 : index
    %swap3A_6 = arith.constant 0 : index
    %swap3A_7 = vector.load %arg5[%swap3A, %swap3A_6] : memref<512x128xf32, #tpu.memory_space<vmem>>, vector<512x128xf32>
    tpu.vector_store %arg5[%swap3A, %swap3A_6], %dot_general3A_5 {strides = array<i32>} : memref<512x128xf32, #tpu.memory_space<vmem>>, vector<512x128xf32>,
    %get3A_8 = arith.constant 0 : index
    %get3A_9 = arith.constant 0 : index
    %get3A_10 = vector.load %arg3[%get3A_8, %get3A_9] : memref<1x128xf32, #tpu.memory_space<vmem>>, vector<1x128xf32>
    %get3A_11 = vector.shape_cast %get3A_10 : vector<1x128xf32> to vector<128xf32>
    %broadcast_in_dim3A = vector.shape_cast %get3A_11 : vector<128xf32> to vector<1x128xf32>
    %mul3A = vector.broadcast %broadcast_in_dim3A : vector<1x128xf32> to vector<512x128xf32>
    %mul3A_12 = arith.mulf %dot_general3A_5, %mul3A : vector<512x128xf32>
    %reduce_sum3A = arith.constant dense<0.000000e+00> : vector<512xf32>
    %reduce_sum3A_13 = vector.multi_reduction <add>, %mul3A_12, %reduce_sum3A [1] : vector<512x128xf32> to vector<512xf32>
    %broadcast_in_dim3A_14 = vector.shape_cast %reduce_sum3A_13 : vector<512xf32> to vector<512x1xf32>
    %get3A_15 = arith.constant 0 : index
    %get3A_16 = arith.constant 0 : index
    %get3A_17 = vector.load %arg4[%get3A_15, %get3A_16] : memref<1x128xf32, #tpu.memory_space<vmem>>, vector<1x128xf32>
    %get3A_18 = vector.shape_cast %get3A_17 : vector<1x128xf32> to vector<128xf32>
    %broadcast_in_dim3A_19 = vector.shape_cast %get3A_18 : vector<128xf32> to vector<1x128xf32>
    %mul3A_20 = vector.broadcast %broadcast_in_dim3A_19 : vector<1x128xf32> to vector<512x128xf32>
    %mul3A_21 = arith.mulf %dot_general3A_5, %mul3A_20 : vector<512x128xf32>
    %reduce_sum3A_22 = arith.constant dense<0.000000e+00> : vector<512xf32>
    %reduce_sum3A_23 = vector.multi_reduction <add>, %mul3A_21, %reduce_sum3A_22 [1] : vector<512x128xf32> to vector<512xf32>
    %broadcast_in_dim3A_24 = vector.shape_cast %reduce_sum3A_23 : vector<512xf32> to vector<512x1xf32>
    %swap3A_25 = arith.constant 0 : index
    %swap3A_26 = arith.constant 0 : index
    %swap3A_27 = vector.load %arg6[%swap3A_25, %swap3A_26] : memref<512x1xf32, #tpu.memory_space<vmem>>, vector<512x1xf32>
    tpu.vector_store %arg6[%swap3A_25, %swap3A_26], %broadcast_in_dim3A_14 {strides = array<i32>} : memref<512x1xf32, #tpu.memory_space<vmem>>, vector<512x1xf32>,
    %swap3A_28 = arith.constant 0 : index
    %swap3A_29 = arith.constant 0 : index
    %swap3A_30 = vector.load %arg7[%swap3A_28, %swap3A_29] : memref<512x1xf32, #tpu.memory_space<vmem>>, vector<512x1xf32>
    tpu.vector_store %arg7[%swap3A_28, %swap3A_29], %broadcast_in_dim3A_24 {strides = array<i32>} : memref<512x1xf32, #tpu.memory_space<vmem>>, vector<512x1xf32>,
    %get3A_31 = arith.constant 0 : index
    %get3A_32 = arith.constant 0 : index
    %get3A_33 = vector.load %arg3[%get3A_31, %get3A_32] : memref<1x128xf32, #tpu.memory_space<vmem>>, vector<1x128xf32>
    %dot_general3A_34 = arith.constant dense<0.000000e+00> : vector<1x512xf32>
    %dot_general3A_35 = tpu.matmul %get3A_33, %dot_general3A_5, %dot_general3A_34 {dimension_numbers = #tpu.dot_dimension_numbers<[1], [1], [0], [0], [0, 0, 1, 0], [], []>, transpose_lhs_hint = false} : vector<1x128xf32>, vector<512x128xf32>, vector<1x512xf32> -> vector<1x512xf32>
    %swap3A_36 = arith.constant 0 : index
    %swap3A_37 = arith.constant 0 : index
    %swap3A_38 = vector.load %arg8[%swap3A_36, %swap3A_37] : memref<1x512xf32, #tpu.memory_space<vmem>>, vector<1x512xf32>
    tpu.vector_store %arg8[%swap3A_36, %swap3A_37], %dot_general3A_35 {strides = array<i32>} : memref<1x512xf32, #tpu.memory_space<vmem>>, vector<1x512xf32>,
    return
  }
  func.func @transform_0(%arg0: i32) -> (i32, i32) {
    %c0_i32 = arith.constant 0 : i32
    %c0_i32_0 = arith.constant 0 : i32
    return %arg0, %c0_i32 : i32, i32
  }
  func.func @transform_1(%arg0: i32) -> (i32, i32) {
    %c0_i32 = arith.constant 0 : i32
    %c0_i32_0 = arith.constant 0 : i32
    %c0_i32_1 = arith.constant 0 : i32
    return %c0_i32, %c0_i32_0 : i32, i32
  }
  func.func @transform_2(%arg0: i32) -> (i32, i32) {
    %c0_i32 = arith.constant 0 : i32
    %c0_i32_0 = arith.constant 0 : i32
    %c0_i32_1 = arith.constant 0 : i32
    return %c0_i32, %c0_i32_0 : i32, i32
  }
  func.func @transform_3(%arg0: i32) -> (i32, i32) {
    %c0_i32 = arith.constant 0 : i32
    %c0_i32_0 = arith.constant 0 : i32
    %c0_i32_1 = arith.constant 0 : i32
    return %c0_i32, %c0_i32_0 : i32, i32
  }
  func.func @transform_4(%arg0: i32) -> (i32, i32) {
    %c0_i32 = arith.constant 0 : i32
    %c0_i32_0 = arith.constant 0 : i32
    return %arg0, %c0_i32 : i32, i32
  }
  func.func @transform_5(%arg0: i32) -> (i32, i32) {
    %c0_i32 = arith.constant 0 : i32
    %c0_i32_0 = arith.constant 0 : i32
    return %arg0, %c0_i32 : i32, i32
  }
  func.func @transform_6(%arg0: i32) -> (i32, i32) {
    %c0_i32 = arith.constant 0 : i32
    %c0_i32_0 = arith.constant 0 : i32
    return %arg0, %c0_i32 : i32, i32
  }
  func.func @transform_7(%arg0: i32) -> (i32, i32) {
    %c0_i32 = arith.constant 0 : i32
    %c0_i32_0 = arith.constant 0 : i32
    return %c0_i32, %arg0 : i32, i32
  }
}

module attributes {stable_mosaic.version = 14 : i64} {
  func.func @_gat_flash_kernel(%arg0: i32, %arg1: i32, %arg2: memref<512x512xf32, #tpu.memory_space<vmem>>, %arg3: memref<512x128xf32, #tpu.memory_space<vmem>>, %arg4: memref<4096x1xf32, #tpu.memory_space<vmem>>, %arg5: memref<512x1xf32, #tpu.memory_space<vmem>>, %arg6: memref<1x512xf32, #tpu.memory_space<vmem>>, %arg7: memref<1x128xf32, #tpu.memory_space<vmem>>, %arg8: memref<1x128xf32, #tpu.memory_space<vmem>>, %arg9: memref<1x128xf32, #tpu.memory_space<vmem>>, %arg10: memref<512x128xf32, #tpu.memory_space<vmem>>, %arg11: memref<512x128xf32, #tpu.memory_space<vmem>>, %arg12: memref<512x128xf32, #tpu.memory_space<vmem>>, %arg13: memref<512x1xf32, #tpu.memory_space<vmem>>) attributes {dimension_semantics = [#tpu.dimension_semantics<parallel>, #tpu.dimension_semantics<arbitrary>], iteration_bounds = array<i64: 8, 8>, scalar_prefetch = 0 : i64, scratch_operands = 2 : i64, tpu.core_type = #tpu.core_type<tc>, window_params = [{transform_indices = @transform_0, window_bounds = array<i64: 512, 512>}, {transform_indices = @transform_1, window_bounds = array<i64: 512, 128>}, {pipeline_mode = #tpu.pipeline_mode<synchronous>, transform_indices = @transform_2, window_bounds = array<i64: 4096, 1>}, {transform_indices = @transform_3, window_bounds = array<i64: 512, 1>}, {transform_indices = @transform_4, window_bounds = array<i64: 1, 512>}, {pipeline_mode = #tpu.pipeline_mode<synchronous>, transform_indices = @transform_5, window_bounds = array<i64: 1, 128>}, {pipeline_mode = #tpu.pipeline_mode<synchronous>, transform_indices = @transform_6, window_bounds = array<i64: 1, 128>}, {pipeline_mode = #tpu.pipeline_mode<synchronous>, transform_indices = @transform_7, window_bounds = array<i64: 1, 128>}, {transform_indices = @transform_8, window_bounds = array<i64: 512, 128>}, {transform_indices = @transform_9, window_bounds = array<i64: 512, 128>}]} {
    %eq3A = arith.constant 0 : i32
    %eq3A_0 = arith.cmpi eq, %arg1, %eq3A : i32
    %convert_element_type3A = arith.extui %eq3A_0 : i1 to i32
    %cond3A = arith.constant 0 : i32
    %cond3A_1 = arith.cmpi ne, %convert_element_type3A, %cond3A : i32
    scf.if %cond3A_1 {
      %broadcast_in_dim3A_67 = arith.constant 0.000000e+00 : f32
      %broadcast_in_dim3A_68 = vector.broadcast %broadcast_in_dim3A_67 : f32 to vector<512x128xf32>
      %swap3A_69 = arith.constant 0 : index
      %swap3A_70 = arith.constant 0 : index
      %swap3A_71 = vector.load %arg12[%swap3A_69, %swap3A_70] : memref<512x128xf32, #tpu.memory_space<vmem>>, vector<512x128xf32>
      tpu.vector_store %arg12[%swap3A_69, %swap3A_70], %broadcast_in_dim3A_68 {strides = array<i32>} : memref<512x128xf32, #tpu.memory_space<vmem>>, vector<512x128xf32>,
      %broadcast_in_dim3A_72 = arith.constant 0.000000e+00 : f32
      %broadcast_in_dim3A_73 = vector.broadcast %broadcast_in_dim3A_72 : f32 to vector<512x1xf32>
      %swap3A_74 = arith.constant 0 : index
      %swap3A_75 = arith.constant 0 : index
      %swap3A_76 = vector.load %arg13[%swap3A_74, %swap3A_75] : memref<512x1xf32, #tpu.memory_space<vmem>>, vector<512x1xf32>
      tpu.vector_store %arg13[%swap3A_74, %swap3A_75], %broadcast_in_dim3A_73 {strides = array<i32>} : memref<512x1xf32, #tpu.memory_space<vmem>>, vector<512x1xf32>,
    } else {
    }
    %get3A = arith.constant 0 : index
    %get3A_2 = arith.constant 0 : index
    %get3A_3 = vector.load %arg2[%get3A, %get3A_2] : memref<512x512xf32, #tpu.memory_space<vmem>>, vector<512x512xf32>
    %get3A_4 = arith.constant 0 : index
    %get3A_5 = arith.constant 0 : index
    %get3A_6 = vector.load %arg4[%get3A_4, %get3A_5] : memref<4096x1xf32, #tpu.memory_space<vmem>>, vector<4096x1xf32>
    %reduce_max3A = arith.constant dense<0xFF800000> : vector<1xf32>
    %reduce_max3A_7 = vector.multi_reduction <maximumf>, %get3A_6, %reduce_max3A [0] : vector<4096x1xf32> to vector<1xf32>
    %broadcast_in_dim3A = vector.shape_cast %reduce_max3A_7 : vector<1xf32> to vector<1x1xf32>
    %get3A_8 = arith.constant 0 : index
    %get3A_9 = arith.constant 0 : index
    %get3A_10 = vector.load %arg5[%get3A_8, %get3A_9] : memref<512x1xf32, #tpu.memory_space<vmem>>, vector<512x1xf32>
    %add3A = vector.broadcast %broadcast_in_dim3A : vector<1x1xf32> to vector<512x1xf32>
    %add3A_11 = arith.addf %get3A_10, %add3A : vector<512x1xf32>
    %gt3A = arith.constant 0.000000e+00 : f32
    %gt3A_12 = vector.broadcast %gt3A : f32 to vector<512x1xf32>
    %gt3A_13 = arith.cmpf ogt, %add3A_11, %gt3A_12 : vector<512x1xf32>
    %mul3A = arith.constant 2.000000e-01 : f32
    %mul3A_14 = vector.broadcast %mul3A : f32 to vector<512x1xf32>
    %mul3A_15 = arith.mulf %mul3A_14, %add3A_11 : vector<512x1xf32>
    %select_n3A = arith.select %gt3A_13, %add3A_11, %mul3A_15 : vector<512x1xi1>, vector<512x1xf32>
    %sub3A = arith.subf %get3A_10, %select_n3A : vector<512x1xf32>
    %exp3A = math.exp %sub3A : vector<512x1xf32>
    %mul3A_16 = arith.constant 2.000000e-01 : f32
    %mul3A_17 = vector.broadcast %mul3A_16 : f32 to vector<512x1xf32>
    %mul3A_18 = arith.mulf %mul3A_17, %get3A_10 : vector<512x1xf32>
    %sub3A_19 = arith.subf %mul3A_18, %select_n3A : vector<512x1xf32>
    %exp3A_20 = math.exp %sub3A_19 : vector<512x1xf32>
    %get3A_21 = arith.constant 0 : index
    %get3A_22 = arith.constant 0 : index
    %get3A_23 = vector.load %arg6[%get3A_21, %get3A_22] : memref<1x512xf32, #tpu.memory_space<vmem>>, vector<1x512xf32>
    %get3A_24 = arith.constant 0 : index
    %get3A_25 = arith.constant 0 : index
    %get3A_26 = vector.load %arg3[%get3A_24, %get3A_25] : memref<512x128xf32, #tpu.memory_space<vmem>>, vector<512x128xf32>
    %add3A_27 = vector.broadcast %get3A_10 : vector<512x1xf32> to vector<512x512xf32>
    %add3A_28 = vector.broadcast %get3A_23 : vector<1x512xf32> to vector<512x512xf32>
    %add3A_29 = arith.addf %add3A_27, %add3A_28 : vector<512x512xf32>
    %exp3A_30 = math.exp %get3A_23 : vector<1x512xf32>
    %mul3A_31 = vector.broadcast %exp3A : vector<512x1xf32> to vector<512x512xf32>
    %mul3A_32 = vector.broadcast %exp3A_30 : vector<1x512xf32> to vector<512x512xf32>
    %mul3A_33 = arith.mulf %mul3A_31, %mul3A_32 : vector<512x512xf32>
    %mul3A_34 = arith.constant 2.000000e-01 : f32
    %mul3A_35 = vector.broadcast %mul3A_34 : f32 to vector<1x512xf32>
    %mul3A_36 = arith.mulf %mul3A_35, %get3A_23 : vector<1x512xf32>
    %exp3A_37 = math.exp %mul3A_36 : vector<1x512xf32>
    %mul3A_38 = vector.broadcast %exp3A_20 : vector<512x1xf32> to vector<512x512xf32>
    %mul3A_39 = vector.broadcast %exp3A_37 : vector<1x512xf32> to vector<512x512xf32>
    %mul3A_40 = arith.mulf %mul3A_38, %mul3A_39 : vector<512x512xf32>
    %gt3A_41 = arith.constant 0.000000e+00 : f32
    %gt3A_42 = vector.broadcast %gt3A_41 : f32 to vector<512x512xf32>
    %gt3A_43 = arith.cmpf ogt, %add3A_29, %gt3A_42 : vector<512x512xf32>
    %select_n3A_44 = arith.select %gt3A_43, %mul3A_33, %mul3A_40 : vector<512x512xi1>, vector<512x512xf32>
    %mul3A_45 = arith.mulf %get3A_3, %select_n3A_44 : vector<512x512xf32>
    %get3A_46 = arith.constant 0 : index
    %get3A_47 = arith.constant 0 : index
    %get3A_48 = vector.load %arg12[%get3A_46, %get3A_47] : memref<512x128xf32, #tpu.memory_space<vmem>>, vector<512x128xf32>
    %dot_general3A = arith.constant dense<0.000000e+00> : vector<512x128xf32>
    %dot_general3A_49 = tpu.matmul %mul3A_45, %get3A_26, %dot_general3A {dimension_numbers = #tpu.dot_dimension_numbers<[1], [0], [0], [1], [0, 0, 1, 1], [], []>, transpose_lhs_hint = false} : vector<512x512xf32>, vector<512x128xf32>, vector<512x128xf32> -> vector<512x128xf32>
    %add3A_50 = arith.addf %get3A_48, %dot_general3A_49 : vector<512x128xf32>
    %swap3A = arith.constant 0 : index
    %swap3A_51 = arith.constant 0 : index
    %swap3A_52 = vector.load %arg12[%swap3A, %swap3A_51] : memref<512x128xf32, #tpu.memory_space<vmem>>, vector<512x128xf32>
    tpu.vector_store %arg12[%swap3A, %swap3A_51], %add3A_50 {strides = array<i32>} : memref<512x128xf32, #tpu.memory_space<vmem>>, vector<512x128xf32>,
    %get3A_53 = arith.constant 0 : index
    %get3A_54 = arith.constant 0 : index
    %get3A_55 = vector.load %arg13[%get3A_53, %get3A_54] : memref<512x1xf32, #tpu.memory_space<vmem>>, vector<512x1xf32>
    %reduce_sum3A = arith.constant dense<0.000000e+00> : vector<512xf32>
    %reduce_sum3A_56 = vector.multi_reduction <add>, %mul3A_45, %reduce_sum3A [1] : vector<512x512xf32> to vector<512xf32>
    %broadcast_in_dim3A_57 = vector.shape_cast %reduce_sum3A_56 : vector<512xf32> to vector<512x1xf32>
    %add3A_58 = arith.addf %get3A_55, %broadcast_in_dim3A_57 : vector<512x1xf32>
    %swap3A_59 = arith.constant 0 : index
    %swap3A_60 = arith.constant 0 : index
    %swap3A_61 = vector.load %arg13[%swap3A_59, %swap3A_60] : memref<512x1xf32, #tpu.memory_space<vmem>>, vector<512x1xf32>
    tpu.vector_store %arg13[%swap3A_59, %swap3A_60], %add3A_58 {strides = array<i32>} : memref<512x1xf32, #tpu.memory_space<vmem>>, vector<512x1xf32>,
    %eq3A_62 = arith.constant 7 : i32
    %eq3A_63 = arith.cmpi eq, %arg1, %eq3A_62 : i32
    %convert_element_type3A_64 = arith.extui %eq3A_63 : i1 to i32
    %cond3A_65 = arith.constant 0 : i32
    %cond3A_66 = arith.cmpi ne, %convert_element_type3A_64, %cond3A_65 : i32
    scf.if %cond3A_66 {
      %get3A_67 = arith.constant 0 : index
      %get3A_68 = arith.constant 0 : index
      %get3A_69 = vector.load %arg12[%get3A_67, %get3A_68] : memref<512x128xf32, #tpu.memory_space<vmem>>, vector<512x128xf32>
      %get3A_70 = arith.constant 0 : index
      %get3A_71 = arith.constant 0 : index
      %get3A_72 = vector.load %arg13[%get3A_70, %get3A_71] : memref<512x1xf32, #tpu.memory_space<vmem>>, vector<512x1xf32>
      %add3A_73 = arith.constant 1.000000e-16 : f32
      %add3A_74 = vector.broadcast %add3A_73 : f32 to vector<512x1xf32>
      %add3A_75 = arith.addf %get3A_72, %add3A_74 : vector<512x1xf32>
      %div3A = vector.broadcast %add3A_75 : vector<512x1xf32> to vector<512x128xf32>
      %div3A_76 = arith.divf %get3A_69, %div3A : vector<512x128xf32>
      %get3A_77 = arith.constant 0 : index
      %get3A_78 = arith.constant 0 : index
      %get3A_79 = vector.load %arg7[%get3A_77, %get3A_78] : memref<1x128xf32, #tpu.memory_space<vmem>>, vector<1x128xf32>
      %add3A_80 = vector.broadcast %get3A_79 : vector<1x128xf32> to vector<512x128xf32>
      %add3A_81 = arith.addf %div3A_76, %add3A_80 : vector<512x128xf32>
      %reduce_sum3A_82 = arith.constant dense<0.000000e+00> : vector<512xf32>
      %reduce_sum3A_83 = vector.multi_reduction <add>, %add3A_81, %reduce_sum3A_82 [1] : vector<512x128xf32> to vector<512xf32>
      %broadcast_in_dim3A_84 = vector.shape_cast %reduce_sum3A_83 : vector<512xf32> to vector<512x1xf32>
      %div3A_85 = arith.constant 1.280000e+02 : f32
      %div3A_86 = vector.broadcast %div3A_85 : f32 to vector<512x1xf32>
      %div3A_87 = arith.divf %broadcast_in_dim3A_84, %div3A_86 : vector<512x1xf32>
      %sub3A_88 = vector.broadcast %div3A_87 : vector<512x1xf32> to vector<512x128xf32>
      %sub3A_89 = arith.subf %add3A_81, %sub3A_88 : vector<512x128xf32>
      %mul3A_90 = arith.mulf %sub3A_89, %sub3A_89 : vector<512x128xf32>
      %reduce_sum3A_91 = arith.constant dense<0.000000e+00> : vector<512xf32>
      %reduce_sum3A_92 = vector.multi_reduction <add>, %mul3A_90, %reduce_sum3A_91 [1] : vector<512x128xf32> to vector<512xf32>
      %broadcast_in_dim3A_93 = vector.shape_cast %reduce_sum3A_92 : vector<512xf32> to vector<512x1xf32>
      %div3A_94 = arith.constant 1.280000e+02 : f32
      %div3A_95 = vector.broadcast %div3A_94 : f32 to vector<512x1xf32>
      %div3A_96 = arith.divf %broadcast_in_dim3A_93, %div3A_95 : vector<512x1xf32>
      %add3A_97 = arith.constant 9.99999974E-6 : f32
      %add3A_98 = vector.broadcast %add3A_97 : f32 to vector<512x1xf32>
      %add3A_99 = arith.addf %div3A_96, %add3A_98 : vector<512x1xf32>
      %rsqrt3A = math.rsqrt %add3A_99 : vector<512x1xf32>
      %mul3A_100 = vector.broadcast %rsqrt3A : vector<512x1xf32> to vector<512x128xf32>
      %mul3A_101 = arith.mulf %sub3A_89, %mul3A_100 : vector<512x128xf32>
      %get3A_102 = arith.constant 0 : index
      %get3A_103 = arith.constant 0 : index
      %get3A_104 = vector.load %arg8[%get3A_102, %get3A_103] : memref<1x128xf32, #tpu.memory_space<vmem>>, vector<1x128xf32>
      %mul3A_105 = vector.broadcast %get3A_104 : vector<1x128xf32> to vector<512x128xf32>
      %mul3A_106 = arith.mulf %mul3A_101, %mul3A_105 : vector<512x128xf32>
      %get3A_107 = arith.constant 0 : index
      %get3A_108 = arith.constant 0 : index
      %get3A_109 = vector.load %arg9[%get3A_107, %get3A_108] : memref<1x128xf32, #tpu.memory_space<vmem>>, vector<1x128xf32>
      %add3A_110 = vector.broadcast %get3A_109 : vector<1x128xf32> to vector<512x128xf32>
      %add3A_111 = arith.addf %mul3A_106, %add3A_110 : vector<512x128xf32>
      %swap3A_112 = arith.constant 0 : index
      %swap3A_113 = arith.constant 0 : index
      %swap3A_114 = vector.load %arg11[%swap3A_112, %swap3A_113] : memref<512x128xf32, #tpu.memory_space<vmem>>, vector<512x128xf32>
      tpu.vector_store %arg11[%swap3A_112, %swap3A_113], %add3A_111 {strides = array<i32>} : memref<512x128xf32, #tpu.memory_space<vmem>>, vector<512x128xf32>,
    } else {
    }
    return
  }
  func.func @transform_0(%arg0: i32, %arg1: i32) -> (i32, i32) {
    %c0_i32 = arith.constant 0 : i32
    return %arg0, %arg1 : i32, i32
  }
  func.func @transform_1(%arg0: i32, %arg1: i32) -> (i32, i32) {
    %c0_i32 = arith.constant 0 : i32
    %c0_i32_0 = arith.constant 0 : i32
    return %arg1, %c0_i32 : i32, i32
  }
  func.func @transform_2(%arg0: i32, %arg1: i32) -> (i32, i32) {
    %c0_i32 = arith.constant 0 : i32
    %c0_i32_0 = arith.constant 0 : i32
    %c0_i32_1 = arith.constant 0 : i32
    return %c0_i32, %c0_i32_0 : i32, i32
  }
  func.func @transform_3(%arg0: i32, %arg1: i32) -> (i32, i32) {
    %c0_i32 = arith.constant 0 : i32
    %c0_i32_0 = arith.constant 0 : i32
    return %arg0, %c0_i32 : i32, i32
  }
  func.func @transform_4(%arg0: i32, %arg1: i32) -> (i32, i32) {
    %c0_i32 = arith.constant 0 : i32
    %c0_i32_0 = arith.constant 0 : i32
    return %c0_i32, %arg1 : i32, i32
  }
  func.func @transform_5(%arg0: i32, %arg1: i32) -> (i32, i32) {
    %c0_i32 = arith.constant 0 : i32
    %c0_i32_0 = arith.constant 0 : i32
    %c0_i32_1 = arith.constant 0 : i32
    return %c0_i32, %c0_i32_0 : i32, i32
  }
  func.func @transform_6(%arg0: i32, %arg1: i32) -> (i32, i32) {
    %c0_i32 = arith.constant 0 : i32
    %c0_i32_0 = arith.constant 0 : i32
    %c0_i32_1 = arith.constant 0 : i32
    return %c0_i32, %c0_i32_0 : i32, i32
  }
  func.func @transform_7(%arg0: i32, %arg1: i32) -> (i32, i32) {
    %c0_i32 = arith.constant 0 : i32
    %c0_i32_0 = arith.constant 0 : i32
    %c0_i32_1 = arith.constant 0 : i32
    return %c0_i32, %c0_i32_0 : i32, i32
  }
  func.func @transform_8(%arg0: i32, %arg1: i32) -> (i32, i32) {
    %c0_i32 = arith.constant 0 : i32
    %c0_i32_0 = arith.constant 0 : i32
    return %arg0, %c0_i32 : i32, i32
  }
  func.func @transform_9(%arg0: i32, %arg1: i32) -> (i32, i32) {
    %c0_i32 = arith.constant 0 : i32
    %c0_i32_0 = arith.constant 0 : i32
    return %arg0, %c0_i32 : i32, i32
  }
}

module attributes {stable_mosaic.version = 14 : i64} {
  func.func @_qkv_kernel(%arg0: i32, %arg1: memref<512x128xf32, #tpu.memory_space<vmem>>, %arg2: memref<128x128xf32, #tpu.memory_space<vmem>>, %arg3: memref<1x128xf32, #tpu.memory_space<vmem>>, %arg4: memref<128x128xf32, #tpu.memory_space<vmem>>, %arg5: memref<1x128xf32, #tpu.memory_space<vmem>>, %arg6: memref<128x128xf32, #tpu.memory_space<vmem>>, %arg7: memref<1x128xf32, #tpu.memory_space<vmem>>, %arg8: memref<512x128xf32, #tpu.memory_space<vmem>>, %arg9: memref<512x128xf32, #tpu.memory_space<vmem>>, %arg10: memref<512x128xf32, #tpu.memory_space<vmem>>) attributes {dimension_semantics = [#tpu.dimension_semantics<arbitrary>], iteration_bounds = array<i64: 8>, scalar_prefetch = 0 : i64, scratch_operands = 0 : i64, tpu.core_type = #tpu.core_type<tc>, window_params = [{transform_indices = @transform_0, window_bounds = array<i64: 512, 128>}, {pipeline_mode = #tpu.pipeline_mode<synchronous>, transform_indices = @transform_1, window_bounds = array<i64: 128, 128>}, {pipeline_mode = #tpu.pipeline_mode<synchronous>, transform_indices = @transform_2, window_bounds = array<i64: 1, 128>}, {pipeline_mode = #tpu.pipeline_mode<synchronous>, transform_indices = @transform_3, window_bounds = array<i64: 128, 128>}, {pipeline_mode = #tpu.pipeline_mode<synchronous>, transform_indices = @transform_4, window_bounds = array<i64: 1, 128>}, {pipeline_mode = #tpu.pipeline_mode<synchronous>, transform_indices = @transform_5, window_bounds = array<i64: 128, 128>}, {pipeline_mode = #tpu.pipeline_mode<synchronous>, transform_indices = @transform_6, window_bounds = array<i64: 1, 128>}, {transform_indices = @transform_7, window_bounds = array<i64: 512, 128>}, {transform_indices = @transform_8, window_bounds = array<i64: 512, 128>}, {transform_indices = @transform_9, window_bounds = array<i64: 512, 128>}]} {
    %get3A = arith.constant 0 : index
    %get3A_0 = arith.constant 0 : index
    %get3A_1 = vector.load %arg1[%get3A, %get3A_0] : memref<512x128xf32, #tpu.memory_space<vmem>>, vector<512x128xf32>
    %get3A_2 = arith.constant 0 : index
    %get3A_3 = arith.constant 0 : index
    %get3A_4 = vector.load %arg2[%get3A_2, %get3A_3] : memref<128x128xf32, #tpu.memory_space<vmem>>, vector<128x128xf32>
    %dot_general3A = arith.constant dense<0.000000e+00> : vector<512x128xf32>
    %dot_general3A_5 = tpu.matmul %get3A_1, %get3A_4, %dot_general3A {dimension_numbers = #tpu.dot_dimension_numbers<[1], [1], [0], [0], [0, 0, 1, 0], [], []>, transpose_lhs_hint = false} : vector<512x128xf32>, vector<128x128xf32>, vector<512x128xf32> -> vector<512x128xf32>
    %get3A_6 = arith.constant 0 : index
    %get3A_7 = arith.constant 0 : index
    %get3A_8 = vector.load %arg3[%get3A_6, %get3A_7] : memref<1x128xf32, #tpu.memory_space<vmem>>, vector<1x128xf32>
    %add3A = vector.broadcast %get3A_8 : vector<1x128xf32> to vector<512x128xf32>
    %add3A_9 = arith.addf %dot_general3A_5, %add3A : vector<512x128xf32>
    %swap3A = arith.constant 0 : index
    %swap3A_10 = arith.constant 0 : index
    %swap3A_11 = vector.load %arg8[%swap3A, %swap3A_10] : memref<512x128xf32, #tpu.memory_space<vmem>>, vector<512x128xf32>
    tpu.vector_store %arg8[%swap3A, %swap3A_10], %add3A_9 {strides = array<i32>} : memref<512x128xf32, #tpu.memory_space<vmem>>, vector<512x128xf32>,
    %get3A_12 = arith.constant 0 : index
    %get3A_13 = arith.constant 0 : index
    %get3A_14 = vector.load %arg4[%get3A_12, %get3A_13] : memref<128x128xf32, #tpu.memory_space<vmem>>, vector<128x128xf32>
    %dot_general3A_15 = arith.constant dense<0.000000e+00> : vector<512x128xf32>
    %dot_general3A_16 = tpu.matmul %get3A_1, %get3A_14, %dot_general3A_15 {dimension_numbers = #tpu.dot_dimension_numbers<[1], [1], [0], [0], [0, 0, 1, 0], [], []>, transpose_lhs_hint = false} : vector<512x128xf32>, vector<128x128xf32>, vector<512x128xf32> -> vector<512x128xf32>
    %get3A_17 = arith.constant 0 : index
    %get3A_18 = arith.constant 0 : index
    %get3A_19 = vector.load %arg5[%get3A_17, %get3A_18] : memref<1x128xf32, #tpu.memory_space<vmem>>, vector<1x128xf32>
    %add3A_20 = vector.broadcast %get3A_19 : vector<1x128xf32> to vector<512x128xf32>
    %add3A_21 = arith.addf %dot_general3A_16, %add3A_20 : vector<512x128xf32>
    %swap3A_22 = arith.constant 0 : index
    %swap3A_23 = arith.constant 0 : index
    %swap3A_24 = vector.load %arg9[%swap3A_22, %swap3A_23] : memref<512x128xf32, #tpu.memory_space<vmem>>, vector<512x128xf32>
    tpu.vector_store %arg9[%swap3A_22, %swap3A_23], %add3A_21 {strides = array<i32>} : memref<512x128xf32, #tpu.memory_space<vmem>>, vector<512x128xf32>,
    %get3A_25 = arith.constant 0 : index
    %get3A_26 = arith.constant 0 : index
    %get3A_27 = vector.load %arg6[%get3A_25, %get3A_26] : memref<128x128xf32, #tpu.memory_space<vmem>>, vector<128x128xf32>
    %dot_general3A_28 = arith.constant dense<0.000000e+00> : vector<512x128xf32>
    %dot_general3A_29 = tpu.matmul %get3A_1, %get3A_27, %dot_general3A_28 {dimension_numbers = #tpu.dot_dimension_numbers<[1], [1], [0], [0], [0, 0, 1, 0], [], []>, transpose_lhs_hint = false} : vector<512x128xf32>, vector<128x128xf32>, vector<512x128xf32> -> vector<512x128xf32>
    %get3A_30 = arith.constant 0 : index
    %get3A_31 = arith.constant 0 : index
    %get3A_32 = vector.load %arg7[%get3A_30, %get3A_31] : memref<1x128xf32, #tpu.memory_space<vmem>>, vector<1x128xf32>
    %add3A_33 = vector.broadcast %get3A_32 : vector<1x128xf32> to vector<512x128xf32>
    %add3A_34 = arith.addf %dot_general3A_29, %add3A_33 : vector<512x128xf32>
    %swap3A_35 = arith.constant 0 : index
    %swap3A_36 = arith.constant 0 : index
    %swap3A_37 = vector.load %arg10[%swap3A_35, %swap3A_36] : memref<512x128xf32, #tpu.memory_space<vmem>>, vector<512x128xf32>
    tpu.vector_store %arg10[%swap3A_35, %swap3A_36], %add3A_34 {strides = array<i32>} : memref<512x128xf32, #tpu.memory_space<vmem>>, vector<512x128xf32>,
    return
  }
  func.func @transform_0(%arg0: i32) -> (i32, i32) {
    %c0_i32 = arith.constant 0 : i32
    %c0_i32_0 = arith.constant 0 : i32
    return %arg0, %c0_i32 : i32, i32
  }
  func.func @transform_1(%arg0: i32) -> (i32, i32) {
    %c0_i32 = arith.constant 0 : i32
    %c0_i32_0 = arith.constant 0 : i32
    %c0_i32_1 = arith.constant 0 : i32
    return %c0_i32, %c0_i32_0 : i32, i32
  }
  func.func @transform_2(%arg0: i32) -> (i32, i32) {
    %c0_i32 = arith.constant 0 : i32
    %c0_i32_0 = arith.constant 0 : i32
    %c0_i32_1 = arith.constant 0 : i32
    return %c0_i32, %c0_i32_0 : i32, i32
  }
  func.func @transform_3(%arg0: i32) -> (i32, i32) {
    %c0_i32 = arith.constant 0 : i32
    %c0_i32_0 = arith.constant 0 : i32
    %c0_i32_1 = arith.constant 0 : i32
    return %c0_i32, %c0_i32_0 : i32, i32
  }
  func.func @transform_4(%arg0: i32) -> (i32, i32) {
    %c0_i32 = arith.constant 0 : i32
    %c0_i32_0 = arith.constant 0 : i32
    %c0_i32_1 = arith.constant 0 : i32
    return %c0_i32, %c0_i32_0 : i32, i32
  }
  func.func @transform_5(%arg0: i32) -> (i32, i32) {
    %c0_i32 = arith.constant 0 : i32
    %c0_i32_0 = arith.constant 0 : i32
    %c0_i32_1 = arith.constant 0 : i32
    return %c0_i32, %c0_i32_0 : i32, i32
  }
  func.func @transform_6(%arg0: i32) -> (i32, i32) {
    %c0_i32 = arith.constant 0 : i32
    %c0_i32_0 = arith.constant 0 : i32
    %c0_i32_1 = arith.constant 0 : i32
    return %c0_i32, %c0_i32_0 : i32, i32
  }
  func.func @transform_7(%arg0: i32) -> (i32, i32) {
    %c0_i32 = arith.constant 0 : i32
    %c0_i32_0 = arith.constant 0 : i32
    return %arg0, %c0_i32 : i32, i32
  }
  func.func @transform_8(%arg0: i32) -> (i32, i32) {
    %c0_i32 = arith.constant 0 : i32
    %c0_i32_0 = arith.constant 0 : i32
    return %arg0, %c0_i32 : i32, i32
  }
  func.func @transform_9(%arg0: i32) -> (i32, i32) {
    %c0_i32 = arith.constant 0 : i32
    %c0_i32_0 = arith.constant 0 : i32
    return %arg0, %c0_i32 : i32, i32
  }
}

module attributes {stable_mosaic.version = 14 : i64} {
  func.func @_mha_kernel(%arg0: i32, %arg1: i32, %arg2: memref<512x128xf32, #tpu.memory_space<vmem>>, %arg3: memref<512x128xf32, #tpu.memory_space<vmem>>, %arg4: memref<512x128xf32, #tpu.memory_space<vmem>>, %arg5: memref<128x128xf32, #tpu.memory_space<vmem>>, %arg6: memref<1x128xf32, #tpu.memory_space<vmem>>, %arg7: memref<512x128xf32, #tpu.memory_space<vmem>>, %arg8: memref<512x8xf32, #tpu.memory_space<vmem>>, %arg9: memref<512x8xf32, #tpu.memory_space<vmem>>, %arg10: memref<512x128xf32, #tpu.memory_space<vmem>>) attributes {dimension_semantics = [#tpu.dimension_semantics<parallel>, #tpu.dimension_semantics<arbitrary>], iteration_bounds = array<i64: 8, 8>, scalar_prefetch = 0 : i64, scratch_operands = 3 : i64, tpu.core_type = #tpu.core_type<tc>, window_params = [{transform_indices = @transform_0, window_bounds = array<i64: 512, 128>}, {transform_indices = @transform_1, window_bounds = array<i64: 512, 128>}, {transform_indices = @transform_2, window_bounds = array<i64: 512, 128>}, {pipeline_mode = #tpu.pipeline_mode<synchronous>, transform_indices = @transform_3, window_bounds = array<i64: 128, 128>}, {pipeline_mode = #tpu.pipeline_mode<synchronous>, transform_indices = @transform_4, window_bounds = array<i64: 1, 128>}, {transform_indices = @transform_5, window_bounds = array<i64: 512, 128>}]} {
    %eq3A = arith.constant 0 : i32
    %eq3A_0 = arith.cmpi eq, %arg1, %eq3A : i32
    %convert_element_type3A = arith.extui %eq3A_0 : i1 to i32
    %cond3A = arith.constant 0 : i32
    %cond3A_1 = arith.cmpi ne, %convert_element_type3A, %cond3A : i32
    scf.if %cond3A_1 {
      %broadcast_in_dim3A_343 = arith.constant -1.000000e+30 : f32
      %broadcast_in_dim3A_344 = vector.broadcast %broadcast_in_dim3A_343 : f32 to vector<512x8xf32>
      %swap3A_345 = arith.constant 0 : index
      %swap3A_346 = arith.constant 0 : index
      %swap3A_347 = vector.load %arg8[%swap3A_345, %swap3A_346] : memref<512x8xf32, #tpu.memory_space<vmem>>, vector<512x8xf32>
      tpu.vector_store %arg8[%swap3A_345, %swap3A_346], %broadcast_in_dim3A_344 {strides = array<i32>} : memref<512x8xf32, #tpu.memory_space<vmem>>, vector<512x8xf32>,
      %broadcast_in_dim3A_348 = arith.constant 0.000000e+00 : f32
      %broadcast_in_dim3A_349 = vector.broadcast %broadcast_in_dim3A_348 : f32 to vector<512x8xf32>
      %swap3A_350 = arith.constant 0 : index
      %swap3A_351 = arith.constant 0 : index
      %swap3A_352 = vector.load %arg9[%swap3A_350, %swap3A_351] : memref<512x8xf32, #tpu.memory_space<vmem>>, vector<512x8xf32>
      tpu.vector_store %arg9[%swap3A_350, %swap3A_351], %broadcast_in_dim3A_349 {strides = array<i32>} : memref<512x8xf32, #tpu.memory_space<vmem>>, vector<512x8xf32>,
      %broadcast_in_dim3A_353 = arith.constant 0.000000e+00 : f32
      %broadcast_in_dim3A_354 = vector.broadcast %broadcast_in_dim3A_353 : f32 to vector<512x128xf32>
      %swap3A_355 = arith.constant 0 : index
      %swap3A_356 = arith.constant 0 : index
      %swap3A_357 = vector.load %arg10[%swap3A_355, %swap3A_356] : memref<512x128xf32, #tpu.memory_space<vmem>>, vector<512x128xf32>
      tpu.vector_store %arg10[%swap3A_355, %swap3A_356], %broadcast_in_dim3A_354 {strides = array<i32>} : memref<512x128xf32, #tpu.memory_space<vmem>>, vector<512x128xf32>,
    } else {
    }
    %get3A = arith.constant 0 : index
    %get3A_2 = arith.constant 0 : index
    %get3A_3 = vector.load %arg2[%get3A, %get3A_2] : memref<512x128xf32, #tpu.memory_space<vmem>>, vector<512x128xf32>
    %mul3A = arith.constant 2.500000e-01 : f32
    %mul3A_4 = vector.broadcast %mul3A : f32 to vector<512x128xf32>
    %mul3A_5 = arith.mulf %get3A_3, %mul3A_4 : vector<512x128xf32>
    %get3A_6 = arith.constant 0 : index
    %get3A_7 = arith.constant 0 : index
    %get3A_8 = vector.load %arg3[%get3A_6, %get3A_7] : memref<512x128xf32, #tpu.memory_space<vmem>>, vector<512x128xf32>
    %get3A_9 = arith.constant 0 : index
    %get3A_10 = arith.constant 0 : index
    %get3A_11 = vector.load %arg4[%get3A_9, %get3A_10] : memref<512x128xf32, #tpu.memory_space<vmem>>, vector<512x128xf32>
    %slice3A = vector.extract_strided_slice %mul3A_5 {offsets = [0, 0], sizes = [512, 16], strides = [1, 1]} : vector<512x128xf32> to vector<512x16xf32>
    %slice3A_12 = vector.extract_strided_slice %get3A_8 {offsets = [0, 0], sizes = [512, 16], strides = [1, 1]} : vector<512x128xf32> to vector<512x16xf32>
    %dot_general3A = arith.constant dense<0.000000e+00> : vector<512x512xf32>
    %dot_general3A_13 = tpu.matmul %slice3A, %slice3A_12, %dot_general3A {dimension_numbers = #tpu.dot_dimension_numbers<[1], [1], [0], [0], [0, 0, 1, 0], [], []>, transpose_lhs_hint = false} : vector<512x16xf32>, vector<512x16xf32>, vector<512x512xf32> -> vector<512x512xf32>
    %get3A_14 = arith.constant 0 : index
    %get3A_15 = arith.constant 0 : index
    %get3A_16 = vector.load %arg8[%get3A_14, %get3A_15] : memref<512x8xf32, #tpu.memory_space<vmem>>, vector<512x1xf32>
    %reduce_max3A = arith.constant dense<0xFF800000> : vector<512xf32>
    %reduce_max3A_17 = vector.multi_reduction <maximumf>, %dot_general3A_13, %reduce_max3A [1] : vector<512x512xf32> to vector<512xf32>
    %broadcast_in_dim3A = vector.shape_cast %reduce_max3A_17 : vector<512xf32> to vector<512x1xf32>
    %max3A = arith.maximumf %get3A_16, %broadcast_in_dim3A : vector<512x1xf32>
    %sub3A = arith.subf %get3A_16, %max3A : vector<512x1xf32>
    %exp3A = math.exp %sub3A : vector<512x1xf32>
    %sub3A_18 = vector.broadcast %max3A : vector<512x1xf32> to vector<512x512xf32>
    %sub3A_19 = arith.subf %dot_general3A_13, %sub3A_18 : vector<512x512xf32>
    %exp3A_20 = math.exp %sub3A_19 : vector<512x512xf32>
    %swap3A = arith.constant 0 : index
    %swap3A_21 = arith.constant 0 : index
    %swap3A_22 = vector.load %arg8[%swap3A, %swap3A_21] : memref<512x8xf32, #tpu.memory_space<vmem>>, vector<512x1xf32>
    tpu.vector_store %arg8[%swap3A, %swap3A_21], %max3A {strides = array<i32>} : memref<512x8xf32, #tpu.memory_space<vmem>>, vector<512x1xf32>,
    %get3A_23 = arith.constant 0 : index
    %get3A_24 = arith.constant 0 : index
    %get3A_25 = vector.load %arg9[%get3A_23, %get3A_24] : memref<512x8xf32, #tpu.memory_space<vmem>>, vector<512x1xf32>
    %mul3A_26 = arith.mulf %get3A_25, %exp3A : vector<512x1xf32>
    %reduce_sum3A = arith.constant dense<0.000000e+00> : vector<512xf32>
    %reduce_sum3A_27 = vector.multi_reduction <add>, %exp3A_20, %reduce_sum3A [1] : vector<512x512xf32> to vector<512xf32>
    %broadcast_in_dim3A_28 = vector.shape_cast %reduce_sum3A_27 : vector<512xf32> to vector<512x1xf32>
    %add3A = arith.addf %mul3A_26, %broadcast_in_dim3A_28 : vector<512x1xf32>
    %swap3A_29 = arith.constant 0 : index
    %swap3A_30 = arith.constant 0 : index
    %swap3A_31 = vector.load %arg9[%swap3A_29, %swap3A_30] : memref<512x8xf32, #tpu.memory_space<vmem>>, vector<512x1xf32>
    tpu.vector_store %arg9[%swap3A_29, %swap3A_30], %add3A {strides = array<i32>} : memref<512x8xf32, #tpu.memory_space<vmem>>, vector<512x1xf32>,
    %get3A_32 = arith.constant 0 : index
    %get3A_33 = arith.constant 0 : index
    %get3A_34 = vector.load %arg10[%get3A_32, %get3A_33] : memref<512x128xf32, #tpu.memory_space<vmem>>, vector<512x16xf32>
    %mul3A_35 = vector.broadcast %exp3A : vector<512x1xf32> to vector<512x16xf32>
    %mul3A_36 = arith.mulf %get3A_34, %mul3A_35 : vector<512x16xf32>
    %slice3A_37 = vector.extract_strided_slice %get3A_11 {offsets = [0, 0], sizes = [512, 16], strides = [1, 1]} : vector<512x128xf32> to vector<512x16xf32>
    %dot_general3A_38 = arith.constant dense<0.000000e+00> : vector<512x16xf32>
    %dot_general3A_39 = tpu.matmul %exp3A_20, %slice3A_37, %dot_general3A_38 {dimension_numbers = #tpu.dot_dimension_numbers<[1], [0], [0], [1], [0, 0, 1, 1], [], []>, transpose_lhs_hint = false} : vector<512x512xf32>, vector<512x16xf32>, vector<512x16xf32> -> vector<512x16xf32>
    %add3A_40 = arith.addf %mul3A_36, %dot_general3A_39 : vector<512x16xf32>
    %swap3A_41 = arith.constant 0 : index
    %swap3A_42 = arith.constant 0 : index
    %swap3A_43 = vector.load %arg10[%swap3A_41, %swap3A_42] : memref<512x128xf32, #tpu.memory_space<vmem>>, vector<512x16xf32>
    tpu.vector_store %arg10[%swap3A_41, %swap3A_42], %add3A_40 {strides = array<i32>} : memref<512x128xf32, #tpu.memory_space<vmem>>, vector<512x16xf32>,
    %slice3A_44 = vector.extract_strided_slice %mul3A_5 {offsets = [0, 16], sizes = [512, 16], strides = [1, 1]} : vector<512x128xf32> to vector<512x16xf32>
    %slice3A_45 = vector.extract_strided_slice %get3A_8 {offsets = [0, 16], sizes = [512, 16], strides = [1, 1]} : vector<512x128xf32> to vector<512x16xf32>
    %dot_general3A_46 = arith.constant dense<0.000000e+00> : vector<512x512xf32>
    %dot_general3A_47 = tpu.matmul %slice3A_44, %slice3A_45, %dot_general3A_46 {dimension_numbers = #tpu.dot_dimension_numbers<[1], [1], [0], [0], [0, 0, 1, 0], [], []>, transpose_lhs_hint = false} : vector<512x16xf32>, vector<512x16xf32>, vector<512x512xf32> -> vector<512x512xf32>
    %get3A_48 = arith.constant 0 : index
    %get3A_49 = arith.constant 1 : index
    %get3A_50 = vector.load %arg8[%get3A_48, %get3A_49] : memref<512x8xf32, #tpu.memory_space<vmem>>, vector<512x1xf32>
    %reduce_max3A_51 = arith.constant dense<0xFF800000> : vector<512xf32>
    %reduce_max3A_52 = vector.multi_reduction <maximumf>, %dot_general3A_47, %reduce_max3A_51 [1] : vector<512x512xf32> to vector<512xf32>
    %broadcast_in_dim3A_53 = vector.shape_cast %reduce_max3A_52 : vector<512xf32> to vector<512x1xf32>
    %max3A_54 = arith.maximumf %get3A_50, %broadcast_in_dim3A_53 : vector<512x1xf32>
    %sub3A_55 = arith.subf %get3A_50, %max3A_54 : vector<512x1xf32>
    %exp3A_56 = math.exp %sub3A_55 : vector<512x1xf32>
    %sub3A_57 = vector.broadcast %max3A_54 : vector<512x1xf32> to vector<512x512xf32>
    %sub3A_58 = arith.subf %dot_general3A_47, %sub3A_57 : vector<512x512xf32>
    %exp3A_59 = math.exp %sub3A_58 : vector<512x512xf32>
    %swap3A_60 = arith.constant 0 : index
    %swap3A_61 = arith.constant 1 : index
    %swap3A_62 = vector.load %arg8[%swap3A_60, %swap3A_61] : memref<512x8xf32, #tpu.memory_space<vmem>>, vector<512x1xf32>
    tpu.vector_store %arg8[%swap3A_60, %swap3A_61], %max3A_54 {strides = array<i32>} : memref<512x8xf32, #tpu.memory_space<vmem>>, vector<512x1xf32>,
    %get3A_63 = arith.constant 0 : index
    %get3A_64 = arith.constant 1 : index
    %get3A_65 = vector.load %arg9[%get3A_63, %get3A_64] : memref<512x8xf32, #tpu.memory_space<vmem>>, vector<512x1xf32>
    %mul3A_66 = arith.mulf %get3A_65, %exp3A_56 : vector<512x1xf32>
    %reduce_sum3A_67 = arith.constant dense<0.000000e+00> : vector<512xf32>
    %reduce_sum3A_68 = vector.multi_reduction <add>, %exp3A_59, %reduce_sum3A_67 [1] : vector<512x512xf32> to vector<512xf32>
    %broadcast_in_dim3A_69 = vector.shape_cast %reduce_sum3A_68 : vector<512xf32> to vector<512x1xf32>
    %add3A_70 = arith.addf %mul3A_66, %broadcast_in_dim3A_69 : vector<512x1xf32>
    %swap3A_71 = arith.constant 0 : index
    %swap3A_72 = arith.constant 1 : index
    %swap3A_73 = vector.load %arg9[%swap3A_71, %swap3A_72] : memref<512x8xf32, #tpu.memory_space<vmem>>, vector<512x1xf32>
    tpu.vector_store %arg9[%swap3A_71, %swap3A_72], %add3A_70 {strides = array<i32>} : memref<512x8xf32, #tpu.memory_space<vmem>>, vector<512x1xf32>,
    %get3A_74 = arith.constant 0 : index
    %get3A_75 = arith.constant 16 : index
    %get3A_76 = vector.load %arg10[%get3A_74, %get3A_75] : memref<512x128xf32, #tpu.memory_space<vmem>>, vector<512x16xf32>
    %mul3A_77 = vector.broadcast %exp3A_56 : vector<512x1xf32> to vector<512x16xf32>
    %mul3A_78 = arith.mulf %get3A_76, %mul3A_77 : vector<512x16xf32>
    %slice3A_79 = vector.extract_strided_slice %get3A_11 {offsets = [0, 16], sizes = [512, 16], strides = [1, 1]} : vector<512x128xf32> to vector<512x16xf32>
    %dot_general3A_80 = arith.constant dense<0.000000e+00> : vector<512x16xf32>
    %dot_general3A_81 = tpu.matmul %exp3A_59, %slice3A_79, %dot_general3A_80 {dimension_numbers = #tpu.dot_dimension_numbers<[1], [0], [0], [1], [0, 0, 1, 1], [], []>, transpose_lhs_hint = false} : vector<512x512xf32>, vector<512x16xf32>, vector<512x16xf32> -> vector<512x16xf32>
    %add3A_82 = arith.addf %mul3A_78, %dot_general3A_81 : vector<512x16xf32>
    %swap3A_83 = arith.constant 0 : index
    %swap3A_84 = arith.constant 16 : index
    %swap3A_85 = vector.load %arg10[%swap3A_83, %swap3A_84] : memref<512x128xf32, #tpu.memory_space<vmem>>, vector<512x16xf32>
    tpu.vector_store %arg10[%swap3A_83, %swap3A_84], %add3A_82 {strides = array<i32>} : memref<512x128xf32, #tpu.memory_space<vmem>>, vector<512x16xf32>,
    %slice3A_86 = vector.extract_strided_slice %mul3A_5 {offsets = [0, 32], sizes = [512, 16], strides = [1, 1]} : vector<512x128xf32> to vector<512x16xf32>
    %slice3A_87 = vector.extract_strided_slice %get3A_8 {offsets = [0, 32], sizes = [512, 16], strides = [1, 1]} : vector<512x128xf32> to vector<512x16xf32>
    %dot_general3A_88 = arith.constant dense<0.000000e+00> : vector<512x512xf32>
    %dot_general3A_89 = tpu.matmul %slice3A_86, %slice3A_87, %dot_general3A_88 {dimension_numbers = #tpu.dot_dimension_numbers<[1], [1], [0], [0], [0, 0, 1, 0], [], []>, transpose_lhs_hint = false} : vector<512x16xf32>, vector<512x16xf32>, vector<512x512xf32> -> vector<512x512xf32>
    %get3A_90 = arith.constant 0 : index
    %get3A_91 = arith.constant 2 : index
    %get3A_92 = vector.load %arg8[%get3A_90, %get3A_91] : memref<512x8xf32, #tpu.memory_space<vmem>>, vector<512x1xf32>
    %reduce_max3A_93 = arith.constant dense<0xFF800000> : vector<512xf32>
    %reduce_max3A_94 = vector.multi_reduction <maximumf>, %dot_general3A_89, %reduce_max3A_93 [1] : vector<512x512xf32> to vector<512xf32>
    %broadcast_in_dim3A_95 = vector.shape_cast %reduce_max3A_94 : vector<512xf32> to vector<512x1xf32>
    %max3A_96 = arith.maximumf %get3A_92, %broadcast_in_dim3A_95 : vector<512x1xf32>
    %sub3A_97 = arith.subf %get3A_92, %max3A_96 : vector<512x1xf32>
    %exp3A_98 = math.exp %sub3A_97 : vector<512x1xf32>
    %sub3A_99 = vector.broadcast %max3A_96 : vector<512x1xf32> to vector<512x512xf32>
    %sub3A_100 = arith.subf %dot_general3A_89, %sub3A_99 : vector<512x512xf32>
    %exp3A_101 = math.exp %sub3A_100 : vector<512x512xf32>
    %swap3A_102 = arith.constant 0 : index
    %swap3A_103 = arith.constant 2 : index
    %swap3A_104 = vector.load %arg8[%swap3A_102, %swap3A_103] : memref<512x8xf32, #tpu.memory_space<vmem>>, vector<512x1xf32>
    tpu.vector_store %arg8[%swap3A_102, %swap3A_103], %max3A_96 {strides = array<i32>} : memref<512x8xf32, #tpu.memory_space<vmem>>, vector<512x1xf32>,
    %get3A_105 = arith.constant 0 : index
    %get3A_106 = arith.constant 2 : index
    %get3A_107 = vector.load %arg9[%get3A_105, %get3A_106] : memref<512x8xf32, #tpu.memory_space<vmem>>, vector<512x1xf32>
    %mul3A_108 = arith.mulf %get3A_107, %exp3A_98 : vector<512x1xf32>
    %reduce_sum3A_109 = arith.constant dense<0.000000e+00> : vector<512xf32>
    %reduce_sum3A_110 = vector.multi_reduction <add>, %exp3A_101, %reduce_sum3A_109 [1] : vector<512x512xf32> to vector<512xf32>
    %broadcast_in_dim3A_111 = vector.shape_cast %reduce_sum3A_110 : vector<512xf32> to vector<512x1xf32>
    %add3A_112 = arith.addf %mul3A_108, %broadcast_in_dim3A_111 : vector<512x1xf32>
    %swap3A_113 = arith.constant 0 : index
    %swap3A_114 = arith.constant 2 : index
    %swap3A_115 = vector.load %arg9[%swap3A_113, %swap3A_114] : memref<512x8xf32, #tpu.memory_space<vmem>>, vector<512x1xf32>
    tpu.vector_store %arg9[%swap3A_113, %swap3A_114], %add3A_112 {strides = array<i32>} : memref<512x8xf32, #tpu.memory_space<vmem>>, vector<512x1xf32>,
    %get3A_116 = arith.constant 0 : index
    %get3A_117 = arith.constant 32 : index
    %get3A_118 = vector.load %arg10[%get3A_116, %get3A_117] : memref<512x128xf32, #tpu.memory_space<vmem>>, vector<512x16xf32>
    %mul3A_119 = vector.broadcast %exp3A_98 : vector<512x1xf32> to vector<512x16xf32>
    %mul3A_120 = arith.mulf %get3A_118, %mul3A_119 : vector<512x16xf32>
    %slice3A_121 = vector.extract_strided_slice %get3A_11 {offsets = [0, 32], sizes = [512, 16], strides = [1, 1]} : vector<512x128xf32> to vector<512x16xf32>
    %dot_general3A_122 = arith.constant dense<0.000000e+00> : vector<512x16xf32>
    %dot_general3A_123 = tpu.matmul %exp3A_101, %slice3A_121, %dot_general3A_122 {dimension_numbers = #tpu.dot_dimension_numbers<[1], [0], [0], [1], [0, 0, 1, 1], [], []>, transpose_lhs_hint = false} : vector<512x512xf32>, vector<512x16xf32>, vector<512x16xf32> -> vector<512x16xf32>
    %add3A_124 = arith.addf %mul3A_120, %dot_general3A_123 : vector<512x16xf32>
    %swap3A_125 = arith.constant 0 : index
    %swap3A_126 = arith.constant 32 : index
    %swap3A_127 = vector.load %arg10[%swap3A_125, %swap3A_126] : memref<512x128xf32, #tpu.memory_space<vmem>>, vector<512x16xf32>
    tpu.vector_store %arg10[%swap3A_125, %swap3A_126], %add3A_124 {strides = array<i32>} : memref<512x128xf32, #tpu.memory_space<vmem>>, vector<512x16xf32>,
    %slice3A_128 = vector.extract_strided_slice %mul3A_5 {offsets = [0, 48], sizes = [512, 16], strides = [1, 1]} : vector<512x128xf32> to vector<512x16xf32>
    %slice3A_129 = vector.extract_strided_slice %get3A_8 {offsets = [0, 48], sizes = [512, 16], strides = [1, 1]} : vector<512x128xf32> to vector<512x16xf32>
    %dot_general3A_130 = arith.constant dense<0.000000e+00> : vector<512x512xf32>
    %dot_general3A_131 = tpu.matmul %slice3A_128, %slice3A_129, %dot_general3A_130 {dimension_numbers = #tpu.dot_dimension_numbers<[1], [1], [0], [0], [0, 0, 1, 0], [], []>, transpose_lhs_hint = false} : vector<512x16xf32>, vector<512x16xf32>, vector<512x512xf32> -> vector<512x512xf32>
    %get3A_132 = arith.constant 0 : index
    %get3A_133 = arith.constant 3 : index
    %get3A_134 = vector.load %arg8[%get3A_132, %get3A_133] : memref<512x8xf32, #tpu.memory_space<vmem>>, vector<512x1xf32>
    %reduce_max3A_135 = arith.constant dense<0xFF800000> : vector<512xf32>
    %reduce_max3A_136 = vector.multi_reduction <maximumf>, %dot_general3A_131, %reduce_max3A_135 [1] : vector<512x512xf32> to vector<512xf32>
    %broadcast_in_dim3A_137 = vector.shape_cast %reduce_max3A_136 : vector<512xf32> to vector<512x1xf32>
    %max3A_138 = arith.maximumf %get3A_134, %broadcast_in_dim3A_137 : vector<512x1xf32>
    %sub3A_139 = arith.subf %get3A_134, %max3A_138 : vector<512x1xf32>
    %exp3A_140 = math.exp %sub3A_139 : vector<512x1xf32>
    %sub3A_141 = vector.broadcast %max3A_138 : vector<512x1xf32> to vector<512x512xf32>
    %sub3A_142 = arith.subf %dot_general3A_131, %sub3A_141 : vector<512x512xf32>
    %exp3A_143 = math.exp %sub3A_142 : vector<512x512xf32>
    %swap3A_144 = arith.constant 0 : index
    %swap3A_145 = arith.constant 3 : index
    %swap3A_146 = vector.load %arg8[%swap3A_144, %swap3A_145] : memref<512x8xf32, #tpu.memory_space<vmem>>, vector<512x1xf32>
    tpu.vector_store %arg8[%swap3A_144, %swap3A_145], %max3A_138 {strides = array<i32>} : memref<512x8xf32, #tpu.memory_space<vmem>>, vector<512x1xf32>,
    %get3A_147 = arith.constant 0 : index
    %get3A_148 = arith.constant 3 : index
    %get3A_149 = vector.load %arg9[%get3A_147, %get3A_148] : memref<512x8xf32, #tpu.memory_space<vmem>>, vector<512x1xf32>
    %mul3A_150 = arith.mulf %get3A_149, %exp3A_140 : vector<512x1xf32>
    %reduce_sum3A_151 = arith.constant dense<0.000000e+00> : vector<512xf32>
    %reduce_sum3A_152 = vector.multi_reduction <add>, %exp3A_143, %reduce_sum3A_151 [1] : vector<512x512xf32> to vector<512xf32>
    %broadcast_in_dim3A_153 = vector.shape_cast %reduce_sum3A_152 : vector<512xf32> to vector<512x1xf32>
    %add3A_154 = arith.addf %mul3A_150, %broadcast_in_dim3A_153 : vector<512x1xf32>
    %swap3A_155 = arith.constant 0 : index
    %swap3A_156 = arith.constant 3 : index
    %swap3A_157 = vector.load %arg9[%swap3A_155, %swap3A_156] : memref<512x8xf32, #tpu.memory_space<vmem>>, vector<512x1xf32>
    tpu.vector_store %arg9[%swap3A_155, %swap3A_156], %add3A_154 {strides = array<i32>} : memref<512x8xf32, #tpu.memory_space<vmem>>, vector<512x1xf32>,
    %get3A_158 = arith.constant 0 : index
    %get3A_159 = arith.constant 48 : index
    %get3A_160 = vector.load %arg10[%get3A_158, %get3A_159] : memref<512x128xf32, #tpu.memory_space<vmem>>, vector<512x16xf32>
    %mul3A_161 = vector.broadcast %exp3A_140 : vector<512x1xf32> to vector<512x16xf32>
    %mul3A_162 = arith.mulf %get3A_160, %mul3A_161 : vector<512x16xf32>
    %slice3A_163 = vector.extract_strided_slice %get3A_11 {offsets = [0, 48], sizes = [512, 16], strides = [1, 1]} : vector<512x128xf32> to vector<512x16xf32>
    %dot_general3A_164 = arith.constant dense<0.000000e+00> : vector<512x16xf32>
    %dot_general3A_165 = tpu.matmul %exp3A_143, %slice3A_163, %dot_general3A_164 {dimension_numbers = #tpu.dot_dimension_numbers<[1], [0], [0], [1], [0, 0, 1, 1], [], []>, transpose_lhs_hint = false} : vector<512x512xf32>, vector<512x16xf32>, vector<512x16xf32> -> vector<512x16xf32>
    %add3A_166 = arith.addf %mul3A_162, %dot_general3A_165 : vector<512x16xf32>
    %swap3A_167 = arith.constant 0 : index
    %swap3A_168 = arith.constant 48 : index
    %swap3A_169 = vector.load %arg10[%swap3A_167, %swap3A_168] : memref<512x128xf32, #tpu.memory_space<vmem>>, vector<512x16xf32>
    tpu.vector_store %arg10[%swap3A_167, %swap3A_168], %add3A_166 {strides = array<i32>} : memref<512x128xf32, #tpu.memory_space<vmem>>, vector<512x16xf32>,
    %slice3A_170 = vector.extract_strided_slice %mul3A_5 {offsets = [0, 64], sizes = [512, 16], strides = [1, 1]} : vector<512x128xf32> to vector<512x16xf32>
    %slice3A_171 = vector.extract_strided_slice %get3A_8 {offsets = [0, 64], sizes = [512, 16], strides = [1, 1]} : vector<512x128xf32> to vector<512x16xf32>
    %dot_general3A_172 = arith.constant dense<0.000000e+00> : vector<512x512xf32>
    %dot_general3A_173 = tpu.matmul %slice3A_170, %slice3A_171, %dot_general3A_172 {dimension_numbers = #tpu.dot_dimension_numbers<[1], [1], [0], [0], [0, 0, 1, 0], [], []>, transpose_lhs_hint = false} : vector<512x16xf32>, vector<512x16xf32>, vector<512x512xf32> -> vector<512x512xf32>
    %get3A_174 = arith.constant 0 : index
    %get3A_175 = arith.constant 4 : index
    %get3A_176 = vector.load %arg8[%get3A_174, %get3A_175] : memref<512x8xf32, #tpu.memory_space<vmem>>, vector<512x1xf32>
    %reduce_max3A_177 = arith.constant dense<0xFF800000> : vector<512xf32>
    %reduce_max3A_178 = vector.multi_reduction <maximumf>, %dot_general3A_173, %reduce_max3A_177 [1] : vector<512x512xf32> to vector<512xf32>
    %broadcast_in_dim3A_179 = vector.shape_cast %reduce_max3A_178 : vector<512xf32> to vector<512x1xf32>
    %max3A_180 = arith.maximumf %get3A_176, %broadcast_in_dim3A_179 : vector<512x1xf32>
    %sub3A_181 = arith.subf %get3A_176, %max3A_180 : vector<512x1xf32>
    %exp3A_182 = math.exp %sub3A_181 : vector<512x1xf32>
    %sub3A_183 = vector.broadcast %max3A_180 : vector<512x1xf32> to vector<512x512xf32>
    %sub3A_184 = arith.subf %dot_general3A_173, %sub3A_183 : vector<512x512xf32>
    %exp3A_185 = math.exp %sub3A_184 : vector<512x512xf32>
    %swap3A_186 = arith.constant 0 : index
    %swap3A_187 = arith.constant 4 : index
    %swap3A_188 = vector.load %arg8[%swap3A_186, %swap3A_187] : memref<512x8xf32, #tpu.memory_space<vmem>>, vector<512x1xf32>
    tpu.vector_store %arg8[%swap3A_186, %swap3A_187], %max3A_180 {strides = array<i32>} : memref<512x8xf32, #tpu.memory_space<vmem>>, vector<512x1xf32>,
    %get3A_189 = arith.constant 0 : index
    %get3A_190 = arith.constant 4 : index
    %get3A_191 = vector.load %arg9[%get3A_189, %get3A_190] : memref<512x8xf32, #tpu.memory_space<vmem>>, vector<512x1xf32>
    %mul3A_192 = arith.mulf %get3A_191, %exp3A_182 : vector<512x1xf32>
    %reduce_sum3A_193 = arith.constant dense<0.000000e+00> : vector<512xf32>
    %reduce_sum3A_194 = vector.multi_reduction <add>, %exp3A_185, %reduce_sum3A_193 [1] : vector<512x512xf32> to vector<512xf32>
    %broadcast_in_dim3A_195 = vector.shape_cast %reduce_sum3A_194 : vector<512xf32> to vector<512x1xf32>
    %add3A_196 = arith.addf %mul3A_192, %broadcast_in_dim3A_195 : vector<512x1xf32>
    %swap3A_197 = arith.constant 0 : index
    %swap3A_198 = arith.constant 4 : index
    %swap3A_199 = vector.load %arg9[%swap3A_197, %swap3A_198] : memref<512x8xf32, #tpu.memory_space<vmem>>, vector<512x1xf32>
    tpu.vector_store %arg9[%swap3A_197, %swap3A_198], %add3A_196 {strides = array<i32>} : memref<512x8xf32, #tpu.memory_space<vmem>>, vector<512x1xf32>,
    %get3A_200 = arith.constant 0 : index
    %get3A_201 = arith.constant 64 : index
    %get3A_202 = vector.load %arg10[%get3A_200, %get3A_201] : memref<512x128xf32, #tpu.memory_space<vmem>>, vector<512x16xf32>
    %mul3A_203 = vector.broadcast %exp3A_182 : vector<512x1xf32> to vector<512x16xf32>
    %mul3A_204 = arith.mulf %get3A_202, %mul3A_203 : vector<512x16xf32>
    %slice3A_205 = vector.extract_strided_slice %get3A_11 {offsets = [0, 64], sizes = [512, 16], strides = [1, 1]} : vector<512x128xf32> to vector<512x16xf32>
    %dot_general3A_206 = arith.constant dense<0.000000e+00> : vector<512x16xf32>
    %dot_general3A_207 = tpu.matmul %exp3A_185, %slice3A_205, %dot_general3A_206 {dimension_numbers = #tpu.dot_dimension_numbers<[1], [0], [0], [1], [0, 0, 1, 1], [], []>, transpose_lhs_hint = false} : vector<512x512xf32>, vector<512x16xf32>, vector<512x16xf32> -> vector<512x16xf32>
    %add3A_208 = arith.addf %mul3A_204, %dot_general3A_207 : vector<512x16xf32>
    %swap3A_209 = arith.constant 0 : index
    %swap3A_210 = arith.constant 64 : index
    %swap3A_211 = vector.load %arg10[%swap3A_209, %swap3A_210] : memref<512x128xf32, #tpu.memory_space<vmem>>, vector<512x16xf32>
    tpu.vector_store %arg10[%swap3A_209, %swap3A_210], %add3A_208 {strides = array<i32>} : memref<512x128xf32, #tpu.memory_space<vmem>>, vector<512x16xf32>,
    %slice3A_212 = vector.extract_strided_slice %mul3A_5 {offsets = [0, 80], sizes = [512, 16], strides = [1, 1]} : vector<512x128xf32> to vector<512x16xf32>
    %slice3A_213 = vector.extract_strided_slice %get3A_8 {offsets = [0, 80], sizes = [512, 16], strides = [1, 1]} : vector<512x128xf32> to vector<512x16xf32>
    %dot_general3A_214 = arith.constant dense<0.000000e+00> : vector<512x512xf32>
    %dot_general3A_215 = tpu.matmul %slice3A_212, %slice3A_213, %dot_general3A_214 {dimension_numbers = #tpu.dot_dimension_numbers<[1], [1], [0], [0], [0, 0, 1, 0], [], []>, transpose_lhs_hint = false} : vector<512x16xf32>, vector<512x16xf32>, vector<512x512xf32> -> vector<512x512xf32>
    %get3A_216 = arith.constant 0 : index
    %get3A_217 = arith.constant 5 : index
    %get3A_218 = vector.load %arg8[%get3A_216, %get3A_217] : memref<512x8xf32, #tpu.memory_space<vmem>>, vector<512x1xf32>
    %reduce_max3A_219 = arith.constant dense<0xFF800000> : vector<512xf32>
    %reduce_max3A_220 = vector.multi_reduction <maximumf>, %dot_general3A_215, %reduce_max3A_219 [1] : vector<512x512xf32> to vector<512xf32>
    %broadcast_in_dim3A_221 = vector.shape_cast %reduce_max3A_220 : vector<512xf32> to vector<512x1xf32>
    %max3A_222 = arith.maximumf %get3A_218, %broadcast_in_dim3A_221 : vector<512x1xf32>
    %sub3A_223 = arith.subf %get3A_218, %max3A_222 : vector<512x1xf32>
    %exp3A_224 = math.exp %sub3A_223 : vector<512x1xf32>
    %sub3A_225 = vector.broadcast %max3A_222 : vector<512x1xf32> to vector<512x512xf32>
    %sub3A_226 = arith.subf %dot_general3A_215, %sub3A_225 : vector<512x512xf32>
    %exp3A_227 = math.exp %sub3A_226 : vector<512x512xf32>
    %swap3A_228 = arith.constant 0 : index
    %swap3A_229 = arith.constant 5 : index
    %swap3A_230 = vector.load %arg8[%swap3A_228, %swap3A_229] : memref<512x8xf32, #tpu.memory_space<vmem>>, vector<512x1xf32>
    tpu.vector_store %arg8[%swap3A_228, %swap3A_229], %max3A_222 {strides = array<i32>} : memref<512x8xf32, #tpu.memory_space<vmem>>, vector<512x1xf32>,
    %get3A_231 = arith.constant 0 : index
    %get3A_232 = arith.constant 5 : index
    %get3A_233 = vector.load %arg9[%get3A_231, %get3A_232] : memref<512x8xf32, #tpu.memory_space<vmem>>, vector<512x1xf32>
    %mul3A_234 = arith.mulf %get3A_233, %exp3A_224 : vector<512x1xf32>
    %reduce_sum3A_235 = arith.constant dense<0.000000e+00> : vector<512xf32>
    %reduce_sum3A_236 = vector.multi_reduction <add>, %exp3A_227, %reduce_sum3A_235 [1] : vector<512x512xf32> to vector<512xf32>
    %broadcast_in_dim3A_237 = vector.shape_cast %reduce_sum3A_236 : vector<512xf32> to vector<512x1xf32>
    %add3A_238 = arith.addf %mul3A_234, %broadcast_in_dim3A_237 : vector<512x1xf32>
    %swap3A_239 = arith.constant 0 : index
    %swap3A_240 = arith.constant 5 : index
    %swap3A_241 = vector.load %arg9[%swap3A_239, %swap3A_240] : memref<512x8xf32, #tpu.memory_space<vmem>>, vector<512x1xf32>
    tpu.vector_store %arg9[%swap3A_239, %swap3A_240], %add3A_238 {strides = array<i32>} : memref<512x8xf32, #tpu.memory_space<vmem>>, vector<512x1xf32>,
    %get3A_242 = arith.constant 0 : index
    %get3A_243 = arith.constant 80 : index
    %get3A_244 = vector.load %arg10[%get3A_242, %get3A_243] : memref<512x128xf32, #tpu.memory_space<vmem>>, vector<512x16xf32>
    %mul3A_245 = vector.broadcast %exp3A_224 : vector<512x1xf32> to vector<512x16xf32>
    %mul3A_246 = arith.mulf %get3A_244, %mul3A_245 : vector<512x16xf32>
    %slice3A_247 = vector.extract_strided_slice %get3A_11 {offsets = [0, 80], sizes = [512, 16], strides = [1, 1]} : vector<512x128xf32> to vector<512x16xf32>
    %dot_general3A_248 = arith.constant dense<0.000000e+00> : vector<512x16xf32>
    %dot_general3A_249 = tpu.matmul %exp3A_227, %slice3A_247, %dot_general3A_248 {dimension_numbers = #tpu.dot_dimension_numbers<[1], [0], [0], [1], [0, 0, 1, 1], [], []>, transpose_lhs_hint = false} : vector<512x512xf32>, vector<512x16xf32>, vector<512x16xf32> -> vector<512x16xf32>
    %add3A_250 = arith.addf %mul3A_246, %dot_general3A_249 : vector<512x16xf32>
    %swap3A_251 = arith.constant 0 : index
    %swap3A_252 = arith.constant 80 : index
    %swap3A_253 = vector.load %arg10[%swap3A_251, %swap3A_252] : memref<512x128xf32, #tpu.memory_space<vmem>>, vector<512x16xf32>
    tpu.vector_store %arg10[%swap3A_251, %swap3A_252], %add3A_250 {strides = array<i32>} : memref<512x128xf32, #tpu.memory_space<vmem>>, vector<512x16xf32>,
    %slice3A_254 = vector.extract_strided_slice %mul3A_5 {offsets = [0, 96], sizes = [512, 16], strides = [1, 1]} : vector<512x128xf32> to vector<512x16xf32>
    %slice3A_255 = vector.extract_strided_slice %get3A_8 {offsets = [0, 96], sizes = [512, 16], strides = [1, 1]} : vector<512x128xf32> to vector<512x16xf32>
    %dot_general3A_256 = arith.constant dense<0.000000e+00> : vector<512x512xf32>
    %dot_general3A_257 = tpu.matmul %slice3A_254, %slice3A_255, %dot_general3A_256 {dimension_numbers = #tpu.dot_dimension_numbers<[1], [1], [0], [0], [0, 0, 1, 0], [], []>, transpose_lhs_hint = false} : vector<512x16xf32>, vector<512x16xf32>, vector<512x512xf32> -> vector<512x512xf32>
    %get3A_258 = arith.constant 0 : index
    %get3A_259 = arith.constant 6 : index
    %get3A_260 = vector.load %arg8[%get3A_258, %get3A_259] : memref<512x8xf32, #tpu.memory_space<vmem>>, vector<512x1xf32>
    %reduce_max3A_261 = arith.constant dense<0xFF800000> : vector<512xf32>
    %reduce_max3A_262 = vector.multi_reduction <maximumf>, %dot_general3A_257, %reduce_max3A_261 [1] : vector<512x512xf32> to vector<512xf32>
    %broadcast_in_dim3A_263 = vector.shape_cast %reduce_max3A_262 : vector<512xf32> to vector<512x1xf32>
    %max3A_264 = arith.maximumf %get3A_260, %broadcast_in_dim3A_263 : vector<512x1xf32>
    %sub3A_265 = arith.subf %get3A_260, %max3A_264 : vector<512x1xf32>
    %exp3A_266 = math.exp %sub3A_265 : vector<512x1xf32>
    %sub3A_267 = vector.broadcast %max3A_264 : vector<512x1xf32> to vector<512x512xf32>
    %sub3A_268 = arith.subf %dot_general3A_257, %sub3A_267 : vector<512x512xf32>
    %exp3A_269 = math.exp %sub3A_268 : vector<512x512xf32>
    %swap3A_270 = arith.constant 0 : index
    %swap3A_271 = arith.constant 6 : index
    %swap3A_272 = vector.load %arg8[%swap3A_270, %swap3A_271] : memref<512x8xf32, #tpu.memory_space<vmem>>, vector<512x1xf32>
    tpu.vector_store %arg8[%swap3A_270, %swap3A_271], %max3A_264 {strides = array<i32>} : memref<512x8xf32, #tpu.memory_space<vmem>>, vector<512x1xf32>,
    %get3A_273 = arith.constant 0 : index
    %get3A_274 = arith.constant 6 : index
    %get3A_275 = vector.load %arg9[%get3A_273, %get3A_274] : memref<512x8xf32, #tpu.memory_space<vmem>>, vector<512x1xf32>
    %mul3A_276 = arith.mulf %get3A_275, %exp3A_266 : vector<512x1xf32>
    %reduce_sum3A_277 = arith.constant dense<0.000000e+00> : vector<512xf32>
    %reduce_sum3A_278 = vector.multi_reduction <add>, %exp3A_269, %reduce_sum3A_277 [1] : vector<512x512xf32> to vector<512xf32>
    %broadcast_in_dim3A_279 = vector.shape_cast %reduce_sum3A_278 : vector<512xf32> to vector<512x1xf32>
    %add3A_280 = arith.addf %mul3A_276, %broadcast_in_dim3A_279 : vector<512x1xf32>
    %swap3A_281 = arith.constant 0 : index
    %swap3A_282 = arith.constant 6 : index
    %swap3A_283 = vector.load %arg9[%swap3A_281, %swap3A_282] : memref<512x8xf32, #tpu.memory_space<vmem>>, vector<512x1xf32>
    tpu.vector_store %arg9[%swap3A_281, %swap3A_282], %add3A_280 {strides = array<i32>} : memref<512x8xf32, #tpu.memory_space<vmem>>, vector<512x1xf32>,
    %get3A_284 = arith.constant 0 : index
    %get3A_285 = arith.constant 96 : index
    %get3A_286 = vector.load %arg10[%get3A_284, %get3A_285] : memref<512x128xf32, #tpu.memory_space<vmem>>, vector<512x16xf32>
    %mul3A_287 = vector.broadcast %exp3A_266 : vector<512x1xf32> to vector<512x16xf32>
    %mul3A_288 = arith.mulf %get3A_286, %mul3A_287 : vector<512x16xf32>
    %slice3A_289 = vector.extract_strided_slice %get3A_11 {offsets = [0, 96], sizes = [512, 16], strides = [1, 1]} : vector<512x128xf32> to vector<512x16xf32>
    %dot_general3A_290 = arith.constant dense<0.000000e+00> : vector<512x16xf32>
    %dot_general3A_291 = tpu.matmul %exp3A_269, %slice3A_289, %dot_general3A_290 {dimension_numbers = #tpu.dot_dimension_numbers<[1], [0], [0], [1], [0, 0, 1, 1], [], []>, transpose_lhs_hint = false} : vector<512x512xf32>, vector<512x16xf32>, vector<512x16xf32> -> vector<512x16xf32>
    %add3A_292 = arith.addf %mul3A_288, %dot_general3A_291 : vector<512x16xf32>
    %swap3A_293 = arith.constant 0 : index
    %swap3A_294 = arith.constant 96 : index
    %swap3A_295 = vector.load %arg10[%swap3A_293, %swap3A_294] : memref<512x128xf32, #tpu.memory_space<vmem>>, vector<512x16xf32>
    tpu.vector_store %arg10[%swap3A_293, %swap3A_294], %add3A_292 {strides = array<i32>} : memref<512x128xf32, #tpu.memory_space<vmem>>, vector<512x16xf32>,
    %slice3A_296 = vector.extract_strided_slice %mul3A_5 {offsets = [0, 112], sizes = [512, 16], strides = [1, 1]} : vector<512x128xf32> to vector<512x16xf32>
    %slice3A_297 = vector.extract_strided_slice %get3A_8 {offsets = [0, 112], sizes = [512, 16], strides = [1, 1]} : vector<512x128xf32> to vector<512x16xf32>
    %dot_general3A_298 = arith.constant dense<0.000000e+00> : vector<512x512xf32>
    %dot_general3A_299 = tpu.matmul %slice3A_296, %slice3A_297, %dot_general3A_298 {dimension_numbers = #tpu.dot_dimension_numbers<[1], [1], [0], [0], [0, 0, 1, 0], [], []>, transpose_lhs_hint = false} : vector<512x16xf32>, vector<512x16xf32>, vector<512x512xf32> -> vector<512x512xf32>
    %get3A_300 = arith.constant 0 : index
    %get3A_301 = arith.constant 7 : index
    %get3A_302 = vector.load %arg8[%get3A_300, %get3A_301] : memref<512x8xf32, #tpu.memory_space<vmem>>, vector<512x1xf32>
    %reduce_max3A_303 = arith.constant dense<0xFF800000> : vector<512xf32>
    %reduce_max3A_304 = vector.multi_reduction <maximumf>, %dot_general3A_299, %reduce_max3A_303 [1] : vector<512x512xf32> to vector<512xf32>
    %broadcast_in_dim3A_305 = vector.shape_cast %reduce_max3A_304 : vector<512xf32> to vector<512x1xf32>
    %max3A_306 = arith.maximumf %get3A_302, %broadcast_in_dim3A_305 : vector<512x1xf32>
    %sub3A_307 = arith.subf %get3A_302, %max3A_306 : vector<512x1xf32>
    %exp3A_308 = math.exp %sub3A_307 : vector<512x1xf32>
    %sub3A_309 = vector.broadcast %max3A_306 : vector<512x1xf32> to vector<512x512xf32>
    %sub3A_310 = arith.subf %dot_general3A_299, %sub3A_309 : vector<512x512xf32>
    %exp3A_311 = math.exp %sub3A_310 : vector<512x512xf32>
    %swap3A_312 = arith.constant 0 : index
    %swap3A_313 = arith.constant 7 : index
    %swap3A_314 = vector.load %arg8[%swap3A_312, %swap3A_313] : memref<512x8xf32, #tpu.memory_space<vmem>>, vector<512x1xf32>
    tpu.vector_store %arg8[%swap3A_312, %swap3A_313], %max3A_306 {strides = array<i32>} : memref<512x8xf32, #tpu.memory_space<vmem>>, vector<512x1xf32>,
    %get3A_315 = arith.constant 0 : index
    %get3A_316 = arith.constant 7 : index
    %get3A_317 = vector.load %arg9[%get3A_315, %get3A_316] : memref<512x8xf32, #tpu.memory_space<vmem>>, vector<512x1xf32>
    %mul3A_318 = arith.mulf %get3A_317, %exp3A_308 : vector<512x1xf32>
    %reduce_sum3A_319 = arith.constant dense<0.000000e+00> : vector<512xf32>
    %reduce_sum3A_320 = vector.multi_reduction <add>, %exp3A_311, %reduce_sum3A_319 [1] : vector<512x512xf32> to vector<512xf32>
    %broadcast_in_dim3A_321 = vector.shape_cast %reduce_sum3A_320 : vector<512xf32> to vector<512x1xf32>
    %add3A_322 = arith.addf %mul3A_318, %broadcast_in_dim3A_321 : vector<512x1xf32>
    %swap3A_323 = arith.constant 0 : index
    %swap3A_324 = arith.constant 7 : index
    %swap3A_325 = vector.load %arg9[%swap3A_323, %swap3A_324] : memref<512x8xf32, #tpu.memory_space<vmem>>, vector<512x1xf32>
    tpu.vector_store %arg9[%swap3A_323, %swap3A_324], %add3A_322 {strides = array<i32>} : memref<512x8xf32, #tpu.memory_space<vmem>>, vector<512x1xf32>,
    %get3A_326 = arith.constant 0 : index
    %get3A_327 = arith.constant 112 : index
    %get3A_328 = vector.load %arg10[%get3A_326, %get3A_327] : memref<512x128xf32, #tpu.memory_space<vmem>>, vector<512x16xf32>
    %mul3A_329 = vector.broadcast %exp3A_308 : vector<512x1xf32> to vector<512x16xf32>
    %mul3A_330 = arith.mulf %get3A_328, %mul3A_329 : vector<512x16xf32>
    %slice3A_331 = vector.extract_strided_slice %get3A_11 {offsets = [0, 112], sizes = [512, 16], strides = [1, 1]} : vector<512x128xf32> to vector<512x16xf32>
    %dot_general3A_332 = arith.constant dense<0.000000e+00> : vector<512x16xf32>
    %dot_general3A_333 = tpu.matmul %exp3A_311, %slice3A_331, %dot_general3A_332 {dimension_numbers = #tpu.dot_dimension_numbers<[1], [0], [0], [1], [0, 0, 1, 1], [], []>, transpose_lhs_hint = false} : vector<512x512xf32>, vector<512x16xf32>, vector<512x16xf32> -> vector<512x16xf32>
    %add3A_334 = arith.addf %mul3A_330, %dot_general3A_333 : vector<512x16xf32>
    %swap3A_335 = arith.constant 0 : index
    %swap3A_336 = arith.constant 112 : index
    %swap3A_337 = vector.load %arg10[%swap3A_335, %swap3A_336] : memref<512x128xf32, #tpu.memory_space<vmem>>, vector<512x16xf32>
    tpu.vector_store %arg10[%swap3A_335, %swap3A_336], %add3A_334 {strides = array<i32>} : memref<512x128xf32, #tpu.memory_space<vmem>>, vector<512x16xf32>,
    %eq3A_338 = arith.constant 7 : i32
    %eq3A_339 = arith.cmpi eq, %arg1, %eq3A_338 : i32
    %convert_element_type3A_340 = arith.extui %eq3A_339 : i1 to i32
    %cond3A_341 = arith.constant 0 : i32
    %cond3A_342 = arith.cmpi ne, %convert_element_type3A_340, %cond3A_341 : i32
    scf.if %cond3A_342 {
      %get3A_343 = arith.constant 0 : index
      %get3A_344 = arith.constant 0 : index
      %get3A_345 = vector.load %arg10[%get3A_343, %get3A_344] : memref<512x128xf32, #tpu.memory_space<vmem>>, vector<512x16xf32>
      %get3A_346 = arith.constant 0 : index
      %get3A_347 = arith.constant 0 : index
      %get3A_348 = vector.load %arg9[%get3A_346, %get3A_347] : memref<512x8xf32, #tpu.memory_space<vmem>>, vector<512x1xf32>
      %div3A = vector.broadcast %get3A_348 : vector<512x1xf32> to vector<512x16xf32>
      %div3A_349 = arith.divf %get3A_345, %div3A : vector<512x16xf32>
      %get3A_350 = arith.constant 0 : index
      %get3A_351 = arith.constant 16 : index
      %get3A_352 = vector.load %arg10[%get3A_350, %get3A_351] : memref<512x128xf32, #tpu.memory_space<vmem>>, vector<512x16xf32>
      %get3A_353 = arith.constant 0 : index
      %get3A_354 = arith.constant 1 : index
      %get3A_355 = vector.load %arg9[%get3A_353, %get3A_354] : memref<512x8xf32, #tpu.memory_space<vmem>>, vector<512x1xf32>
      %div3A_356 = vector.broadcast %get3A_355 : vector<512x1xf32> to vector<512x16xf32>
      %div3A_357 = arith.divf %get3A_352, %div3A_356 : vector<512x16xf32>
      %get3A_358 = arith.constant 0 : index
      %get3A_359 = arith.constant 32 : index
      %get3A_360 = vector.load %arg10[%get3A_358, %get3A_359] : memref<512x128xf32, #tpu.memory_space<vmem>>, vector<512x16xf32>
      %get3A_361 = arith.constant 0 : index
      %get3A_362 = arith.constant 2 : index
      %get3A_363 = vector.load %arg9[%get3A_361, %get3A_362] : memref<512x8xf32, #tpu.memory_space<vmem>>, vector<512x1xf32>
      %div3A_364 = vector.broadcast %get3A_363 : vector<512x1xf32> to vector<512x16xf32>
      %div3A_365 = arith.divf %get3A_360, %div3A_364 : vector<512x16xf32>
      %get3A_366 = arith.constant 0 : index
      %get3A_367 = arith.constant 48 : index
      %get3A_368 = vector.load %arg10[%get3A_366, %get3A_367] : memref<512x128xf32, #tpu.memory_space<vmem>>, vector<512x16xf32>
      %get3A_369 = arith.constant 0 : index
      %get3A_370 = arith.constant 3 : index
      %get3A_371 = vector.load %arg9[%get3A_369, %get3A_370] : memref<512x8xf32, #tpu.memory_space<vmem>>, vector<512x1xf32>
      %div3A_372 = vector.broadcast %get3A_371 : vector<512x1xf32> to vector<512x16xf32>
      %div3A_373 = arith.divf %get3A_368, %div3A_372 : vector<512x16xf32>
      %get3A_374 = arith.constant 0 : index
      %get3A_375 = arith.constant 64 : index
      %get3A_376 = vector.load %arg10[%get3A_374, %get3A_375] : memref<512x128xf32, #tpu.memory_space<vmem>>, vector<512x16xf32>
      %get3A_377 = arith.constant 0 : index
      %get3A_378 = arith.constant 4 : index
      %get3A_379 = vector.load %arg9[%get3A_377, %get3A_378] : memref<512x8xf32, #tpu.memory_space<vmem>>, vector<512x1xf32>
      %div3A_380 = vector.broadcast %get3A_379 : vector<512x1xf32> to vector<512x16xf32>
      %div3A_381 = arith.divf %get3A_376, %div3A_380 : vector<512x16xf32>
      %get3A_382 = arith.constant 0 : index
      %get3A_383 = arith.constant 80 : index
      %get3A_384 = vector.load %arg10[%get3A_382, %get3A_383] : memref<512x128xf32, #tpu.memory_space<vmem>>, vector<512x16xf32>
      %get3A_385 = arith.constant 0 : index
      %get3A_386 = arith.constant 5 : index
      %get3A_387 = vector.load %arg9[%get3A_385, %get3A_386] : memref<512x8xf32, #tpu.memory_space<vmem>>, vector<512x1xf32>
      %div3A_388 = vector.broadcast %get3A_387 : vector<512x1xf32> to vector<512x16xf32>
      %div3A_389 = arith.divf %get3A_384, %div3A_388 : vector<512x16xf32>
      %get3A_390 = arith.constant 0 : index
      %get3A_391 = arith.constant 96 : index
      %get3A_392 = vector.load %arg10[%get3A_390, %get3A_391] : memref<512x128xf32, #tpu.memory_space<vmem>>, vector<512x16xf32>
      %get3A_393 = arith.constant 0 : index
      %get3A_394 = arith.constant 6 : index
      %get3A_395 = vector.load %arg9[%get3A_393, %get3A_394] : memref<512x8xf32, #tpu.memory_space<vmem>>, vector<512x1xf32>
      %div3A_396 = vector.broadcast %get3A_395 : vector<512x1xf32> to vector<512x16xf32>
      %div3A_397 = arith.divf %get3A_392, %div3A_396 : vector<512x16xf32>
      %get3A_398 = arith.constant 0 : index
      %get3A_399 = arith.constant 112 : index
      %get3A_400 = vector.load %arg10[%get3A_398, %get3A_399] : memref<512x128xf32, #tpu.memory_space<vmem>>, vector<512x16xf32>
      %get3A_401 = arith.constant 0 : index
      %get3A_402 = arith.constant 7 : index
      %get3A_403 = vector.load %arg9[%get3A_401, %get3A_402] : memref<512x8xf32, #tpu.memory_space<vmem>>, vector<512x1xf32>
      %div3A_404 = vector.broadcast %get3A_403 : vector<512x1xf32> to vector<512x16xf32>
      %div3A_405 = arith.divf %get3A_400, %div3A_404 : vector<512x16xf32>
      %concatenate3A = tpu.concatenate %div3A_349, %div3A_357, %div3A_365, %div3A_373, %div3A_381, %div3A_389, %div3A_397, %div3A_405 in 1 : vector<512x16xf32>, vector<512x16xf32>, vector<512x16xf32>, vector<512x16xf32>, vector<512x16xf32>, vector<512x16xf32>, vector<512x16xf32>, vector<512x16xf32> -> vector<512x128xf32>
      %get3A_406 = arith.constant 0 : index
      %get3A_407 = arith.constant 0 : index
      %get3A_408 = vector.load %arg5[%get3A_406, %get3A_407] : memref<128x128xf32, #tpu.memory_space<vmem>>, vector<128x128xf32>
      %dot_general3A_409 = arith.constant dense<0.000000e+00> : vector<512x128xf32>
      %dot_general3A_410 = tpu.matmul %concatenate3A, %get3A_408, %dot_general3A_409 {dimension_numbers = #tpu.dot_dimension_numbers<[1], [1], [0], [0], [0, 0, 1, 0], [], []>, transpose_lhs_hint = false} : vector<512x128xf32>, vector<128x128xf32>, vector<512x128xf32> -> vector<512x128xf32>
      %get3A_411 = arith.constant 0 : index
      %get3A_412 = arith.constant 0 : index
      %get3A_413 = vector.load %arg6[%get3A_411, %get3A_412] : memref<1x128xf32, #tpu.memory_space<vmem>>, vector<1x128xf32>
      %add3A_414 = vector.broadcast %get3A_413 : vector<1x128xf32> to vector<512x128xf32>
      %add3A_415 = arith.addf %dot_general3A_410, %add3A_414 : vector<512x128xf32>
      %swap3A_416 = arith.constant 0 : index
      %swap3A_417 = arith.constant 0 : index
      %swap3A_418 = vector.load %arg7[%swap3A_416, %swap3A_417] : memref<512x128xf32, #tpu.memory_space<vmem>>, vector<512x128xf32>
      tpu.vector_store %arg7[%swap3A_416, %swap3A_417], %add3A_415 {strides = array<i32>} : memref<512x128xf32, #tpu.memory_space<vmem>>, vector<512x128xf32>,
    } else {
    }
    return
  }
  func.func @transform_0(%arg0: i32, %arg1: i32) -> (i32, i32) {
    %c0_i32 = arith.constant 0 : i32
    %c0_i32_0 = arith.constant 0 : i32
    return %arg0, %c0_i32 : i32, i32
  }
  func.func @transform_1(%arg0: i32, %arg1: i32) -> (i32, i32) {
    %c0_i32 = arith.constant 0 : i32
    %c0_i32_0 = arith.constant 0 : i32
    return %arg1, %c0_i32 : i32, i32
  }
  func.func @transform_2(%arg0: i32, %arg1: i32) -> (i32, i32) {
    %c0_i32 = arith.constant 0 : i32
    %c0_i32_0 = arith.constant 0 : i32
    return %arg1, %c0_i32 : i32, i32
  }
  func.func @transform_3(%arg0: i32, %arg1: i32) -> (i32, i32) {
    %c0_i32 = arith.constant 0 : i32
    %c0_i32_0 = arith.constant 0 : i32
    %c0_i32_1 = arith.constant 0 : i32
    return %c0_i32, %c0_i32_0 : i32, i32
  }
  func.func @transform_4(%arg0: i32, %arg1: i32) -> (i32, i32) {
    %c0_i32 = arith.constant 0 : i32
    %c0_i32_0 = arith.constant 0 : i32
    %c0_i32_1 = arith.constant 0 : i32
    return %c0_i32, %c0_i32_0 : i32, i32
  }
  func.func @transform_5(%arg0: i32, %arg1: i32) -> (i32, i32) {
    %c0_i32 = arith.constant 0 : i32
    %c0_i32_0 = arith.constant 0 : i32
    return %arg0, %c0_i32 : i32, i32
  }
}

</mosaic_0001>

<sc_bundles>
// kernel: scatter_offload_async_start.1
scs
__scs_entry_jumppad:
0x0: {  	(pc) =	sbr.rel $0x88, $3  }
0x1: {  	(tag) =	ssettag $0x0;
	lr =	simm.s32 $0x1  }
0x2: {  	[smem:$0x3F85] =	sst lr;
	_ =	strace $0xD0000000  }
0x3: {  	_ = 	snop  }
0x4: {  	_ = 	snop  }
0x5: {  	_ = 	snop  }
0x6: {  	_ = 	snop  }
0x7: {  	_ = 	snop  }
__scs_overlays_trampoline_lowered:
0x8: {  	[smem:$0x3F94] =	sst s0  }
0x9: {  	[smem:$0x3F95] =	sst s1  }
0xa: {  	[smem:$0x3F96] =	sst s2  }
0xb: {  	[smem:$0x3F97] =	sst s3  }
0xc: {  	[smem:$0x3F98] =	sst s4  }
0xd: {  	[smem:$0x3F99] =	sst s5  }
0xe: {  	[smem:$0x3F9A] =	sst s6  }
0xf: {  	[smem:$0x3F9B] =	sst s7  }
0x10: {  	[smem:$0x3F9C] =	sst s8  }
0x11: {  	[smem:$0x3F9D] =	sst s9;
	s0 =	simm.s32 @!p0 $0x0  }
0x12: {  	s1 =	sld [smem:$0x3F83];
	s0 =	simm.s32 @p0 $0x1  }
0x13: {  	[smem:$0x3F9E] =	sst s0;
	s0 =	simm.s32 @!p1 $0x0  }
0x14: {  	s2 =	sld [smem:$0x3F82];
	s0 =	simm.s32 @p1 $0x1  }
0x15: {  	[smem:$0x3F9F] =	sst s0;
	s0 =	simm.s32 @!p2 $0x0  }
0x16: {  	s3 =	sld [smem:$0x3FDB];
	s0 =	simm.s32 @p2 $0x1  }
0x17: {  	s4 =	simm.s32 $0x1BF5;
	[smem:$0x3FA1] =	sst s0  }
0x18: {  	s0 =	sld [smem:$0x3F84];
	_ =	swait.ge [sflag:s4], $0x0  }
0x19: {  	s7 =	sld [smem:$0x3F85]  }
0x1a: {  	s8 =	sadd.s32 $0xFFFFE003, lr  }
0x1b: {  	s9 =	sadd.s32 $0xFFFFFEF7, lr;
	s5 =	simm.s32 $0xFFFFFFFF;
	p2 =	slt.u32 s8, $0xFFFFF086  }
0x1c: {  	p1 =	slt.u32 s9, $0xF7A;
	s5 =	simm.s32 @!p2 $0x0  }
0x1d: {  	s5 =	simm.s32 @p1 $0x1;
	p0 =	seq.s32 s7, s2  }
0x1e: {  	s7 =	smul.u32 @!p0 $0xF7A, s2;
	p2 =	seq.s32 @!p0 s5, $0x0  }
0x1f: {  	s9 =	smul.u32 $0xF7A, s1;
	s8 =	simm.s32 @!p0 $0x1BF5;
	p2 =	por !p2, p0  }
0x20: {  	[sflag:s8] =	ssyncset.s32 @!p0 $0xFFFFF086;
	s6 =	sadd.s32 @!p0 s3, s7;
	s7 =	simm.s32 @!p0 $0x108  }
0x21: {  	s3 =	sadd.s32 s3, s9;
	s6 =	sadd.s32 @!p0 $0x88, s6;
	s7 =	simm.s32 @p2 $0x1082  }
0x22: {  	[simem:s7], [sflag:s8] =	dma.local @!p0 [hbm:s6], $0xF7A  }
0x23: {  	s9 =	sor.u32 $0xD0000000, s2;
	s6 =	simm.s32 $0x108;
	_ =	swait.ge @!p0 [sflag:s8], $0x0  }
0x24: {  	s3 =	sadd.s32 $0x88, s3;
	s6 =	simm.s32 @!p1 $0x1082;
	[sflag:s4] =	ssyncset.s32 $0xFFFFF086  }
0x25: {  	[simem:s6], [sflag:s4] =	dma.local [hbm:s3], $0xF7A  }
0x26: {  	[smem:$0x3F85] =	sst s1;
	(tag) =	ssettag s2;
	_ =	strace s9  }
0x27: {  	s1 =	sld [smem:$0x3F95]  }
0x28: {  	s2 =	sld [smem:$0x3F96]  }
0x29: {  	s4 =	sld [smem:$0x3F98]  }
0x2a: {  	p0 =	seq.s32 s5, $0x0;
	s5 =	sld [smem:$0x3F99]  }
0x2b: {  	s6 =	sld [smem:$0x3F9A]  }
0x2c: {  	s7 =	sld [smem:$0x3F9B]  }
0x2d: {  	s3 =	simm.s32 $0x108;
	s8 =	sld [smem:$0x3F9C]  }
0x2e: {  	s3 =	simm.s32 @!p0 $0x1082;
	s9 =	sld [smem:$0x3F9D]  }
0x2f: {  	lr =	sadd.s32 s0, s3;
	s0 =	sld [smem:$0x3F94]  }
0x30: {  	s3 =	sld [smem:$0x3F97]  }
0x31: {  	[smem:$0x3FA0] =	sst s10  }
0x32: {  	s10 =	sld [smem:$0x3F9E];
	_ =	sdelay $0x3  }
0x33: {  	p0 =	seq.s32 s10, $0x1;
	s10 =	sld [smem:$0x3FA0];
	_ =	sdelay $0x3  }
0x34: {  	[smem:$0x3FA0] =	sst s10  }
0x35: {  	s10 =	sld [smem:$0x3F9F];
	_ =	sdelay $0x3  }
0x36: {  	p1 =	seq.s32 s10, $0x1;
	s10 =	sld [smem:$0x3FA0];
	_ =	sdelay $0x3  }
0x37: {  	[smem:$0x3FA0] =	sst s10  }
0x38: {  	s10 =	sld [smem:$0x3FA1]  }
0x39: {  	_ = 	snop;
	(pc) =	sbr.ind lr, $3  }
0x3a: {  	_ = 	snop  }
0x3b: {  	_ = 	snop  }
0x3c: {  	p2 =	seq.s32 s10, $0x1;
	s10 =	sld [smem:$0x3FA0]  }
0x3d: {  	_ =	shalt  }
0x3e: {  	_ =	shalt  }
0x3f: {  	_ =	shalt  }
0x40: {  	_ =	shalt  }
0x41: {  	_ =	shalt  }
0x42: {  	_ =	shalt  }
0x43: {  	_ =	shalt  }
0x44: {  	_ =	shalt  }
0x45: {  	_ =	shalt  }
0x46: {  	_ =	shalt  }
0x47: {  	_ =	shalt  }
0x48: {  	_ =	shalt  }
0x49: {  	_ =	shalt  }
0x4a: {  	_ =	shalt  }
0x4b: {  	_ =	shalt  }
0x4c: {  	_ =	shalt  }
0x4d: {  	_ =	shalt  }
0x4e: {  	_ =	shalt  }
0x4f: {  	_ =	shalt  }
0x50: {  	_ =	shalt  }
0x51: {  	_ =	shalt  }
0x52: {  	_ =	shalt  }
0x53: {  	_ =	shalt  }
0x54: {  	_ =	shalt  }
0x55: {  	_ =	shalt  }
0x56: {  	_ =	shalt  }
0x57: {  	_ =	shalt  }
0x58: {  	_ =	shalt  }
0x59: {  	_ =	shalt  }
0x5a: {  	_ =	shalt  }
0x5b: {  	_ =	shalt  }
0x5c: {  	_ =	shalt  }
0x5d: {  	_ =	shalt  }
0x5e: {  	_ =	shalt  }
0x5f: {  	_ =	shalt  }
0x60: {  	_ =	shalt  }
0x61: {  	_ =	shalt  }
0x62: {  	_ =	shalt  }
0x63: {  	_ =	shalt  }
0x64: {  	_ =	shalt  }
0x65: {  	_ =	shalt  }
0x66: {  	_ =	shalt  }
0x67: {  	_ =	shalt  }
0x68: {  	_ =	shalt  }
0x69: {  	_ =	shalt  }
0x6a: {  	_ =	shalt  }
0x6b: {  	_ =	shalt  }
0x6c: {  	_ =	shalt  }
0x6d: {  	_ =	shalt  }
0x6e: {  	_ =	shalt  }
0x6f: {  	_ =	shalt  }
0x70: {  	_ =	shalt  }
0x71: {  	_ =	shalt  }
0x72: {  	_ =	shalt  }
0x73: {  	_ =	shalt  }
0x74: {  	_ =	shalt  }
0x75: {  	_ =	shalt  }
0x76: {  	_ =	shalt  }
0x77: {  	_ =	shalt  }
0x78: {  	_ =	shalt  }
0x79: {  	_ =	shalt  }
0x7a: {  	_ =	shalt  }
0x7b: {  	_ =	shalt  }
0x7c: {  	_ =	shalt  }
0x7d: {  	_ =	shalt  }
0x7e: {  	_ =	shalt  }
0x7f: {  	_ =	shalt  }
0x80: {  	_ =	shalt  }
0x81: {  	_ =	shalt  }
0x82: {  	_ =	shalt  }
0x83: {  	_ =	shalt  }
0x84: {  	_ =	shalt  }
0x85: {  	_ =	shalt  }
0x86: {  	_ =	shalt  }
0x87: {  	_ =	shalt  }
.Lfunc_end0:
.L_simem_size_0:
called_computation.1_lowered:
.L_overlay_start_0:
0x88: {  	s0 =	sld [smem:$0x3FD9]  }
0x89: {  	s1 =	sld [smem:$0x3FFE];
	_ =	sdelay $0x3  }
0x8a: {  	s0 =	sadd.s32 s1, s0  }
0x8b: {  	[smem:$0x3FAC] =	sst s0  }
0x8c: {  	_ = 	snop  }
0x8d: {  	(tm) =	ssettm $0x1  }
0x8e: {  	s15 =	sld [smem:$0x3FFB];
	_ =	sdelay $0x3  }
0x8f: {  	_ =	strace s15  }
0x90: {  	s0 =	sld [smem:$0x3FFC];
	_ =	sdelay $0x3  }
0x91: {  	_ =	strace s0  }
0x92: {  	s0 =	sld [smem:$0x3FFD];
	_ =	sdelay $0x3  }
0x93: {  	_ =	strace s0  }
0x94: {  	_ =	strace $0x8FFFFFFF  }
0x95: {  	s16 =	sld [smem:$0x3FDB];
	_ =	sdelay $0x1  }
0x96: {  	s17 =	simm.s32 $_scs_section_size  }
0x97: {  	s2 =	simm.s32 $_size__tile_overlayer_lowered;
	s3 =	simm.s32 $_tile_overlayer_lowered  }
0x98: {  	s20 =	simm.s32 $0x1BFF;
	s19 =	sshll.u32 s3, $0x1;
	s0 =	sadd.s32 s17, s16  }
0x99: {  	s4 =	simm.s32 $0x0;
	s18 =	sshll.u32 s2, $0x1;
	s2 =	sadd.s32 s19, s0  }
0x9a: {  	[timem:s4], [sflag:s20] =	dma.local [hbm:s2], s18  }
0x9b: {  	_ =	swait.ge [sflag:s20], s18  }
0x9c: {  	s1 =	ssub.s32 $0x0, s18;
	[sflag:s20] =	ssyncset.done $0x0  }
0x9d: {  	[sflag:s20] =	ssyncadd.s32 s1;
	_ =	sdelay $0x1  }
0x9e: {  	s21 =	simm.s32 $0x1B8B  }
0x9f: {  	_ =	swait.ge [sflag:s21], $0x1  }
0xa0: {  	[sflag:s21] =	ssyncset.done $0x0  }
0xa1: {  	s23 =	simm.s32 $0x1B8E;
	s22 =	sld [smem:$0x3FFE];
	[sflag:s21] =	ssyncadd.s32 $0xFFFFFFFF  }
0xa2: {  	s24 =	simm.s32 $execute0_lowered;
	[smem:$0x3FD2] =	sst s23  }
0xa3: {  	s2 =	sshll.u32 s24, $0x1;
	_ =	strace $0x80000049;
	[dreg:$0x1] =	wrdreg $0xFFFFFFFF  }
0xa4: {  	s25 =	simm.s32 $_size_execute0_lowered;
	s0 =	sadd.s32 s0, s2;
	[dreg:$0x0] =	wrdreg $0x0  }
0xa5: {  	s2 =	sshll.u32 s25, $0x1;
	[dreg:$0x2] =	wrdreg s0  }
0xa6: {  	[dreg:$0x3] =	wrdreg s2  }
0xa7: {  	[dreg:$0x4] =	wrdreg $0xC0  }
0xa8: {  	_ =	task [dreg:s4], $0x5FFFF  }
0xa9: {  	[dreg:$0x1] =	wrdreg $0xFFFFFFFF  }
0xaa: {  	[dreg:$0x0] =	wrdreg $0x60  }
0xab: {  	[dreg:$0x2] =	wrdreg s22  }
0xac: {  	[dreg:$0x3] =	wrdreg $0x9  }
0xad: {  	_ =	task.clear_ibuf [dreg:s4], $0x4FFFF;
	_ =	strace $0x90000049  }
0xae: {  	s26 =	simm.s32 $0x9;
	_ =	strace $0x8000004B  }
0xaf: {  	_ =	swait.ge [sflag:s26], $0x1  }
0xb0: {  	[sflag:s26] =	ssyncadd.s32 $0xFFFFFFFF  }
0xb1: {  	_ =	strace $0x9000004B  }
0xb2: {  	_ =	sfence  }
0xb3: {  	s28 =	sld [smem:$0x0];
	_ =	sdelay $0x1  }
0xb4: {  	s29 =	srdreg.scid  }
0xb5: {  	s30 =	sshll.u32 s29, $0xD;
	s31 =	sshrl.u32 s29, $0x2  }
0xb6: {  	s1 =	sand.u32 $0x1, s29;
	s2 =	sand.u32 $0x4000, s30;
	s0 =	sadd.s32 s31, s28  }
0xb7: {  	s1 =	sor.u32 s2, s1;
	s0 =	sshll.u32 s0, $0x11  }
0xb8: {  	s0 =	sor.u32 s0, s1  }
0xb9: {  	s0 =	sadd.s32 $0x8F2B, s0  }
0xba: {  	[sflag:s0] =	ssyncadd.remote.s32 $0x1  }
0xbb: {  	_ =	sfence.sel $0xFFFF  }
0xbc: {  	[dreg:$0x0] =	wrdreg $0xFFFFFFFF;
	(pc) =	sbr.abs _section_cstart, $3  }
0xbd: {  	[dreg:$0x1] =	wrdreg $0xFFFFFFFF  }
0xbe: {  	_ =	task.clear_ibuf [dreg:s4], $0x2FFFF;
	_ =	strace $0x9FFFFFFF  }
0xbf: {  	(tm) =	ssettm $0x7FFFFFFF  }
tec
execute0_lowered:
.L_overlay_start_1:
0x0: {  	(tag) =	ssettag $0x1  }
0x1: {  	s0 =	rddreg [dreg:$0x0];
	_ =	strace $0x8000004A;
	s3 =	simm.s32 $0x1  }
0x2: {  	v1 =	vimm.s32 $0xFFFFFFFF;
	[sflag:s3] =	ssyncpa.u1 $0x0  }
0x3: {  	[tilespmem:$0x10] =	vst v1  }
0x4: {  	v0 =	vimm.f32 $0.0e+00;
	[tilespmem:$0x20] =	vst v1  }
0x5: {  	[tilespmem:$0x30] =	vst v0  }
0x6: {  	s2 =	simm.s32 $0x2;
	s6 =	simm.s32 $0x7;
	s26 =	stileid.u32;
	[tilespmem:$0x40] =	vst v0  }
0x7: {  	s7 =	simm.s32 $0x8;
	s31 =	simm.s32 $0x9;
	s14 =	simm.s32 $0x0;
	[tilespmem:$0x50] =	vst v0  }
0x8: {  	s15 =	simm.s32 $0x100;
	s18 =	simm.s32 $0x10;
	s19 =	simm.s32 $0xA00;
	[tilespmem:$0x60] =	vst v1  }
0x9: {  	s20 =	simm.s32 $0xF;
	s21 =	simm.s32 $0x50;
	s22 =	simm.s32 $0x4FF;
	[tilespmem:$0x70] =	vst v1  }
0xa: {  	s23 =	simm.s32 $0x20;
	s24 =	simm.s32 $0x30;
	s25 =	simm.s32 $0x8FF;
	[tilespmem:$0x80] =	vst v1  }
0xb: {  	s30 =	simm.s32 $0x0;
	s29 =	simm.s32 $0x0;
	s1 =	sadd.s32 $0x7600, s0;
	v1 =	vimm.s32 $0x0;
	[tilespmem:$0xB0] =	vst v0  }
.Ltmp0:
0xc: {  	s4 =	sadd.s32 $0x7200, s0;
	s5 =	sadd.s32 $0x7400, s0;
	[tilespmem:$0x90] =	vst v1;
	(pc) =	sbr.rel .LBB2_1-.Ltmp0, $4  }
0xd: {  	s8 =	sshll.u32 s26, $0x8;
	s10 =	sshll.u32 s26, $0x1;
	[tilespmem:$0xA0] =	vst v1;
	[sflag:s2] =	ssyncpa.u1 $0x0  }
0xe: {  	s12 =	sshllo.u32 s26, $0x1;
	s26 =	simm.s32 $0x80;
	[sflag:s6] =	ssyncpa.u1 $0x0  }
0xf: {  	vm0 =	vmmov $0xffff;
	v2 =	vlaneseq.u32;
	s9 =	sadd.s32 $0x100, s8;
	s11 =	sor.u32 $0x81, s10;
	[sflag:s7] =	ssyncpa.u1 $0x0  }
0x10: {  	vm1 =	vmxor vm1, vm1;
	vm2 =	vmmov $0x1;
	vm3 =	vcmask $0x3F3C;
	s13 =	sor.u32 $0x80, s10;
	s28 =	smov.u32 s8;
	[sflag:s31] =	ssyncpa.u1 $0x0  }
.LBB2_3:
0x11: {  	s0 =	sshrl.u32 s28, $0x3  }
0x12: {  	s2 =	sand.u32 $0x7, s28;
	s0 =	sadd.s32 s4, s0  }
0x13: {  	[tilespmem:s15], [sflag:$0x7] =	stream.linear.gather [hbm4b:s0+s2], $0x100, $0x38;
	[tilespmem:$0xA20] =	vst v63  }
.LBB2_4:
0x14: {  	s0 =	sadd.s32 $0x100, s28  }
0x15: {  	s2 =	smov.u32 s8;
	s29 =	sadd.s32 $0x1, s29;
	p0 =	slt.s32 s0, s9  }
0x16: {  	s2 =	smov.u32 @p0 s0;
	p0 =	sne.s32 s29, $0x4  }
.Ltmp1:
0x17: {  	_ = 	snop;
	(pc) =	sbr.rel @!p0 .LBB2_13-.Ltmp1, $2  }
0x18: {  	_ =	sdelay $0x2  }
0x19: {  	s30 =	smov.u32 s28;
	s28 =	smov.u32 s2  }
.LBB2_1:
0x1a: {  	p0 =	sgt.s32 s29, $0x1  }
.Ltmp2:
0x1b: {  	_ = 	snop;
	(pc) =	sbr.rel @p0 .LBB2_11-.Ltmp2, $1  }
0x1c: {  	_ =	sdelay $0x3  }
0x1d: {  	p0 =	seq.s32 s29, $0x0  }
.Ltmp3:
0x1e: {  	_ = 	snop;
	(pc) =	sbr.rel @p0 .LBB2_3-.Ltmp3, $1  }
0x1f: {  	_ =	sdelay $0x3  }
0x20: {  	_ =	swait.ge [sflag:s6], $0x100  }
0x21: {  	[sflag:s6] =	ssyncset.done $0x0  }
0x22: {  	[sflag:s6] =	ssyncadd.s32 $0xFFFFFF00;
	(ifvalue) =	ssetifvalue $0xFFFFFFFF;
	v3 =	vld.msk [tilespmem:s15+$0x0 ss:$0x1], $0xffff;
	_ =	sdelay $0x4  }
0x23: {  	v4 =	vperm.xlane v3, v1  }
0x24: {  	vm4 =	vlt.u32 v3, $0x1000000  }
0x25: {  	v3 =	vnsel vm4, $0xFFFFFFFE, v3;
	vm4 =	vlt.u32 v4, $0x1000000  }
0x26: {  	[tilespmem:$0x70] =	vst v3;
	v3 =	vnsel vm4, $0xFFFFFFFE, v4  }
0x27: {  	s17 =	simm.s32 $0x1F0;
	[tilespmem:$0x80] =	vst v3  }
0x28: {  	v3 =	vld.msk [tilespmem:s17+$0x0 ss:$0x1], $0xffff;
	_ =	sdelay $0x4  }
0x29: {  	(xrf1) =	vunique.msk.u32 $0xffff, v3;
	_ =	sdelay $0xd  }
0x2a: {  	v4 =	vimm.s32 $0xFFFFFFFF;
	v5, _, _ =	vpop (xrf1)  }
0x2b: {  	vm5 =	vne.s32 v3, v4;
	vm4 =	veq.s32 v5, v2  }
0x2c: {  	vm6 =	vlt.u32 v3, $0x1000000;
	vm4 =	vmand vm5, vm4  }
0x2d: {  	vm4 =	vmand vm6, vm4  }
0x2e: {  	v4 =	vnsel vm4, $0xFFFFFFFF, v3;
	_ =	sdelay $0x3  }
0x2f: {  	s0 =	simm.s32 $0x4F0;
	(ifvalue) =	ssetifvalue $0xFFFFFFFF  }
0x30: {  	v3 =	vperm.xlane v3, v1;
	[tilespmem:s0], [sflag:$0x8] =	stream.indirect_vreg.gather [hbm4b:s1+s14], $0x1, v4, vm0, $0x4038;
	v4 =	vnsel vm6, $0xFFFFFFFE, v4;
	[tilespmem:$0xA20] =	vst v63  }
0x31: {  	s2 =	simm.s32 $0x0;
	s16 =	simm.s32 $0x1E0;
	[tilespmem:s17+$0x0] =	vst v4  }
.LBB2_6:
0x32: {  	v4 =	vld.msk [tilespmem:s16+$0x0 ss:$0x1], $0xffff;
	s2 =	sadd.s32 $0x10, s2;
	v5 =	vmov v3;
	s17 =	smov.u32 s16  }
0x33: {  	p0 =	slt.u32 s2, $0xF0;
	_ =	sdelay $0x4  }
0x34: {  	v3 =	vperm.xlane v4, v1;
	(xrf1) =	vunique.msk.u32 $0xffff, v4;
	_ =	sdelay $0xd  }
0x35: {  	v6, _, _ =	vpop (xrf1)  }
0x36: {  	vm5 =	vne.s32 v4, v5;
	vm4 =	veq.s32 v6, v2  }
0x37: {  	vm6 =	vlt.u32 v4, $0x1000000;
	vm4 =	vmand vm5, vm4  }
0x38: {  	vm4 =	vmand vm6, vm4  }
0x39: {  	v4 =	vnsel vm4, $0xFFFFFFFF, v4  }
.Ltmp4:
0x3a: {  	v5 =	vnsel vm6, $0xFFFFFFFE, v4;
	(pc) =	sbr.rel @p0 .LBB2_6-.Ltmp4, $3  }
0x3b: {  	_ =	sdelay $0x1  }
0x3c: {  	s16 =	sadd.s32 $0xFFFFFFF0, s16;
	s0 =	sadd.s32 $0xFFFFFFF0, s0;
	(ifvalue) =	ssetifvalue $0xFFFFFFFF  }
0x3d: {  	[tilespmem:s0], [sflag:$0x8] =	stream.indirect_vreg.gather [hbm4b:s1+s14], $0x1, v4, vm0, $0x4038;
	[tilespmem:s17+$0x0] =	vst v5  }
.Ltmp5:
0x3e: {  	(pc) =	sbr.rel .LBB2_4-.Ltmp5, $4  }
0x3f: {  	_ = 	snop  }
0x40: {  	s0 =	sshrl.u32 s30, $0x3  }
0x41: {  	s2 =	simm.s32 $0x600;
	s0 =	sadd.s32 s5, s0  }
0x42: {  	[tilespmem:s2], [sflag:$0x8] =	stream.linear.gather [hbm:s0], $0x100, $0x38;
	[tilespmem:$0xA20] =	vst v63  }
.LBB2_11:
0x43: {  	p0 =	seq.s32 s29, $0x2  }
.Ltmp6:
0x44: {  	_ = 	snop;
	(pc) =	sbr.rel @!p0 .LBB2_12-.Ltmp6, $1  }
0x45: {  	_ =	sdelay $0x3  }
0x46: {  	_ =	swait.ge [sflag:s7], $0x200  }
0x47: {  	[sflag:s7] =	ssyncset.done $0x0  }
0x48: {  	s0 =	simm.s32 $0x1FF;
	[sflag:s7] =	ssyncadd.s32 $0xFFFFFE00  }
0x49: {  	[spmem:s11] =	stream.linear.scatter [tilespmem:s0], [sflag:$0x1], $0x1, $0x38;
	[tilespmem:$0xA20] =	vst v63  }
0x4a: {  	_ =	swait.ge [sflag:s3], $0x1  }
0x4b: {  	[sflag:s3] =	ssyncset.done $0x0  }
0x4c: {  	[sflag:s3] =	ssyncadd.s32 $0xFFFFFFFF  }
0x4d: {  	v4 =	vld [tilespmem:$0x10]  }
0x4e: {  	v5 =	vld [tilespmem:$0x70]  }
0x4f: {  	v3 =	vld [tilespmem:$0x80];
	_ =	sdelay $0x2  }
0x50: {  	(v2sf) =	vpush v4, $0x0  }
0x51: {  	(v2sf) =	vpush v5, $0x0  }
0x52: {  	(v2sf) =	vpush v3, $0x0;
	_ =	sdelay $0xc  }
0x53: {  	s16 =	spop (v2sf)  }
0x54: {  	s2 =	spop (v2sf)  }
0x55: {  	s30 =	spop (v2sf)  }
0x56: {  	p0 =	seq.s32 s16, s2;
	p1 =	seq.s32 s30, s16  }
0x57: {  	p1 =	por p0, p1  }
0x58: {  	v4 =	vpsel p1, $0xFFFFFFFF, v4  }
0x59: {  	[tilespmem:s18+$0x0] =	vst.msk $0x1, v4  }
0x5a: {  	v4 =	vld [tilespmem:$0x30]  }
0x5b: {  	v5 =	vld [tilespmem:$0x600]  }
0x5c: {  	v6 =	vld [tilespmem:$0x40];
	_ =	sdelay $0x3  }
0x5d: {  	vm4 =	vmmov vm1;
	v5 =	vadd.f32 v5, v4  }
0x5e: {  	vm5 =	vmmov vm2;
	s31 =	simm.s32 $0x600;
	vm4 =	vmmov @p0 vm2;
	v4 =	vadd.f32 v6, v4  }
0x5f: {  	vm5 =	vmmov @p1 vm1;
	[tilespmem:s31+$0x0] =	vst.msk vm4, v5  }
0x60: {  	[tilespmem:s19+$0x0] =	vst.msk vm5, v4  }
0x61: {  	v4 =	vld [tilespmem:$0x4F0];
	_ =	sdelay $0x3  }
0x62: {  	v5 =	vimm.f32 $0.0e+00  }
0x63: {  	v4 =	vshift.insert v4, v5, s20;
	_ =	sdelay $0x1  }
0x64: {  	[tilespmem:s21+$0x0] =	vst.msk $0x1, v4  }
0x65: {  	[tilespmem:s22+$0x0] =	vst.msk $0x1, v5  }
0x66: {  	v4 =	vld [tilespmem:$0x1F0];
	_ =	sdelay $0x4  }
0x67: {  	v4 =	vshift.insert v4, v1, s20;
	_ =	sdelay $0x1  }
0x68: {  	[tilespmem:s23+$0x0] =	vst.msk $0x1, v4  }
0x69: {  	s17 =	simm.s32 $0x100;
	v6 =	vld [tilespmem:s31+$0x0]  }
0x6a: {  	v7 =	vld [tilespmem:s17+$0x0];
	_ =	sdelay $0x3  }
0x6b: {  	v5 =	vadd.f32 v6, v5  }
0x6c: {  	vm4 =	vne.s32 v7, $0xFFFFFFFF  }
0x6d: {  	(xrf2) =	vadd.seg.scan.f32 vm4, v5;
	_ =	sdelay $0x3  }
0x6e: {  	s0 =	simm.s32 $0x400;
	v5 =	vperm.xlane v4, v1  }
0x6f: {  	v6 =	vld [tilespmem:s0+$0x0]  }
0x70: {  	vm5 =	veq.s32 v7, v3;
	vm6 =	veq.s32 v7, v5  }
0x71: {  	vm7 =	vgt.u32 v7, $0xFFFFFFFD;
	vm6 =	vmor vm6, vm5  }
0x72: {  	vm6 =	vmor vm6, vm7  }
0x73: {  	v9 =	vld [tilespmem:$0xA0];
	v7 =	vsel vm6, $0xFFFFFFFF, v7  }
0x74: {  	v10 =	vld [tilespmem:$0x90];
	v6 =	vsel vm5, $0x0, v6;
	v8, _, _ =	vpop (xrf2)  }
0x75: {  	v6 =	vadd.f32 v8, v6  }
0x76: {  	s2 =	simm.s32 $0x800  }
0x77: {  	vm4 =	vmand vm4, vm3;
	[tilespmem:s2+$0x0] =	vst v6;
	(ifvalue) =	ssetifvalue $0xFFFFFFFF  }
0x78: {  	vm6 =	veq.s32 v9, $0x1;
	[hbm4b:s1+s14] =	stream.indirect_vreg.scatter [tilespmem:s2], [sflag:$0x2], $0x1, v7, vm0, $0x4038;
	v7 =	vsel vm4, $0x0, v8;
	[tilespmem:$0xA20] =	vst v63  }
0x79: {  	s16 =	simm.s32 $0x0;
	s17 =	simm.s32 $0x110;
	vm4 =	vmor vm6, vm5;
	v6 =	vsel vm5, v8, v10;
	v7 =	vshift.insert v7, v0, s20  }
.LBB2_9:
0x7a: {  	v8 =	vld [tilespmem:s17+$0x0];
	s31 =	sadd.s32 $0x10, s31  }
0x7b: {  	s0 =	sadd.s32 $0x10, s0;
	v9 =	vld [tilespmem:s31+$0x0]  }
0x7c: {  	s16 =	sadd.s32 $0x10, s16;
	v10 =	vld [tilespmem:s0+$0x0]  }
0x7d: {  	p0 =	slt.u32 s16, $0xF0;
	_ =	sdelay $0x2  }
0x7e: {  	v7 =	vadd.f32 v9, v7  }
0x7f: {  	vm5 =	vne.s32 v8, $0xFFFFFFFF  }
0x80: {  	vm6 =	vmand vm5, vm3;
	(xrf2) =	vadd.seg.scan.f32 vm5, v7;
	_ =	sdelay $0x5  }
0x81: {  	vm7 =	veq.s32 v8, v5;
	vm5 =	veq.s32 v8, v3  }
0x82: {  	vm8 =	vgt.u32 v8, $0xFFFFFFFD;
	vm4 =	vmor vm4, vm5;
	vm7 =	vmor vm7, vm5  }
0x83: {  	vm7 =	vmor vm7, vm8  }
0x84: {  	v8 =	vsel vm7, $0xFFFFFFFF, v8  }
.Ltmp7:
0x85: {  	v7 =	vsel vm5, $0x0, v10;
	v9, _, _ =	vpop (xrf2);
	(pc) =	sbr.rel @p0 .LBB2_9-.Ltmp7, $4  }
0x86: {  	v6 =	vsel vm5, v9, v6;
	v10 =	vadd.f32 v9, v7;
	v7 =	vsel vm6, $0x0, v9  }
0x87: {  	s2 =	sadd.s32 $0x10, s2;
	v7 =	vshift.insert v7, v0, s20  }
0x88: {  	s17 =	sadd.s32 $0x10, s17;
	[tilespmem:s2+$0x0] =	vst v10;
	(ifvalue) =	ssetifvalue $0xFFFFFFFF  }
0x89: {  	[hbm4b:s1+s14] =	stream.indirect_vreg.scatter [tilespmem:s2], [sflag:$0x2], $0x1, v8, vm0, $0x4038;
	[tilespmem:$0xA20] =	vst v63  }
0x8a: {  	v3 =	vld [tilespmem:$0x8F0];
	_ =	sdelay $0x4  }
0x8b: {  	v3 =	vshift.insert v3, v0, s20;
	_ =	sdelay $0x1  }
0x8c: {  	[tilespmem:s24+$0x0] =	vst.msk $0x1, v3  }
0x8d: {  	v3 =	vsel vm4, $0x1, v1;
	[tilespmem:$0x90] =	vst v6  }
0x8e: {  	[tilespmem:$0xA0] =	vst v3  }
0x8f: {  	[spmem:s12] =	stream.linear.scatter [tilespmem:s25], [sflag:$0x1], $0x1, $0x38;
	[tilespmem:$0xA20] =	vst v63  }
0x90: {  	v3 =	vmctz.xlane vm4;
	_ =	swait.ge [sflag:s3], $0x1  }
0x91: {  	(v2sf) =	vpush v4, $0x0  }
0x92: {  	(v2sf) =	vpush v3, $0x0;
	_ =	sdelay $0xd  }
0x93: {  	s0 =	spop (v2sf)  }
0x94: {  	s2 =	spop (v2sf)  }
0x95: {  	[sflag:s3] =	ssyncset.done $0x0;
	p0 =	sne.s32 s30, s0;
	p1 =	slt.s32 s2, $0xF  }
0x96: {  	[sflag:s3] =	ssyncadd.s32 $0xFFFFFFFF;
	v3 =	vimm.s32 @!p0 $0xFFFFFFFF;
	s2 =	simm.s32 @!p1 $0xF  }
0x97: {  	[tilespmem:$0x80] =	vst @!p0 v3;
	s31 =	sadd.s32 $0x90, s2  }
0x98: {  	[spmem:s10] =	stream.linear.scatter [tilespmem:s31], [sflag:$0x1], $0x1, $0x38;
	[tilespmem:$0xA20] =	vst v63  }
0x99: {  	_ =	swait.ge [sflag:s3], $0x1  }
0x9a: {  	[sflag:s3] =	ssyncset.done $0x0  }
0x9b: {  	[sflag:s3] =	ssyncadd.s32 $0xFFFFFFFF  }
0x9c: {  	[spmem:s13] =	stream.linear.scatter [tilespmem:s26], [sflag:$0x1], $0x1, $0x38;
	[tilespmem:$0xA20] =	vst v63  }
0x9d: {  	_ =	swait.ge [sflag:s3], $0x1  }
0x9e: {  	[sflag:s3] =	ssyncset.done $0x0  }
0x9f: {  	[sflag:s3] =	ssyncadd.s32 $0xFFFFFFFF;
	(ifvalue) =	ssetifvalue $0xFFFFFFFF;
	v3 =	vld [tilespmem:$0x10];
	_ =	sdelay $0x3  }
.Ltmp8:
0xa0: {  	_ = 	snop;
	(pc) =	sbr.rel .LBB2_4-.Ltmp8, $3  }
0xa1: {  	_ =	sdelay $0x1  }
0xa2: {  	(ifvalue) =	ssetifvalue $0xFFFFFFFF  }
0xa3: {  	[hbm4b:s1+s14] =	stream.indirect_vreg.scatter [tilespmem:s19], [sflag:$0x9], $0x1, v3, vm0, $0x4038;
	[tilespmem:$0xA20] =	vst v63  }
.LBB2_12:
0xa4: {  	s0 =	simm.s32 $0x2  }
0xa5: {  	_ =	swait.ge [sflag:s0], $0x100  }
0xa6: {  	[sflag:s0] =	ssyncset.done $0x0  }
0xa7: {  	s31 =	simm.s32 $0x9;
	[sflag:s0] =	ssyncadd.s32 $0xFFFFFF00  }
0xa8: {  	_ =	swait.ge [sflag:s31], $0x10  }
0xa9: {  	[sflag:s31] =	ssyncset.done $0x0  }
0xaa: {  	[sflag:s31] =	ssyncadd.s32 $0xFFFFFFF0  }
.LBB2_13:
0xab: {  	_ =	sfence.sel $0x180000  }
0xac: {  	s0 =	simm.s32 $0x7;
	[bflag:$0x0] =	sbarrier.arrive $0xFFFF  }
0xad: {  	s26 =	simm.s32 $0x8;
	[sflag:s0] =	ssyncpa.u1 $0x1  }
0xae: {  	s28 =	simm.s32 $0x9;
	[sflag:s26] =	ssyncpa.u1 $0x1  }
0xaf: {  	[sflag:s28] =	ssyncpa.u1 $0x1  }
0xb0: {  	_ =	sfence.stream.spmem  }
0xb1: {  	s29 =	simm.s32 $0x3;
	[bflag:$0x0] =	sbarrier.arrive $0xFFFF  }
0xb2: {  	s30 =	simm.s32 $0x4;
	[sflag:s29] =	ssyncpa.u1 $0x1  }
0xb3: {  	s31 =	simm.s32 $0x3C;
	s2 =	stileid.u32;
	[sflag:s30] =	ssyncpa.u1 $0x1  }
0xb4: {  	p0 =	sne.s32 s2, $0x0;
	[sflag:s31] =	ssyncpa.u1 $0x1  }
0xb5: {  	s0 =	simm.s32 @p0 $0x1;
	_ =	sfence @p0  }
0xb6: {  	[sflag:s0] =	ssyncpa.u1 @p0 $0x1;
	s0 =	simm.s32 @p0 $0x2  }
0xb7: {  	[sflag:s0] =	ssyncpa.u1 @p0 $0x1  }
0xb8: {  	_ =	strace @p0 $0x9000004A  }
0xb9: {  	[bflag:$0x2] =	sbarrier.arrive @p0 $0xFFFF  }
0xba: {  	_ =	shalt @p0  }
.LBB2_14:
0xbb: {  	_ =	sfence.stream.spmem;
	s0 =	simm.s32 $0x5  }
0xbc: {  	s2 =	simm.s32 $0x80;
	s3 =	simm.s32 $0xC0;
	[sflag:s0] =	ssyncpa.u1 $0x0  }
0xbd: {  	[tilespmem:s3], [sflag:$0x5] =	stream.linear.gather [spmem:s2], $0x20, $0x38;
	[tilespmem:$0xA20] =	vst v63  }
0xbe: {  	s2 =	simm.s32 $0x0;
	s3 =	simm.s32 $0xE0  }
0xbf: {  	[tilespmem:s3], [sflag:$0x5] =	stream.linear.gather [spmem:s2], $0x20, $0x38;
	[tilespmem:$0xA20] =	vst v63  }
.Ltmp9:
0xc0: {  	_ = 	snop;
	(pc) =	sbr.rel .LBB2_15-.Ltmp9, $4  }
0xc1: {  	_ =	swait.ge [sflag:s0], $0x40  }
0xc2: {  	[sflag:s0] =	ssyncset.done $0x0  }
0xc3: {  	s31 =	simm.s32 $0x6;
	[sflag:s0] =	ssyncadd.s32 $0xFFFFFFC0  }
0xc4: {  	s4 =	simm.s32 $0x0;
	[sflag:s31] =	ssyncpa.u1 $0x0  }
.LBB2_20:
0xc5: {  	p0 =	sgt.u32 s0, $0xFFFFFF  }
0xc6: {  	s5 =	sshrl.u32 @!p0 s0, $0x3  }
0xc7: {  	s0 =	sand.u32 @!p0 $0x7, s0;
	s6 =	simm.s32 @!p0 $0xB0;
	s5 =	sadd.s32 @!p0 s1, s5  }
0xc8: {  	[tilespmem:s6], [sflag:$0x6] =	stream.linear.gather @!p0 [hbm4b:s5+s0], $0x1, $0x38;
	[tilespmem:$0xA20] =	vst v63  }
0xc9: {  	s0 =	simm.s32 @!p0 $0x6  }
0xca: {  	_ =	swait.ge @!p0 [sflag:s0], $0x1  }
0xcb: {  	[sflag:s0] =	ssyncset.done @!p0 $0x0  }
0xcc: {  	[sflag:s0] =	ssyncadd.s32 @!p0 $0xFFFFFFFF  }
0xcd: {  	v2 =	vmov @!p0 s4;
	v1 =	vld.msk @!p0 [tilespmem:$0xB0], $0x1;
	_ =	sdelay $0x3  }
0xce: {  	s0 =	simm.s32 @!p0 $0xE0  }
0xcf: {  	[tilespmem:v2+s0+$0x0], v1 =	vst.idx.ret.add.f32.msk @!p0 $0x1, v1  }
0xd0: {  	[tilespmem:s2+$0xC0] =	vst.msk $0x1, v0  }
0xd1: {  	v0 =	vld.msk [tilespmem:s4+$0xE0], $0x1;
	_ =	sdelay $0x4  }
0xd2: {  	[tilespmem:s2+$0xE0] =	vst.msk $0x1, v0;
	s2 =	sadd.s32 $0x1, s2  }
.LBB2_22:
0xd3: {  	s4 =	sadd.s32 $0x1, s4  }
0xd4: {  	p0 =	sne.s32 s4, $0x20  }
.Ltmp10:
0xd5: {  	_ = 	snop;
	(pc) =	sbr.rel @!p0 .LBB2_23-.Ltmp10, $1  }
0xd6: {  	_ =	sdelay $0x3  }
.LBB2_15:
0xd7: {  	v0 =	vld.msk [tilespmem:s4+$0xC0], $0x1;
	_ =	sdelay $0x4  }
0xd8: {  	(v2sf) =	vpush v0, $0x0;
	_ =	sdelay $0xe  }
0xd9: {  	s0 =	spop (v2sf)  }
0xda: {  	p0 =	seq.s32 s0, $0xFFFFFFFF  }
.Ltmp11:
0xdb: {  	_ = 	snop;
	(pc) =	sbr.rel @p0 .LBB2_22-.Ltmp11, $1  }
0xdc: {  	_ =	sdelay $0x3  }
0xdd: {  	p0 =	slt.s32 s2, $0x1  }
.Ltmp12:
0xde: {  	_ = 	snop;
	(pc) =	sbr.rel @p0 .LBB2_20-.Ltmp12, $1  }
0xdf: {  	_ =	sdelay $0x3  }
0xe0: {  	s5 =	simm.s32 $0xC0;
	p0 =	por $0x0, $0x0  }
0xe1: {  	v1 =	vld.msk @!p0 [tilespmem:s5+$0x0], $0x1;
	_ =	sdelay $0x4  }
0xe2: {  	(v2sf) =	vpush @!p0 v1, $0x0;
	_ =	sdelay $0xd  }
0xe3: {  	p2 =	sne.s32 s2, $0x1  }
.Ltmp13:
0xe4: {  	s6 =	spop @!p0 (v2sf);
	(pc) =	sbr.rel @!p2 .LBB2_19-.Ltmp13, $4  }
0xe5: {  	p1 =	seq.s32 @!p0 s0, s6  }
0xe6: {  	s6 =	simm.s32 $0x0;
	p1 =	por !p1, p0  }
0xe7: {  	s8 =	simm.s32 $0xFFFFFFFF;
	s6 =	simm.s32 @p1 $0xFFFFFFFF  }
0xe8: {  	s7 =	simm.s32 $0x1;
	s6 =	smov.u32 @p0 s8  }
.LBB2_18:
0xe9: {  	s8 =	smov.u32 s6;
	p0 =	sne.s32 s6, $0xFFFFFFFF  }
0xea: {  	s5 =	sadd.s32 $0x1, s5;
	s6 =	smov.u32 s7;
	s7 =	sadd.s32 $0x1, s7  }
0xeb: {  	p1 =	sne.s32 s2, s7;
	v1 =	vld.msk @!p0 [tilespmem:s5+$0x0], $0x1;
	_ =	sdelay $0x4  }
0xec: {  	(v2sf) =	vpush @!p0 v1, $0x0;
	_ =	sdelay $0xe  }
.Ltmp14:
0xed: {  	s9 =	spop @!p0 (v2sf);
	(pc) =	sbr.rel @p1 .LBB2_18-.Ltmp14, $4  }
0xee: {  	p2 =	seq.s32 @!p0 s0, s9  }
0xef: {  	p2 =	por !p2, p0  }
0xf0: {  	s6 =	simm.s32 @p2 $0xFFFFFFFF  }
0xf1: {  	s6 =	smov.u32 @p0 s8  }
.LBB2_19:
0xf2: {  	p0 =	sne.s32 s6, $0xFFFFFFFF  }
.Ltmp15:
0xf3: {  	_ = 	snop;
	(pc) =	sbr.rel @!p0 .LBB2_20-.Ltmp15, $1  }
0xf4: {  	_ =	sdelay $0x3  }
0xf5: {  	v0 =	vld.msk [tilespmem:s4+$0xE0], $0x1;
	v1 =	vmov s6  }
.Ltmp16:
0xf6: {  	_ = 	snop;
	(pc) =	sbr.rel .LBB2_22-.Ltmp16, $2  }
0xf7: {  	_ =	sdelay $0x2  }
0xf8: {  	[tilespmem:v1+s3+$0x0], v0 =	vst.idx.ret.add.f32.msk $0x1, v0  }
.LBB2_23:
0xf9: {  	p0 =	slt.s32 s2, $0x1  }
.Ltmp17:
0xfa: {  	_ = 	snop;
	(pc) =	sbr.rel @p0 .LBB2_27-.Ltmp17, $3  }
0xfb: {  	_ =	sdelay $0x1  }
0xfc: {  	s0 =	simm.s32 $0x6  }
0xfd: {  	[sflag:s0] =	ssyncpa.u1 $0x1;
	s0 =	simm.s32 $0x0  }
0xfe: {  	s3 =	simm.s32 $0xC0  }
0xff: {  	v0 =	vld.msk [tilespmem:s3+$0x0], $0x1;
	_ =	sdelay $0x4  }
0x100: {  	(v2sf) =	vpush v0, $0x0;
	_ =	sdelay $0xe  }
0x101: {  	s2 =	sadd.s32 $0xFFFFFFFF, s2;
	s4 =	spop (v2sf)  }
0x102: {  	p1 =	sne.s32 s2, $0x0;
	p0 =	sgt.u32 s4, $0xFFFFFF  }
.Ltmp18:
0x103: {  	s5 =	sshrl.u32 @!p0 s4, $0x3;
	(pc) =	sbr.rel @!p1 .LBB2_26-.Ltmp18, $4  }
0x104: {  	s3 =	simm.s32 $0xE0;
	s4 =	sand.u32 @!p0 $0x7, s4;
	s5 =	sadd.s32 @!p0 s1, s5  }
0x105: {  	[hbm4b:s5+s4] =	stream.linear.scatter @!p0 [tilespmem:s3], [sflag:$0x5], $0x1, $0x38;
	[tilespmem:$0xA20] =	vst v63  }
0x106: {  	s5 =	simm.s32 $0x0  }
0x107: {  	s4 =	simm.s32 $0xC1;
	s5 =	simm.s32 @!p0 $0x4  }
.LBB2_25:
0x108: {  	v0 =	vld.msk [tilespmem:s4+$0x0], $0x1;
	s2 =	sadd.s32 $0xFFFFFFFF, s2;
	s0 =	sadd.s32 s0, s5  }
0x109: {  	p0 =	sne.s32 s2, $0x0;
	_ =	sdelay $0x3  }
0x10a: {  	(v2sf) =	vpush v0, $0x0;
	_ =	sdelay $0xe  }
.Ltmp19:
0x10b: {  	s6 =	spop (v2sf);
	(pc) =	sbr.rel @p0 .LBB2_25-.Ltmp19, $4  }
0x10c: {  	s5 =	simm.s32 $0x0;
	p1 =	sgt.u32 s6, $0xFFFFFF  }
0x10d: {  	s3 =	sadd.s32 $0x1, s3;
	s5 =	simm.s32 @!p1 $0x4;
	s7 =	sshrl.u32 @!p1 s6, $0x3  }
0x10e: {  	s4 =	sadd.s32 $0x1, s4;
	s6 =	sand.u32 @!p1 $0x7, s6;
	s7 =	sadd.s32 @!p1 s1, s7  }
0x10f: {  	[hbm4b:s7+s6] =	stream.linear.scatter @!p1 [tilespmem:s3], [sflag:$0x5], $0x1, $0x38;
	[tilespmem:$0xA20] =	vst v63  }
.LBB2_26:
0x110: {  	s0 =	sadd.s32 s0, s5  }
0x111: {  	s0 =	sshrl.u32 s0, $0x2  }
.LBB2_27:
0x112: {  	s1 =	simm.s32 $0x5  }
0x113: {  	_ =	swait.ge [sflag:s1], s0  }
0x114: {  	s28 =	ssub.s32 $0x0, s0;
	[sflag:s1] =	ssyncset.done $0x0  }
0x115: {  	[sflag:s1] =	ssyncadd.s32 s28  }
0x116: {  	[sflag:s1] =	ssyncpa.u1 $0x1  }
0x117: {  	s29 =	simm.s32 $0x1;
	_ =	sfence  }
0x118: {  	s30 =	simm.s32 $0x2;
	[sflag:s29] =	ssyncpa.u1 $0x1  }
0x119: {  	[sflag:s30] =	ssyncpa.u1 $0x1  }
0x11a: {  	_ =	strace $0x9000004A  }
0x11b: {  	[bflag:$0x2] =	sbarrier.arrive $0xFFFF  }
0x11c: {  	s31 =	rddreg [dreg:$0x1]  }
0x11d: {  	s0 =	sadd.s32 $0x100000, s31  }
0x11e: {  	[sflag:s0] =	ssyncadd.tile.s32 $0x1;
	_ =	shalt  }
.Lfunc_end2:
_tile_overlayer_lowered:
.L_overlay_start_2:
0x11f: {  	(tag) =	ssettag $0x2  }
0x120: {  	s0 =	rddreg [dreg:$0x0];
	s2 =	stileid.u32  }
0x121: {  	s1 =	rddreg [dreg:$0x1];
	p0 =	sne.s32 s2, $0x0  }
0x122: {  	s3 =	rddreg [dreg:$0x2];
	[bflag:$0x3] =	sbarrier.arrive $0xFFFF;
	s2 =	simm.s32 @!p0 $0x1C01  }
0x123: {  	[timem:s3], [sflag:s2] =	dma.local @!p0 [hbm:s0], s1  }
0x124: {  	s0 =	simm.s32 @!p0 $0x1  }
0x125: {  	_ =	swait.ge @!p0 [sflag:s0], s1  }
0x126: {  	s1 =	ssub.s32 @!p0 $0x0, s1;
	[sflag:s0] =	ssyncset.done @!p0 $0x0  }
0x127: {  	[sflag:s0] =	ssyncadd.s32 @!p0 s1  }
0x128: {  	[bflag:$0x3] =	sbarrier.arrive $0xFFFF  }
0x129: {  	_ =	shalt  }

// kernel: scatter_offload_async_start
scs
__scs_entry_jumppad:
0x0: {  	(pc) =	sbr.rel $0x88, $3  }
0x1: {  	(tag) =	ssettag $0x0;
	lr =	simm.s32 $0x1  }
0x2: {  	[smem:$0x3F85] =	sst lr;
	_ =	strace $0xD0000000  }
0x3: {  	_ = 	snop  }
0x4: {  	_ = 	snop  }
0x5: {  	_ = 	snop  }
0x6: {  	_ = 	snop  }
0x7: {  	_ = 	snop  }
__scs_overlays_trampoline_lowered:
0x8: {  	[smem:$0x3F94] =	sst s0  }
0x9: {  	[smem:$0x3F95] =	sst s1  }
0xa: {  	[smem:$0x3F96] =	sst s2  }
0xb: {  	[smem:$0x3F97] =	sst s3  }
0xc: {  	[smem:$0x3F98] =	sst s4  }
0xd: {  	[smem:$0x3F99] =	sst s5  }
0xe: {  	[smem:$0x3F9A] =	sst s6  }
0xf: {  	[smem:$0x3F9B] =	sst s7  }
0x10: {  	[smem:$0x3F9C] =	sst s8  }
0x11: {  	[smem:$0x3F9D] =	sst s9;
	s0 =	simm.s32 @!p0 $0x0  }
0x12: {  	s1 =	sld [smem:$0x3F83];
	s0 =	simm.s32 @p0 $0x1  }
0x13: {  	[smem:$0x3F9E] =	sst s0;
	s0 =	simm.s32 @!p1 $0x0  }
0x14: {  	s2 =	sld [smem:$0x3F82];
	s0 =	simm.s32 @p1 $0x1  }
0x15: {  	[smem:$0x3F9F] =	sst s0;
	s0 =	simm.s32 @!p2 $0x0  }
0x16: {  	s3 =	sld [smem:$0x3FDB];
	s0 =	simm.s32 @p2 $0x1  }
0x17: {  	s4 =	simm.s32 $0x1BF5;
	[smem:$0x3FA1] =	sst s0  }
0x18: {  	s0 =	sld [smem:$0x3F84];
	_ =	swait.ge [sflag:s4], $0x0  }
0x19: {  	s7 =	sld [smem:$0x3F85]  }
0x1a: {  	s8 =	sadd.s32 $0xFFFFE003, lr  }
0x1b: {  	s9 =	sadd.s32 $0xFFFFFEF7, lr;
	s5 =	simm.s32 $0xFFFFFFFF;
	p2 =	slt.u32 s8, $0xFFFFF086  }
0x1c: {  	p1 =	slt.u32 s9, $0xF7A;
	s5 =	simm.s32 @!p2 $0x0  }
0x1d: {  	s5 =	simm.s32 @p1 $0x1;
	p0 =	seq.s32 s7, s2  }
0x1e: {  	s7 =	smul.u32 @!p0 $0xF7A, s2;
	p2 =	seq.s32 @!p0 s5, $0x0  }
0x1f: {  	s9 =	smul.u32 $0xF7A, s1;
	s8 =	simm.s32 @!p0 $0x1BF5;
	p2 =	por !p2, p0  }
0x20: {  	[sflag:s8] =	ssyncset.s32 @!p0 $0xFFFFF086;
	s6 =	sadd.s32 @!p0 s3, s7;
	s7 =	simm.s32 @!p0 $0x108  }
0x21: {  	s3 =	sadd.s32 s3, s9;
	s6 =	sadd.s32 @!p0 $0x88, s6;
	s7 =	simm.s32 @p2 $0x1082  }
0x22: {  	[simem:s7], [sflag:s8] =	dma.local @!p0 [hbm:s6], $0xF7A  }
0x23: {  	s9 =	sor.u32 $0xD0000000, s2;
	s6 =	simm.s32 $0x108;
	_ =	swait.ge @!p0 [sflag:s8], $0x0  }
0x24: {  	s3 =	sadd.s32 $0x88, s3;
	s6 =	simm.s32 @!p1 $0x1082;
	[sflag:s4] =	ssyncset.s32 $0xFFFFF086  }
0x25: {  	[simem:s6], [sflag:s4] =	dma.local [hbm:s3], $0xF7A  }
0x26: {  	[smem:$0x3F85] =	sst s1;
	(tag) =	ssettag s2;
	_ =	strace s9  }
0x27: {  	s1 =	sld [smem:$0x3F95]  }
0x28: {  	s2 =	sld [smem:$0x3F96]  }
0x29: {  	s4 =	sld [smem:$0x3F98]  }
0x2a: {  	p0 =	seq.s32 s5, $0x0;
	s5 =	sld [smem:$0x3F99]  }
0x2b: {  	s6 =	sld [smem:$0x3F9A]  }
0x2c: {  	s7 =	sld [smem:$0x3F9B]  }
0x2d: {  	s3 =	simm.s32 $0x108;
	s8 =	sld [smem:$0x3F9C]  }
0x2e: {  	s3 =	simm.s32 @!p0 $0x1082;
	s9 =	sld [smem:$0x3F9D]  }
0x2f: {  	lr =	sadd.s32 s0, s3;
	s0 =	sld [smem:$0x3F94]  }
0x30: {  	s3 =	sld [smem:$0x3F97]  }
0x31: {  	[smem:$0x3FA0] =	sst s10  }
0x32: {  	s10 =	sld [smem:$0x3F9E];
	_ =	sdelay $0x3  }
0x33: {  	p0 =	seq.s32 s10, $0x1;
	s10 =	sld [smem:$0x3FA0];
	_ =	sdelay $0x3  }
0x34: {  	[smem:$0x3FA0] =	sst s10  }
0x35: {  	s10 =	sld [smem:$0x3F9F];
	_ =	sdelay $0x3  }
0x36: {  	p1 =	seq.s32 s10, $0x1;
	s10 =	sld [smem:$0x3FA0];
	_ =	sdelay $0x3  }
0x37: {  	[smem:$0x3FA0] =	sst s10  }
0x38: {  	s10 =	sld [smem:$0x3FA1]  }
0x39: {  	_ = 	snop;
	(pc) =	sbr.ind lr, $3  }
0x3a: {  	_ = 	snop  }
0x3b: {  	_ = 	snop  }
0x3c: {  	p2 =	seq.s32 s10, $0x1;
	s10 =	sld [smem:$0x3FA0]  }
0x3d: {  	_ =	shalt  }
0x3e: {  	_ =	shalt  }
0x3f: {  	_ =	shalt  }
0x40: {  	_ =	shalt  }
0x41: {  	_ =	shalt  }
0x42: {  	_ =	shalt  }
0x43: {  	_ =	shalt  }
0x44: {  	_ =	shalt  }
0x45: {  	_ =	shalt  }
0x46: {  	_ =	shalt  }
0x47: {  	_ =	shalt  }
0x48: {  	_ =	shalt  }
0x49: {  	_ =	shalt  }
0x4a: {  	_ =	shalt  }
0x4b: {  	_ =	shalt  }
0x4c: {  	_ =	shalt  }
0x4d: {  	_ =	shalt  }
0x4e: {  	_ =	shalt  }
0x4f: {  	_ =	shalt  }
0x50: {  	_ =	shalt  }
0x51: {  	_ =	shalt  }
0x52: {  	_ =	shalt  }
0x53: {  	_ =	shalt  }
0x54: {  	_ =	shalt  }
0x55: {  	_ =	shalt  }
0x56: {  	_ =	shalt  }
0x57: {  	_ =	shalt  }
0x58: {  	_ =	shalt  }
0x59: {  	_ =	shalt  }
0x5a: {  	_ =	shalt  }
0x5b: {  	_ =	shalt  }
0x5c: {  	_ =	shalt  }
0x5d: {  	_ =	shalt  }
0x5e: {  	_ =	shalt  }
0x5f: {  	_ =	shalt  }
0x60: {  	_ =	shalt  }
0x61: {  	_ =	shalt  }
0x62: {  	_ =	shalt  }
0x63: {  	_ =	shalt  }
0x64: {  	_ =	shalt  }
0x65: {  	_ =	shalt  }
0x66: {  	_ =	shalt  }
0x67: {  	_ =	shalt  }
0x68: {  	_ =	shalt  }
0x69: {  	_ =	shalt  }
0x6a: {  	_ =	shalt  }
0x6b: {  	_ =	shalt  }
0x6c: {  	_ =	shalt  }
0x6d: {  	_ =	shalt  }
0x6e: {  	_ =	shalt  }
0x6f: {  	_ =	shalt  }
0x70: {  	_ =	shalt  }
0x71: {  	_ =	shalt  }
0x72: {  	_ =	shalt  }
0x73: {  	_ =	shalt  }
0x74: {  	_ =	shalt  }
0x75: {  	_ =	shalt  }
0x76: {  	_ =	shalt  }
0x77: {  	_ =	shalt  }
0x78: {  	_ =	shalt  }
0x79: {  	_ =	shalt  }
0x7a: {  	_ =	shalt  }
0x7b: {  	_ =	shalt  }
0x7c: {  	_ =	shalt  }
0x7d: {  	_ =	shalt  }
0x7e: {  	_ =	shalt  }
0x7f: {  	_ =	shalt  }
0x80: {  	_ =	shalt  }
0x81: {  	_ =	shalt  }
0x82: {  	_ =	shalt  }
0x83: {  	_ =	shalt  }
0x84: {  	_ =	shalt  }
0x85: {  	_ =	shalt  }
0x86: {  	_ =	shalt  }
0x87: {  	_ =	shalt  }
.Lfunc_end0:
.L_simem_size_0:
called_computation_lowered:
.L_overlay_start_0:
0x88: {  	s0 =	sld [smem:$0x3FD9]  }
0x89: {  	s1 =	sld [smem:$0x3FFE];
	_ =	sdelay $0x3  }
0x8a: {  	s0 =	sadd.s32 s1, s0  }
0x8b: {  	[smem:$0x3FAC] =	sst s0  }
0x8c: {  	_ = 	snop  }
0x8d: {  	s0 =	sld [smem:$0x3FD0];
	(tm) =	ssettm $0x1  }
0x8e: {  	s16 =	sld [smem:$0x3FFB];
	_ =	sdelay $0x3  }
0x8f: {  	_ =	strace s16  }
0x90: {  	s1 =	sld [smem:$0x3FFC];
	_ =	sdelay $0x3  }
0x91: {  	_ =	strace s1  }
0x92: {  	s1 =	sld [smem:$0x3FFD];
	_ =	sdelay $0x3  }
0x93: {  	_ =	strace s1  }
0x94: {  	_ =	strace $0x8FFFFFFF  }
0x95: {  	s17 =	sld [smem:$0x3FDB];
	_ =	sdelay $0x1  }
0x96: {  	s2 =	simm.s32 $_scs_section_size  }
0x97: {  	s3 =	simm.s32 $_size__tile_overlayer_lowered;
	s4 =	simm.s32 $_tile_overlayer_lowered  }
0x98: {  	s20 =	simm.s32 $0x1BFF;
	s19 =	sshll.u32 s4, $0x1;
	s1 =	sadd.s32 s2, s17  }
0x99: {  	s5 =	simm.s32 $0x0;
	s18 =	sshll.u32 s3, $0x1;
	s3 =	sadd.s32 s19, s1  }
0x9a: {  	[timem:s5], [sflag:s20] =	dma.local [hbm:s3], s18  }
0x9b: {  	_ =	swait.ge [sflag:s20], s18  }
0x9c: {  	s2 =	ssub.s32 $0x0, s18;
	[sflag:s20] =	ssyncset.done $0x0  }
0x9d: {  	[sflag:s20] =	ssyncadd.s32 s2;
	_ =	sdelay $0x1  }
0x9e: {  	s21 =	simm.s32 $0x1B8B  }
0x9f: {  	_ =	swait.ge [sflag:s21], $0x1  }
0xa0: {  	[sflag:s21] =	ssyncset.done $0x0  }
0xa1: {  	s23 =	simm.s32 $0x1B8E;
	s22 =	sld [smem:$0x3FFE];
	[sflag:s21] =	ssyncadd.s32 $0xFFFFFFFF  }
0xa2: {  	s24 =	simm.s32 $execute0_lowered;
	[smem:$0x3FD2] =	sst s23  }
0xa3: {  	s3 =	sshll.u32 s24, $0x1;
	_ =	strace $0x80000046;
	[dreg:$0x1] =	wrdreg $0xFFFFFFFF  }
0xa4: {  	s25 =	simm.s32 $_size_execute0_lowered;
	s1 =	sadd.s32 s1, s3;
	[dreg:$0x0] =	wrdreg $0x0  }
0xa5: {  	s3 =	sshll.u32 s25, $0x1;
	[dreg:$0x2] =	wrdreg s1  }
0xa6: {  	[dreg:$0x3] =	wrdreg s3  }
0xa7: {  	[dreg:$0x4] =	wrdreg $0xC0  }
0xa8: {  	_ =	task [dreg:s5], $0x5FFFF  }
0xa9: {  	[dreg:$0x1] =	wrdreg $0xFFFFFFFF  }
0xaa: {  	[dreg:$0x0] =	wrdreg $0x60  }
0xab: {  	[dreg:$0x2] =	wrdreg s22  }
0xac: {  	[dreg:$0x3] =	wrdreg s0  }
0xad: {  	[dreg:$0x4] =	wrdreg $0x9  }
0xae: {  	_ =	task.clear_ibuf [dreg:s5], $0x5FFFF;
	_ =	strace $0x90000046  }
0xaf: {  	s26 =	simm.s32 $0x9;
	_ =	strace $0x80000048  }
0xb0: {  	_ =	swait.ge [sflag:s26], $0x1  }
0xb1: {  	[sflag:s26] =	ssyncadd.s32 $0xFFFFFFFF  }
0xb2: {  	_ =	strace $0x90000048  }
0xb3: {  	_ =	sfence  }
0xb4: {  	s28 =	sld [smem:$0x0];
	_ =	sdelay $0x1  }
0xb5: {  	s29 =	srdreg.scid  }
0xb6: {  	s30 =	sshll.u32 s29, $0xD;
	s31 =	sshrl.u32 s29, $0x2  }
0xb7: {  	s2 =	sand.u32 $0x4000, s30;
	s1 =	sand.u32 $0x1, s29;
	s0 =	sadd.s32 s31, s28  }
0xb8: {  	s1 =	sor.u32 s2, s1;
	s0 =	sshll.u32 s0, $0x11  }
0xb9: {  	s0 =	sor.u32 s0, s1  }
0xba: {  	s0 =	sadd.s32 $0x8F2B, s0  }
0xbb: {  	[sflag:s0] =	ssyncadd.remote.s32 $0x1  }
0xbc: {  	_ =	sfence.sel $0xFFFF  }
0xbd: {  	[dreg:$0x0] =	wrdreg $0xFFFFFFFF;
	(pc) =	sbr.abs _section_cstart, $3  }
0xbe: {  	[dreg:$0x1] =	wrdreg $0xFFFFFFFF  }
0xbf: {  	_ =	task.clear_ibuf [dreg:s5], $0x2FFFF;
	_ =	strace $0x9FFFFFFF  }
0xc0: {  	(tm) =	ssettm $0x7FFFFFFF  }
0xc1: {  	_ =	shalt  }
tec
execute0_lowered:
.L_overlay_start_1:
0x0: {  	(tag) =	ssettag $0x1  }
0x1: {  	s0 =	rddreg [dreg:$0x0];
	_ =	strace $0x80000047;
	s4 =	simm.s32 $0x1  }
0x2: {  	v1 =	vimm.s32 $0xFFFFFFFF;
	[sflag:s4] =	ssyncpa.u1 $0x0  }
0x3: {  	[tilespmem:$0x10] =	vst v1  }
0x4: {  	v0 =	vimm.f32 $0.0e+00;
	[tilespmem:$0x20] =	vst v1  }
0x5: {  	[tilespmem:$0x30] =	vst v0  }
0x6: {  	s2 =	simm.s32 $0x2;
	s6 =	simm.s32 $0x7;
	s26 =	stileid.u32;
	[tilespmem:$0x40] =	vst v0  }
0x7: {  	s7 =	simm.s32 $0x8;
	s31 =	simm.s32 $0x9;
	s14 =	simm.s32 $0x0;
	[tilespmem:$0x50] =	vst v0  }
0x8: {  	s15 =	simm.s32 $0x100;
	s17 =	simm.s32 $0x20FF;
	s18 =	simm.s32 $0x10;
	[tilespmem:$0x60] =	vst v1  }
0x9: {  	s19 =	simm.s32 $0x12100;
	s20 =	simm.s32 $0xF;
	s21 =	simm.s32 $0x50;
	[tilespmem:$0x70] =	vst v1  }
0xa: {  	s22 =	simm.s32 $0x80FF;
	s23 =	simm.s32 $0x20;
	s24 =	simm.s32 $0x30;
	[tilespmem:$0x80] =	vst v1  }
0xb: {  	s25 =	simm.s32 $0x100FF;
	s30 =	simm.s32 $0x0;
	s29 =	simm.s32 $0x0;
	v1 =	vimm.s32 $0x0;
	[tilespmem:$0xB0] =	vst v0  }
.Ltmp0:
0xc: {  	s1 =	sadd.s32 $0x7600, s0;
	s5 =	sadd.s32 $0x3200, s0;
	[tilespmem:$0x90] =	vst v1;
	(pc) =	sbr.rel .LBB2_1-.Ltmp0, $4  }
0xd: {  	s8 =	sshll.u32 s26, $0xD;
	s10 =	sshll.u32 s26, $0x1;
	[tilespmem:$0xA0] =	vst v1;
	[sflag:s2] =	ssyncpa.u1 $0x0  }
0xe: {  	s12 =	sshllo.u32 s26, $0x1;
	s26 =	simm.s32 $0x80;
	[sflag:s6] =	ssyncpa.u1 $0x0  }
0xf: {  	vm0 =	vmmov $0xffff;
	v2 =	vlaneseq.u32;
	s9 =	sadd.s32 $0x2000, s8;
	s11 =	sor.u32 $0x81, s10;
	[sflag:s7] =	ssyncpa.u1 $0x0  }
0x10: {  	vm1 =	vmxor vm1, vm1;
	vm2 =	vmmov $0x1;
	vm3 =	vcmask $0x3F3C;
	s13 =	sor.u32 $0x80, s10;
	s28 =	smov.u32 s8;
	[sflag:s31] =	ssyncpa.u1 $0x0  }
.LBB2_3:
0x11: {  	s0 =	sshrl.u32 s28, $0x3;
	s2 =	rddreg [dreg:$0x1]  }
0x12: {  	s31 =	sand.u32 $0x7, s28;
	s0 =	sadd.s32 s2, s0  }
0x13: {  	[tilespmem:s15], [sflag:$0x7] =	stream.linear.gather [hbm4b:s0+s31], $0x2000, $0x38;
	[tilespmem:$0x12120] =	vst v63  }
.LBB2_4:
0x14: {  	s0 =	sadd.s32 $0x2000, s28  }
0x15: {  	s2 =	smov.u32 s8;
	s29 =	sadd.s32 $0x1, s29;
	p0 =	slt.s32 s0, s9  }
0x16: {  	s2 =	smov.u32 @p0 s0;
	p0 =	sne.s32 s29, $0x4  }
.Ltmp1:
0x17: {  	_ = 	snop;
	(pc) =	sbr.rel @!p0 .LBB2_13-.Ltmp1, $2  }
0x18: {  	_ =	sdelay $0x2  }
0x19: {  	s30 =	smov.u32 s28;
	s28 =	smov.u32 s2  }
.LBB2_1:
0x1a: {  	p0 =	sgt.s32 s29, $0x1  }
.Ltmp2:
0x1b: {  	_ = 	snop;
	(pc) =	sbr.rel @p0 .LBB2_11-.Ltmp2, $1  }
0x1c: {  	_ =	sdelay $0x3  }
0x1d: {  	p0 =	seq.s32 s29, $0x0  }
.Ltmp3:
0x1e: {  	_ = 	snop;
	(pc) =	sbr.rel @p0 .LBB2_3-.Ltmp3, $1  }
0x1f: {  	_ =	sdelay $0x3  }
0x20: {  	_ =	swait.ge [sflag:s6], $0x2000  }
0x21: {  	[sflag:s6] =	ssyncset.done $0x0  }
0x22: {  	[sflag:s6] =	ssyncadd.s32 $0xFFFFE000;
	(ifvalue) =	ssetifvalue $0xFFFFFFFF;
	v3 =	vld.msk [tilespmem:s15+$0x0 ss:$0x1], $0xffff;
	_ =	sdelay $0x4  }
0x23: {  	v4 =	vperm.xlane v3, v1  }
0x24: {  	vm4 =	vlt.u32 v3, $0x1000000  }
0x25: {  	v3 =	vnsel vm4, $0xFFFFFFFE, v3;
	vm4 =	vlt.u32 v4, $0x1000000  }
0x26: {  	[tilespmem:$0x70] =	vst v3;
	v3 =	vnsel vm4, $0xFFFFFFFE, v4  }
0x27: {  	s16 =	simm.s32 $0x20F0;
	[tilespmem:$0x80] =	vst v3  }
0x28: {  	v3 =	vld.msk [tilespmem:s16+$0x0 ss:$0x1], $0xffff;
	_ =	sdelay $0x4  }
0x29: {  	(xrf1) =	vunique.msk.u32 $0xffff, v3;
	_ =	sdelay $0xd  }
0x2a: {  	v4 =	vimm.s32 $0xFFFFFFFF;
	v5, _, _ =	vpop (xrf1)  }
0x2b: {  	vm5 =	vne.s32 v3, v4;
	vm4 =	veq.s32 v5, v2  }
0x2c: {  	vm6 =	vlt.u32 v3, $0x1000000;
	vm4 =	vmand vm5, vm4  }
0x2d: {  	vm4 =	vmand vm6, vm4  }
0x2e: {  	v4 =	vnsel vm4, $0xFFFFFFFF, v3;
	_ =	sdelay $0x3  }
0x2f: {  	s0 =	simm.s32 $0x80F0;
	(ifvalue) =	ssetifvalue $0xFFFFFFFF  }
0x30: {  	v3 =	vperm.xlane v3, v1;
	[tilespmem:s0], [sflag:$0x8] =	stream.indirect_vreg.gather [hbm4b:s1+s14], $0x1, v4, vm0, $0x4038;
	v4 =	vnsel vm6, $0xFFFFFFFE, v4;
	[tilespmem:$0x12120] =	vst v63  }
0x31: {  	s2 =	simm.s32 $0x0;
	s3 =	simm.s32 $0x20E0;
	[tilespmem:s16+$0x0] =	vst v4  }
.LBB2_6:
0x32: {  	v4 =	vld.msk [tilespmem:s3+$0x0 ss:$0x1], $0xffff;
	s2 =	sadd.s32 $0x10, s2;
	v5 =	vmov v3;
	s16 =	smov.u32 s3  }
0x33: {  	p0 =	slt.u32 s2, $0x1FF0;
	_ =	sdelay $0x4  }
0x34: {  	v3 =	vperm.xlane v4, v1;
	(xrf1) =	vunique.msk.u32 $0xffff, v4;
	_ =	sdelay $0xd  }
0x35: {  	v6, _, _ =	vpop (xrf1)  }
0x36: {  	vm5 =	vne.s32 v4, v5;
	vm4 =	veq.s32 v6, v2  }
0x37: {  	vm6 =	vlt.u32 v4, $0x1000000;
	vm4 =	vmand vm5, vm4  }
0x38: {  	vm4 =	vmand vm6, vm4  }
0x39: {  	v4 =	vnsel vm4, $0xFFFFFFFF, v4  }
.Ltmp4:
0x3a: {  	v5 =	vnsel vm6, $0xFFFFFFFE, v4;
	(pc) =	sbr.rel @p0 .LBB2_6-.Ltmp4, $3  }
0x3b: {  	_ =	sdelay $0x1  }
0x3c: {  	s3 =	sadd.s32 $0xFFFFFFF0, s3;
	s0 =	sadd.s32 $0xFFFFFFF0, s0;
	(ifvalue) =	ssetifvalue $0xFFFFFFFF  }
0x3d: {  	[tilespmem:s0], [sflag:$0x8] =	stream.indirect_vreg.gather [hbm4b:s1+s14], $0x1, v4, vm0, $0x4038;
	[tilespmem:s16+$0x0] =	vst v5  }
.Ltmp5:
0x3e: {  	(pc) =	sbr.rel .LBB2_4-.Ltmp5, $4  }
0x3f: {  	_ = 	snop  }
0x40: {  	s0 =	sshrl.u32 s30, $0x3  }
0x41: {  	s2 =	simm.s32 $0xA100;
	s0 =	sadd.s32 s5, s0  }
0x42: {  	[tilespmem:s2], [sflag:$0x8] =	stream.linear.gather [hbm:s0], $0x2000, $0x38;
	[tilespmem:$0x12120] =	vst v63  }
.LBB2_11:
0x43: {  	p0 =	seq.s32 s29, $0x2  }
.Ltmp6:
0x44: {  	_ = 	snop;
	(pc) =	sbr.rel @!p0 .LBB2_12-.Ltmp6, $1  }
0x45: {  	_ =	sdelay $0x3  }
0x46: {  	_ =	swait.ge [sflag:s7], $0x4000  }
0x47: {  	[sflag:s7] =	ssyncset.done $0x0  }
0x48: {  	[sflag:s7] =	ssyncadd.s32 $0xFFFFC000  }
0x49: {  	[spmem:s11] =	stream.linear.scatter [tilespmem:s17], [sflag:$0x1], $0x1, $0x38;
	[tilespmem:$0x12120] =	vst v63  }
0x4a: {  	_ =	swait.ge [sflag:s4], $0x1  }
0x4b: {  	[sflag:s4] =	ssyncset.done $0x0  }
0x4c: {  	[sflag:s4] =	ssyncadd.s32 $0xFFFFFFFF  }
0x4d: {  	v4 =	vld [tilespmem:$0x10]  }
0x4e: {  	v5 =	vld [tilespmem:$0x70]  }
0x4f: {  	v3 =	vld [tilespmem:$0x80];
	_ =	sdelay $0x2  }
0x50: {  	(v2sf) =	vpush v4, $0x0  }
0x51: {  	(v2sf) =	vpush v5, $0x0  }
0x52: {  	(v2sf) =	vpush v3, $0x0;
	_ =	sdelay $0xc  }
0x53: {  	s0 =	spop (v2sf)  }
0x54: {  	s2 =	spop (v2sf)  }
0x55: {  	s30 =	spop (v2sf)  }
0x56: {  	p0 =	seq.s32 s0, s2;
	p1 =	seq.s32 s30, s0  }
0x57: {  	p1 =	por p0, p1  }
0x58: {  	v4 =	vpsel p1, $0xFFFFFFFF, v4  }
0x59: {  	[tilespmem:s18+$0x0] =	vst.msk $0x1, v4  }
0x5a: {  	v4 =	vld [tilespmem:$0x30]  }
0x5b: {  	v5 =	vld [tilespmem:$0xA100]  }
0x5c: {  	v6 =	vld [tilespmem:$0x40];
	_ =	sdelay $0x3  }
0x5d: {  	vm4 =	vmmov vm1;
	v5 =	vadd.f32 v5, v4  }
0x5e: {  	vm5 =	vmmov vm2;
	s31 =	simm.s32 $0xA100;
	vm4 =	vmmov @p0 vm2;
	v4 =	vadd.f32 v6, v4  }
0x5f: {  	vm5 =	vmmov @p1 vm1;
	[tilespmem:s31+$0x0] =	vst.msk vm4, v5  }
0x60: {  	[tilespmem:s19+$0x0] =	vst.msk vm5, v4  }
0x61: {  	v4 =	vld [tilespmem:$0x80F0];
	_ =	sdelay $0x3  }
0x62: {  	v5 =	vimm.f32 $0.0e+00  }
0x63: {  	v4 =	vshift.insert v4, v5, s20;
	_ =	sdelay $0x1  }
0x64: {  	[tilespmem:s21+$0x0] =	vst.msk $0x1, v4  }
0x65: {  	[tilespmem:s22+$0x0] =	vst.msk $0x1, v5  }
0x66: {  	v4 =	vld [tilespmem:$0x20F0];
	_ =	sdelay $0x4  }
0x67: {  	v4 =	vshift.insert v4, v1, s20;
	_ =	sdelay $0x1  }
0x68: {  	[tilespmem:s23+$0x0] =	vst.msk $0x1, v4  }
0x69: {  	s16 =	simm.s32 $0x100;
	v6 =	vld [tilespmem:s31+$0x0]  }
0x6a: {  	v7 =	vld [tilespmem:s16+$0x0];
	_ =	sdelay $0x3  }
0x6b: {  	v5 =	vadd.f32 v6, v5  }
0x6c: {  	vm4 =	vne.s32 v7, $0xFFFFFFFF  }
0x6d: {  	(xrf2) =	vadd.seg.scan.f32 vm4, v5;
	_ =	sdelay $0x3  }
0x6e: {  	s0 =	simm.s32 $0x6100;
	v5 =	vperm.xlane v4, v1  }
0x6f: {  	v6 =	vld [tilespmem:s0+$0x0]  }
0x70: {  	vm5 =	veq.s32 v7, v3;
	vm6 =	veq.s32 v7, v5  }
0x71: {  	vm7 =	vgt.u32 v7, $0xFFFFFFFD;
	vm6 =	vmor vm6, vm5  }
0x72: {  	vm6 =	vmor vm6, vm7  }
0x73: {  	v9 =	vld [tilespmem:$0xA0];
	v7 =	vsel vm6, $0xFFFFFFFF, v7  }
0x74: {  	v10 =	vld [tilespmem:$0x90];
	v6 =	vsel vm5, $0x0, v6;
	v8, _, _ =	vpop (xrf2)  }
0x75: {  	v6 =	vadd.f32 v8, v6  }
0x76: {  	s2 =	simm.s32 $0xE100  }
0x77: {  	vm4 =	vmand vm4, vm3;
	[tilespmem:s2+$0x0] =	vst v6;
	(ifvalue) =	ssetifvalue $0xFFFFFFFF  }
0x78: {  	vm6 =	veq.s32 v9, $0x1;
	[hbm4b:s1+s14] =	stream.indirect_vreg.scatter [tilespmem:s2], [sflag:$0x2], $0x1, v7, vm0, $0x4038;
	v7 =	vsel vm4, $0x0, v8;
	[tilespmem:$0x12120] =	vst v63  }
0x79: {  	s3 =	simm.s32 $0x0;
	s16 =	simm.s32 $0x110;
	vm4 =	vmor vm6, vm5;
	v6 =	vsel vm5, v8, v10;
	v7 =	vshift.insert v7, v0, s20  }
.LBB2_9:
0x7a: {  	v8 =	vld [tilespmem:s16+$0x0];
	s31 =	sadd.s32 $0x10, s31  }
0x7b: {  	s0 =	sadd.s32 $0x10, s0;
	v9 =	vld [tilespmem:s31+$0x0]  }
0x7c: {  	s3 =	sadd.s32 $0x10, s3;
	v10 =	vld [tilespmem:s0+$0x0]  }
0x7d: {  	p0 =	slt.u32 s3, $0x1FF0;
	_ =	sdelay $0x2  }
0x7e: {  	v7 =	vadd.f32 v9, v7  }
0x7f: {  	vm5 =	vne.s32 v8, $0xFFFFFFFF  }
0x80: {  	vm6 =	vmand vm5, vm3;
	(xrf2) =	vadd.seg.scan.f32 vm5, v7;
	_ =	sdelay $0x5  }
0x81: {  	vm7 =	veq.s32 v8, v5;
	vm5 =	veq.s32 v8, v3  }
0x82: {  	vm8 =	vgt.u32 v8, $0xFFFFFFFD;
	vm4 =	vmor vm4, vm5;
	vm7 =	vmor vm7, vm5  }
0x83: {  	vm7 =	vmor vm7, vm8  }
0x84: {  	v8 =	vsel vm7, $0xFFFFFFFF, v8  }
.Ltmp7:
0x85: {  	v7 =	vsel vm5, $0x0, v10;
	v9, _, _ =	vpop (xrf2);
	(pc) =	sbr.rel @p0 .LBB2_9-.Ltmp7, $4  }
0x86: {  	v6 =	vsel vm5, v9, v6;
	v10 =	vadd.f32 v9, v7;
	v7 =	vsel vm6, $0x0, v9  }
0x87: {  	s2 =	sadd.s32 $0x10, s2;
	v7 =	vshift.insert v7, v0, s20  }
0x88: {  	s16 =	sadd.s32 $0x10, s16;
	[tilespmem:s2+$0x0] =	vst v10;
	(ifvalue) =	ssetifvalue $0xFFFFFFFF  }
0x89: {  	[hbm4b:s1+s14] =	stream.indirect_vreg.scatter [tilespmem:s2], [sflag:$0x2], $0x1, v8, vm0, $0x4038;
	[tilespmem:$0x12120] =	vst v63  }
0x8a: {  	v3 =	vld [tilespmem:$0x100F0];
	_ =	sdelay $0x4  }
0x8b: {  	v3 =	vshift.insert v3, v0, s20;
	_ =	sdelay $0x1  }
0x8c: {  	[tilespmem:s24+$0x0] =	vst.msk $0x1, v3  }
0x8d: {  	v3 =	vsel vm4, $0x1, v1;
	[tilespmem:$0x90] =	vst v6  }
0x8e: {  	[tilespmem:$0xA0] =	vst v3  }
0x8f: {  	[spmem:s12] =	stream.linear.scatter [tilespmem:s25], [sflag:$0x1], $0x1, $0x38;
	[tilespmem:$0x12120] =	vst v63  }
0x90: {  	v3 =	vmctz.xlane vm4;
	_ =	swait.ge [sflag:s4], $0x1  }
0x91: {  	(v2sf) =	vpush v4, $0x0  }
0x92: {  	(v2sf) =	vpush v3, $0x0;
	_ =	sdelay $0xd  }
0x93: {  	s0 =	spop (v2sf)  }
0x94: {  	s2 =	spop (v2sf)  }
0x95: {  	[sflag:s4] =	ssyncset.done $0x0;
	p0 =	sne.s32 s30, s0;
	p1 =	slt.s32 s2, $0xF  }
0x96: {  	[sflag:s4] =	ssyncadd.s32 $0xFFFFFFFF;
	v3 =	vimm.s32 @!p0 $0xFFFFFFFF;
	s2 =	simm.s32 @!p1 $0xF  }
0x97: {  	[tilespmem:$0x80] =	vst @!p0 v3;
	s31 =	sadd.s32 $0x90, s2  }
0x98: {  	[spmem:s10] =	stream.linear.scatter [tilespmem:s31], [sflag:$0x1], $0x1, $0x38;
	[tilespmem:$0x12120] =	vst v63  }
0x99: {  	_ =	swait.ge [sflag:s4], $0x1  }
0x9a: {  	[sflag:s4] =	ssyncset.done $0x0  }
0x9b: {  	[sflag:s4] =	ssyncadd.s32 $0xFFFFFFFF  }
0x9c: {  	[spmem:s13] =	stream.linear.scatter [tilespmem:s26], [sflag:$0x1], $0x1, $0x38;
	[tilespmem:$0x12120] =	vst v63  }
0x9d: {  	_ =	swait.ge [sflag:s4], $0x1  }
0x9e: {  	[sflag:s4] =	ssyncset.done $0x0  }
0x9f: {  	[sflag:s4] =	ssyncadd.s32 $0xFFFFFFFF;
	(ifvalue) =	ssetifvalue $0xFFFFFFFF;
	v3 =	vld [tilespmem:$0x10];
	_ =	sdelay $0x3  }
.Ltmp8:
0xa0: {  	_ = 	snop;
	(pc) =	sbr.rel .LBB2_4-.Ltmp8, $3  }
0xa1: {  	_ =	sdelay $0x1  }
0xa2: {  	(ifvalue) =	ssetifvalue $0xFFFFFFFF  }
0xa3: {  	[hbm4b:s1+s14] =	stream.indirect_vreg.scatter [tilespmem:s19], [sflag:$0x9], $0x1, v3, vm0, $0x4038;
	[tilespmem:$0x12120] =	vst v63  }
.LBB2_12:
0xa4: {  	s0 =	simm.s32 $0x2  }
0xa5: {  	_ =	swait.ge [sflag:s0], $0x2000  }
0xa6: {  	[sflag:s0] =	ssyncset.done $0x0  }
0xa7: {  	s31 =	simm.s32 $0x9;
	[sflag:s0] =	ssyncadd.s32 $0xFFFFE000  }
0xa8: {  	_ =	swait.ge [sflag:s31], $0x10  }
0xa9: {  	[sflag:s31] =	ssyncset.done $0x0  }
0xaa: {  	[sflag:s31] =	ssyncadd.s32 $0xFFFFFFF0  }
.LBB2_13:
0xab: {  	_ =	sfence.sel $0x180000  }
0xac: {  	s0 =	simm.s32 $0x7;
	[bflag:$0x0] =	sbarrier.arrive $0xFFFF  }
0xad: {  	s26 =	simm.s32 $0x8;
	[sflag:s0] =	ssyncpa.u1 $0x1  }
0xae: {  	s28 =	simm.s32 $0x9;
	[sflag:s26] =	ssyncpa.u1 $0x1  }
0xaf: {  	[sflag:s28] =	ssyncpa.u1 $0x1  }
0xb0: {  	_ =	sfence.stream.spmem  }
0xb1: {  	s29 =	simm.s32 $0x3;
	[bflag:$0x0] =	sbarrier.arrive $0xFFFF  }
0xb2: {  	s30 =	simm.s32 $0x4;
	[sflag:s29] =	ssyncpa.u1 $0x1  }
0xb3: {  	s31 =	simm.s32 $0x3C;
	s2 =	stileid.u32;
	[sflag:s30] =	ssyncpa.u1 $0x1  }
0xb4: {  	p0 =	sne.s32 s2, $0x0;
	[sflag:s31] =	ssyncpa.u1 $0x1  }
0xb5: {  	s0 =	simm.s32 @p0 $0x1;
	_ =	sfence @p0  }
0xb6: {  	[sflag:s0] =	ssyncpa.u1 @p0 $0x1;
	s0 =	simm.s32 @p0 $0x2  }
0xb7: {  	[sflag:s0] =	ssyncpa.u1 @p0 $0x1  }
0xb8: {  	_ =	strace @p0 $0x90000047  }
0xb9: {  	[bflag:$0x2] =	sbarrier.arrive @p0 $0xFFFF  }
0xba: {  	_ =	shalt @p0  }
.LBB2_14:
0xbb: {  	_ =	sfence.stream.spmem;
	s0 =	simm.s32 $0x5  }
0xbc: {  	s2 =	simm.s32 $0x80;
	s3 =	simm.s32 $0xC0;
	[sflag:s0] =	ssyncpa.u1 $0x0  }
0xbd: {  	[tilespmem:s3], [sflag:$0x5] =	stream.linear.gather [spmem:s2], $0x20, $0x38;
	[tilespmem:$0x12120] =	vst v63  }
0xbe: {  	s2 =	simm.s32 $0x0;
	s3 =	simm.s32 $0xE0  }
0xbf: {  	[tilespmem:s3], [sflag:$0x5] =	stream.linear.gather [spmem:s2], $0x20, $0x38;
	[tilespmem:$0x12120] =	vst v63  }
.Ltmp9:
0xc0: {  	_ = 	snop;
	(pc) =	sbr.rel .LBB2_15-.Ltmp9, $4  }
0xc1: {  	_ =	swait.ge [sflag:s0], $0x40  }
0xc2: {  	[sflag:s0] =	ssyncset.done $0x0  }
0xc3: {  	s31 =	simm.s32 $0x6;
	[sflag:s0] =	ssyncadd.s32 $0xFFFFFFC0  }
0xc4: {  	s4 =	simm.s32 $0x0;
	[sflag:s31] =	ssyncpa.u1 $0x0  }
.LBB2_20:
0xc5: {  	p0 =	sgt.u32 s0, $0xFFFFFF  }
0xc6: {  	s5 =	sshrl.u32 @!p0 s0, $0x3  }
0xc7: {  	s0 =	sand.u32 @!p0 $0x7, s0;
	s6 =	simm.s32 @!p0 $0xB0;
	s5 =	sadd.s32 @!p0 s1, s5  }
0xc8: {  	[tilespmem:s6], [sflag:$0x6] =	stream.linear.gather @!p0 [hbm4b:s5+s0], $0x1, $0x38;
	[tilespmem:$0x12120] =	vst v63  }
0xc9: {  	s0 =	simm.s32 @!p0 $0x6  }
0xca: {  	_ =	swait.ge @!p0 [sflag:s0], $0x1  }
0xcb: {  	[sflag:s0] =	ssyncset.done @!p0 $0x0  }
0xcc: {  	[sflag:s0] =	ssyncadd.s32 @!p0 $0xFFFFFFFF  }
0xcd: {  	v2 =	vmov @!p0 s4;
	v1 =	vld.msk @!p0 [tilespmem:$0xB0], $0x1;
	_ =	sdelay $0x3  }
0xce: {  	s0 =	simm.s32 @!p0 $0xE0  }
0xcf: {  	[tilespmem:v2+s0+$0x0], v1 =	vst.idx.ret.add.f32.msk @!p0 $0x1, v1  }
0xd0: {  	[tilespmem:s2+$0xC0] =	vst.msk $0x1, v0  }
0xd1: {  	v0 =	vld.msk [tilespmem:s4+$0xE0], $0x1;
	_ =	sdelay $0x4  }
0xd2: {  	[tilespmem:s2+$0xE0] =	vst.msk $0x1, v0;
	s2 =	sadd.s32 $0x1, s2  }
.LBB2_22:
0xd3: {  	s4 =	sadd.s32 $0x1, s4  }
0xd4: {  	p0 =	sne.s32 s4, $0x20  }
.Ltmp10:
0xd5: {  	_ = 	snop;
	(pc) =	sbr.rel @!p0 .LBB2_23-.Ltmp10, $1  }
0xd6: {  	_ =	sdelay $0x3  }
.LBB2_15:
0xd7: {  	v0 =	vld.msk [tilespmem:s4+$0xC0], $0x1;
	_ =	sdelay $0x4  }
0xd8: {  	(v2sf) =	vpush v0, $0x0;
	_ =	sdelay $0xe  }
0xd9: {  	s0 =	spop (v2sf)  }
0xda: {  	p0 =	seq.s32 s0, $0xFFFFFFFF  }
.Ltmp11:
0xdb: {  	_ = 	snop;
	(pc) =	sbr.rel @p0 .LBB2_22-.Ltmp11, $1  }
0xdc: {  	_ =	sdelay $0x3  }
0xdd: {  	p0 =	slt.s32 s2, $0x1  }
.Ltmp12:
0xde: {  	_ = 	snop;
	(pc) =	sbr.rel @p0 .LBB2_20-.Ltmp12, $1  }
0xdf: {  	_ =	sdelay $0x3  }
0xe0: {  	s5 =	simm.s32 $0xC0;
	p0 =	por $0x0, $0x0  }
0xe1: {  	v1 =	vld.msk @!p0 [tilespmem:s5+$0x0], $0x1;
	_ =	sdelay $0x4  }
0xe2: {  	(v2sf) =	vpush @!p0 v1, $0x0;
	_ =	sdelay $0xd  }
0xe3: {  	p2 =	sne.s32 s2, $0x1  }
.Ltmp13:
0xe4: {  	s6 =	spop @!p0 (v2sf);
	(pc) =	sbr.rel @!p2 .LBB2_19-.Ltmp13, $4  }
0xe5: {  	p1 =	seq.s32 @!p0 s0, s6  }
0xe6: {  	s6 =	simm.s32 $0x0;
	p1 =	por !p1, p0  }
0xe7: {  	s8 =	simm.s32 $0xFFFFFFFF;
	s6 =	simm.s32 @p1 $0xFFFFFFFF  }
0xe8: {  	s7 =	simm.s32 $0x1;
	s6 =	smov.u32 @p0 s8  }
.LBB2_18:
0xe9: {  	s8 =	smov.u32 s6;
	p0 =	sne.s32 s6, $0xFFFFFFFF  }
0xea: {  	s5 =	sadd.s32 $0x1, s5;
	s6 =	smov.u32 s7;
	s7 =	sadd.s32 $0x1, s7  }
0xeb: {  	p1 =	sne.s32 s2, s7;
	v1 =	vld.msk @!p0 [tilespmem:s5+$0x0], $0x1;
	_ =	sdelay $0x4  }
0xec: {  	(v2sf) =	vpush @!p0 v1, $0x0;
	_ =	sdelay $0xe  }
.Ltmp14:
0xed: {  	s9 =	spop @!p0 (v2sf);
	(pc) =	sbr.rel @p1 .LBB2_18-.Ltmp14, $4  }
0xee: {  	p2 =	seq.s32 @!p0 s0, s9  }
0xef: {  	p2 =	por !p2, p0  }
0xf0: {  	s6 =	simm.s32 @p2 $0xFFFFFFFF  }
0xf1: {  	s6 =	smov.u32 @p0 s8  }
.LBB2_19:
0xf2: {  	p0 =	sne.s32 s6, $0xFFFFFFFF  }
.Ltmp15:
0xf3: {  	_ = 	snop;
	(pc) =	sbr.rel @!p0 .LBB2_20-.Ltmp15, $1  }
0xf4: {  	_ =	sdelay $0x3  }
0xf5: {  	v0 =	vld.msk [tilespmem:s4+$0xE0], $0x1;
	v1 =	vmov s6  }
.Ltmp16:
0xf6: {  	_ = 	snop;
	(pc) =	sbr.rel .LBB2_22-.Ltmp16, $2  }
0xf7: {  	_ =	sdelay $0x2  }
0xf8: {  	[tilespmem:v1+s3+$0x0], v0 =	vst.idx.ret.add.f32.msk $0x1, v0  }
.LBB2_23:
0xf9: {  	p0 =	slt.s32 s2, $0x1  }
.Ltmp17:
0xfa: {  	_ = 	snop;
	(pc) =	sbr.rel @p0 .LBB2_27-.Ltmp17, $3  }
0xfb: {  	_ =	sdelay $0x1  }
0xfc: {  	s0 =	simm.s32 $0x6  }
0xfd: {  	[sflag:s0] =	ssyncpa.u1 $0x1;
	s0 =	simm.s32 $0x0  }
0xfe: {  	s3 =	simm.s32 $0xC0  }
0xff: {  	v0 =	vld.msk [tilespmem:s3+$0x0], $0x1;
	_ =	sdelay $0x4  }
0x100: {  	(v2sf) =	vpush v0, $0x0;
	_ =	sdelay $0xe  }
0x101: {  	s2 =	sadd.s32 $0xFFFFFFFF, s2;
	s4 =	spop (v2sf)  }
0x102: {  	p1 =	sne.s32 s2, $0x0;
	p0 =	sgt.u32 s4, $0xFFFFFF  }
.Ltmp18:
0x103: {  	s5 =	sshrl.u32 @!p0 s4, $0x3;
	(pc) =	sbr.rel @!p1 .LBB2_26-.Ltmp18, $4  }
0x104: {  	s3 =	simm.s32 $0xE0;
	s4 =	sand.u32 @!p0 $0x7, s4;
	s5 =	sadd.s32 @!p0 s1, s5  }
0x105: {  	[hbm4b:s5+s4] =	stream.linear.scatter @!p0 [tilespmem:s3], [sflag:$0x5], $0x1, $0x38;
	[tilespmem:$0x12120] =	vst v63  }
0x106: {  	s5 =	simm.s32 $0x0  }
0x107: {  	s4 =	simm.s32 $0xC1;
	s5 =	simm.s32 @!p0 $0x4  }
.LBB2_25:
0x108: {  	v0 =	vld.msk [tilespmem:s4+$0x0], $0x1;
	s2 =	sadd.s32 $0xFFFFFFFF, s2;
	s0 =	sadd.s32 s0, s5  }
0x109: {  	p0 =	sne.s32 s2, $0x0;
	_ =	sdelay $0x3  }
0x10a: {  	(v2sf) =	vpush v0, $0x0;
	_ =	sdelay $0xe  }
.Ltmp19:
0x10b: {  	s6 =	spop (v2sf);
	(pc) =	sbr.rel @p0 .LBB2_25-.Ltmp19, $4  }
0x10c: {  	s5 =	simm.s32 $0x0;
	p1 =	sgt.u32 s6, $0xFFFFFF  }
0x10d: {  	s3 =	sadd.s32 $0x1, s3;
	s5 =	simm.s32 @!p1 $0x4;
	s7 =	sshrl.u32 @!p1 s6, $0x3  }
0x10e: {  	s4 =	sadd.s32 $0x1, s4;
	s6 =	sand.u32 @!p1 $0x7, s6;
	s7 =	sadd.s32 @!p1 s1, s7  }
0x10f: {  	[hbm4b:s7+s6] =	stream.linear.scatter @!p1 [tilespmem:s3], [sflag:$0x5], $0x1, $0x38;
	[tilespmem:$0x12120] =	vst v63  }
.LBB2_26:
0x110: {  	s0 =	sadd.s32 s0, s5  }
0x111: {  	s0 =	sshrl.u32 s0, $0x2  }
.LBB2_27:
0x112: {  	s1 =	simm.s32 $0x5  }
0x113: {  	_ =	swait.ge [sflag:s1], s0  }
0x114: {  	s28 =	ssub.s32 $0x0, s0;
	[sflag:s1] =	ssyncset.done $0x0  }
0x115: {  	[sflag:s1] =	ssyncadd.s32 s28  }
0x116: {  	[sflag:s1] =	ssyncpa.u1 $0x1  }
0x117: {  	s29 =	simm.s32 $0x1;
	_ =	sfence  }
0x118: {  	s30 =	simm.s32 $0x2;
	[sflag:s29] =	ssyncpa.u1 $0x1  }
0x119: {  	[sflag:s30] =	ssyncpa.u1 $0x1  }
0x11a: {  	_ =	strace $0x90000047  }
0x11b: {  	[bflag:$0x2] =	sbarrier.arrive $0xFFFF  }
0x11c: {  	s31 =	rddreg [dreg:$0x2]  }
0x11d: {  	s0 =	sadd.s32 $0x100000, s31  }
0x11e: {  	[sflag:s0] =	ssyncadd.tile.s32 $0x1;
	_ =	shalt  }
.Lfunc_end2:
_tile_overlayer_lowered:
.L_overlay_start_2:
0x11f: {  	(tag) =	ssettag $0x2  }
0x120: {  	s0 =	rddreg [dreg:$0x0];
	s2 =	stileid.u32  }
0x121: {  	s1 =	rddreg [dreg:$0x1];
	p0 =	sne.s32 s2, $0x0  }
0x122: {  	s3 =	rddreg [dreg:$0x2];
	[bflag:$0x3] =	sbarrier.arrive $0xFFFF;
	s2 =	simm.s32 @!p0 $0x1C01  }
0x123: {  	[timem:s3], [sflag:s2] =	dma.local @!p0 [hbm:s0], s1  }
0x124: {  	s0 =	simm.s32 @!p0 $0x1  }
0x125: {  	_ =	swait.ge @!p0 [sflag:s0], s1  }
0x126: {  	s1 =	ssub.s32 @!p0 $0x0, s1;
	[sflag:s0] =	ssyncset.done @!p0 $0x0  }
0x127: {  	[sflag:s0] =	ssyncadd.s32 @!p0 s1  }
0x128: {  	[bflag:$0x3] =	sbarrier.arrive $0xFFFF  }
0x129: {  	_ =	shalt  }

</sc_bundles>
